<compile_context>
chip_gen: v7x
topology: tpu7x:2x2x1
jax: 0.10.2.dev20260603
libtpu: 0.0.44.dev20260713+nightly
codegen_flags: <defaults>
</compile_context>

<pallas_src>
import functools

import jax
import jax.numpy as jnp
from jax import lax
from jax.experimental import pallas as pl
from jax.experimental.pallas import tpu as pltpu
from jax.experimental.pallas import tpu_sc as plsc

_N = 10000
_E = 320000
_H = 128
_NG = 8

_NC = 2
_NS = 16
_NW = _NC * _NS
_CHUNK = 128
_EPT = 10240
_NCHUNKS = _EPT // _CHUNK
_EPAD = _EPT * _NW
_NPAD = 10240
_RPT = _NPAD // _NS

_K0 = 144
_K1 = 16

_BLK = 400
_NBLK = _N // _BLK

def _mesh():
  return plsc.VectorSubcoreMesh(core_axis_name="c", subcore_axis_name="s",
                                num_cores=_NC, num_subcores=_NS)



def _sc_degree(idx2, ones128, zeros128):

  @functools.partial(
      pl.kernel,
      mesh=_mesh(),
      out_type=jax.ShapeDtypeStruct((_NC * _NPAD, _H), jnp.float32),
      scratch_types=[
          pltpu.VMEM((2, _CHUNK), jnp.int32),
          pltpu.VMEM((2, _CHUNK), jnp.int32),
          pltpu.VMEM((_CHUNK, _H), jnp.float32),
          pltpu.VMEM_SHARED((_NPAD, _H), jnp.float32),
          pltpu.SemaphoreType.DMA,
          pltpu.SemaphoreType.DMA,
      ],
  )
  def k(idx_hbm, ones_hbm, zeros_hbm, out_hbm, i0, i1, ones_v, acc, s0, s1):
    c = lax.axis_index("c")
    s = lax.axis_index("s")
    pltpu.sync_copy(zeros_hbm, acc.at[pl.ds(s * _RPT, _RPT)])
    pltpu.sync_copy(ones_hbm, ones_v)
    plsc.subcore_barrier()
    bch = (c * _NS + s) * _NCHUNKS
    ii = (i0, i1)
    ss = (s0, s1)

    pltpu.async_copy(idx_hbm.at[bch], i0, s0).wait()
    pltpu.async_copy(idx_hbm.at[bch + 1], i1, s1)

    @pl.loop(0, _NCHUNKS // 2)
    def _(p):
      for b in range(2):
        ch = 2 * p + b
        ib, inx = ii[b], ii[1 - b]
        pltpu.sync_copy(ones_v, acc.at[ib.at[1]], add=True)

        @pl.when(ch + 2 < _NCHUNKS)
        def _():
          pltpu.async_copy(idx_hbm.at[bch + ch + 2], ib, ss[b])

        @pl.when(ch + 1 < _NCHUNKS)
        def _():
          pltpu.make_async_copy(idx_hbm.at[bch], inx, ss[1 - b]).wait()

    plsc.subcore_barrier()
    row0 = c * _NPAD + s * _RPT
    pltpu.sync_copy(acc.at[pl.ds(s * _RPT, _RPT)], out_hbm.at[pl.ds(row0, _RPT)])

  return k(idx2, ones128, zeros128)


def _sc_scatter(g, idx2, src_pad, dst_pad, zeros128):

  @functools.partial(
      pl.kernel,
      mesh=_mesh(),
      out_type=jax.ShapeDtypeStruct((_NC * _NPAD, _H), jnp.float32),
      scratch_types=[
          pltpu.VMEM((2, _CHUNK), jnp.int32),
          pltpu.VMEM((2, _CHUNK), jnp.int32),
          pltpu.VMEM((_CHUNK,), jnp.int32),
          pltpu.VMEM((_CHUNK,), jnp.int32),
          pltpu.VMEM((_CHUNK, _H), jnp.float32),
          pltpu.VMEM((_CHUNK, _H), jnp.float32),
          pltpu.VMEM_SHARED((_NPAD, _H), jnp.float32),
          pltpu.SemaphoreType.DMA,
          pltpu.SemaphoreType.DMA,
          pltpu.SemaphoreType.DMA,
          pltpu.SemaphoreType.DMA,
      ],
  )
  def k(g_hbm, idx_hbm, src_hbm, dst_hbm, zeros_hbm, out_hbm,
        i0, i1, sidx, didx, r0, r1, acc, si0, si1, sg0, sg1):
    c = lax.axis_index("c")
    s = lax.axis_index("s")
    pltpu.sync_copy(zeros_hbm, acc.at[pl.ds(s * _RPT, _RPT)])
    plsc.subcore_barrier()

    @pl.when(c == 0)
    def _():
      bch = s * _K0
      ii = (i0, i1)
      rr = (r0, r1)
      si = (si0, si1)
      sg = (sg0, sg1)
      pltpu.async_copy(idx_hbm.at[bch], i0, si0).wait()
      pltpu.async_copy(idx_hbm.at[bch + 1], i1, si1)
      pltpu.async_copy(g_hbm.at[i0.at[0]], r0, sg0)

      @pl.loop(0, (_K0 - 2) // 2)
      def _(p):
        ch0 = 2 * p
        for b in range(2):
          ib, inx = ii[b], ii[1 - b]
          rn, rx = rr[b], rr[1 - b]
          pltpu.make_async_copy(idx_hbm.at[bch], inx, si[1 - b]).wait()
          pltpu.async_copy(g_hbm.at[inx.at[0]], rx, sg[1 - b])
          pltpu.make_async_copy(g_hbm.at[ib.at[0]], rn, sg[b]).wait()
          pltpu.sync_copy(rn, acc.at[ib.at[1]], add=True)
          pltpu.async_copy(idx_hbm.at[bch + ch0 + b + 2], ib, si[b])

      pltpu.make_async_copy(idx_hbm.at[bch], i1, si1).wait()
      pltpu.async_copy(g_hbm.at[i1.at[0]], r1, sg1)
      pltpu.make_async_copy(g_hbm.at[i0.at[0]], r0, sg0).wait()
      pltpu.sync_copy(r0, acc.at[i0.at[1]], add=True)
      pltpu.make_async_copy(g_hbm.at[i1.at[0]], r1, sg1).wait()
      pltpu.sync_copy(r1, acc.at[i1.at[1]], add=True)

    if _K1:
      @pl.when(c == 1)
      def _():
        base = (_NS * _K0 + s * _K1) * _CHUNK

        @pl.loop(0, _K1)
        def _(ch):
          off = base + ch * _CHUNK
          pltpu.sync_copy(src_hbm.at[pl.ds(off, _CHUNK)], sidx)
          pltpu.sync_copy(dst_hbm.at[pl.ds(off, _CHUNK)], didx)
          pltpu.async_copy(g_hbm.at[sidx], r0, sg0).wait()
          pltpu.sync_copy(r0, acc.at[didx], add=True)

    plsc.subcore_barrier()
    row0 = c * _NPAD + s * _RPT
    pltpu.sync_copy(acc.at[pl.ds(s * _RPT, _RPT)], out_hbm.at[pl.ds(row0, _RPT)])

  return k(g, idx2, src_pad, dst_pad, zeros128)



def _mm_body(x_ref, w_ref, o_ref):
  o_ref[...] = jnp.dot(x_ref[...], w_ref[...], preferred_element_type=jnp.float32)


def _matmul(x, w):
  return pl.pallas_call(
      _mm_body,
      grid=(_NBLK,),
      in_specs=[
          pl.BlockSpec((_BLK, x.shape[1]), lambda i: (i, 0)),
          pl.BlockSpec(w.shape, lambda i: (0, 0)),
      ],
      out_specs=pl.BlockSpec((_BLK, w.shape[1]), lambda i: (i, 0)),
      out_shape=jax.ShapeDtypeStruct((_N, w.shape[1]), jnp.float32),
      compiler_params=pltpu.CompilerParams(dimension_semantics=("parallel",)),
  )(x, w)


def _post1_body(h_ref, p0_ref, p1_ref, dinv_ref, g_ref):
  deg = p0_ref[...] + p1_ref[...] + 1.0
  dinv = lax.rsqrt(deg)
  dinv_ref[...] = dinv
  g_ref[...] = h_ref[...] * dinv


def _post1(h1, p0, p1):
  return pl.pallas_call(
      _post1_body,
      grid=(_NBLK,),
      in_specs=[
          pl.BlockSpec((_BLK, _H), lambda i: (i, 0)),
          pl.BlockSpec((_BLK, 1), lambda i: (i, 0)),
          pl.BlockSpec((_BLK, 1), lambda i: (i, 0)),
      ],
      out_specs=[
          pl.BlockSpec((_BLK, 1), lambda i: (i, 0)),
          pl.BlockSpec((_BLK, _H), lambda i: (i, 0)),
      ],
      out_shape=[
          jax.ShapeDtypeStruct((_N, 1), jnp.float32),
          jax.ShapeDtypeStruct((_N, _H), jnp.float32),
      ],
      compiler_params=pltpu.CompilerParams(dimension_semantics=("parallel",)),
  )(h1, p0, p1)


def _layer_body(p0_ref, p1_ref, g_ref, dinv_ref, b_ref, w_ref, o_ref):
  dinv = dinv_ref[...]
  t = dinv * (p0_ref[...] + p1_ref[...] + g_ref[...]) + b_ref[...]
  z = jnp.maximum(t, 0.0)
  o_ref[...] = dinv * jnp.dot(z, w_ref[...], preferred_element_type=jnp.float32)


def _layer(p0, p1, g, dinv, b, w):
  return pl.pallas_call(
      _layer_body,
      grid=(_NBLK,),
      in_specs=[
          pl.BlockSpec((_BLK, _H), lambda i: (i, 0)),
          pl.BlockSpec((_BLK, _H), lambda i: (i, 0)),
          pl.BlockSpec((_BLK, _H), lambda i: (i, 0)),
          pl.BlockSpec((_BLK, 1), lambda i: (i, 0)),
          pl.BlockSpec((1, _H), lambda i: (0, 0)),
          pl.BlockSpec((_H, _H), lambda i: (0, 0)),
      ],
      out_specs=pl.BlockSpec((_BLK, _H), lambda i: (i, 0)),
      out_shape=jax.ShapeDtypeStruct((_N, _H), jnp.float32),
      compiler_params=pltpu.CompilerParams(dimension_semantics=("parallel",)),
  )(p0, p1, g, dinv, b, w)


def _final_body(p0_ref, p1_ref, g_ref, dinv_ref, b3_ref, wl1_ref, bl1_ref,
                wl2_ref, bl2_ref, wl3_ref, bl3_ref, batch_ref, out_ref,
                cnt_ref):
  i = pl.program_id(0)

  @pl.when(i == 0)
  def _():
    out_ref[...] = jnp.zeros_like(out_ref)
    cnt_ref[...] = jnp.zeros_like(cnt_ref)

  dinv = dinv_ref[...]
  t = dinv * (p0_ref[...] + p1_ref[...] + g_ref[...]) + b3_ref[...]
  h1m = jnp.maximum(
      jnp.dot(t, wl1_ref[...], preferred_element_type=jnp.float32)
      + bl1_ref[...], 0.0)
  hm = jnp.maximum(
      jnp.dot(h1m, wl2_ref[...], preferred_element_type=jnp.float32)
      + bl2_ref[...] + t, 0.0)
  hf = jnp.maximum(
      jnp.dot(hm, wl3_ref[...], preferred_element_type=jnp.float32)
      + bl3_ref[...], 0.0)
  onehot = (batch_ref[...] ==
            lax.broadcasted_iota(jnp.int32, (1, _NG), 1)).astype(jnp.float32)
  out_ref[...] += lax.dot_general(
      onehot, hf, (((0,), (0,)), ((), ())), preferred_element_type=jnp.float32)
  cnt_ref[...] += jnp.broadcast_to(jnp.sum(onehot, axis=0)[:, None],
                                   (_NG, _H))

  @pl.when(i == _NBLK - 1)
  def _():
    out_ref[...] = out_ref[...] / jnp.maximum(cnt_ref[...], 1.0)


def _final(p0, p1, g, dinv, b3, wl1, bl1, wl2, bl2, wl3, bl3, batch2d):
  row = lambda i: (i, 0)
  fixed = lambda i: (0, 0)
  return pl.pallas_call(
      _final_body,
      grid=(_NBLK,),
      in_specs=[
          pl.BlockSpec((_BLK, _H), row),
          pl.BlockSpec((_BLK, _H), row),
          pl.BlockSpec((_BLK, _H), row),
          pl.BlockSpec((_BLK, 1), row),
          pl.BlockSpec((1, _H), fixed),
          pl.BlockSpec((_H, _H), fixed),
          pl.BlockSpec((1, _H), fixed),
          pl.BlockSpec((_H, _H), fixed),
          pl.BlockSpec((1, _H), fixed),
          pl.BlockSpec((_H, _H), fixed),
          pl.BlockSpec((1, _H), fixed),
          pl.BlockSpec((_BLK, 1), row),
      ],
      out_specs=pl.BlockSpec((_NG, _H), fixed),
      out_shape=jax.ShapeDtypeStruct((_NG, _H), jnp.float32),
      scratch_shapes=[pltpu.VMEM((_NG, _H), jnp.float32)],
      compiler_params=pltpu.CompilerParams(dimension_semantics=("arbitrary",)),
  )(p0, p1, g, dinv, b3, wl1, bl1, wl2, bl2, wl3, bl3, batch2d)



def kernel(x, edge_index, batch, pos, W1, b1, W2, b2, W3, b3,
           Wl1, bl1, Wl2, bl2, Wl3, bl3):
  del pos
  src = edge_index[0]
  dst = edge_index[1]
  npad = _EPAD - _E
  src_pad = jnp.concatenate([src, jnp.zeros((npad,), jnp.int32)])
  dst_pad = jnp.concatenate([dst, jnp.full((npad,), _N, jnp.int32)])

  idx2 = jnp.stack([src_pad.reshape(-1, _CHUNK), dst_pad.reshape(-1, _CHUNK)],
                   axis=1)

  ones128 = jnp.ones((_CHUNK, _H), jnp.float32)
  zeros128 = jnp.zeros((_RPT, _H), jnp.float32)

  degp = _sc_degree(idx2, ones128, zeros128)
  h1 = _matmul(x, W1)
  dinv, g1 = _post1(h1, degp[:_N, 0:1], degp[_NPAD:_NPAD + _N, 0:1])

  q = _sc_scatter(g1, idx2, src_pad, dst_pad, zeros128)
  g2 = _layer(q[:_N], q[_NPAD:_NPAD + _N], g1, dinv, b1[None, :], W2)

  q = _sc_scatter(g2, idx2, src_pad, dst_pad, zeros128)
  g3 = _layer(q[:_N], q[_NPAD:_NPAD + _N], g2, dinv, b2[None, :], W3)

  q = _sc_scatter(g3, idx2, src_pad, dst_pad, zeros128)

  wl1p = jnp.pad(Wl1, ((0, 0), (0, _H - 125)))
  bl1p = jnp.pad(bl1, (0, _H - 125))[None, :]
  wl2p = jnp.pad(Wl2, ((0, _H - 125), (0, 0)))
  wl3p = jnp.pad(Wl3, ((0, 0), (0, _H - 2)))
  bl3p = jnp.pad(bl3, (0, _H - 2))[None, :]

  out = _final(q[:_N], q[_NPAD:_NPAD + _N], g3, dinv, b3[None, :],
               wl1p, bl1p, wl2p, bl2[None, :], wl3p, bl3p, batch[:, None])
  return out[:, :2]

# --- scband reference (transcript-rebuilt; emitter-appended) ---
"""Pipeline reference for scband-gnnwith-dense-diff-pool-21380347199506 (READ-ONLY COPY).

The authoritative reference and input builder live on the scoring server;
editing this copy changes nothing except your own understanding.
"""

import jax, jax.numpy as jnp
import numpy as np

N = 10000
E = 320000
F_IN = 128
H = 128
NG = 8


def _gcn(x, src, dst, W, b, n):
    h = x @ W
    loop = jnp.arange(n, dtype=src.dtype)
    s = jnp.concatenate([src, loop])
    d = jnp.concatenate([dst, loop])
    deg = jnp.zeros(n, dtype=h.dtype).at[d].add(1.0)
    dinv = jax.lax.rsqrt(jnp.maximum(deg, 1e-12))
    norm = dinv[s] * dinv[d]
    out = jnp.zeros((n, W.shape[1]), dtype=h.dtype).at[d].add(norm[:, None] * h[s])
    return out + b


def setup_inputs(seed: int = 0):
    key = jax.random.key(seed)
    ks = jax.random.split(key, 20)
    x = jax.random.normal(ks[0], (N, F_IN), dtype=jnp.float32)
    edge_index = jax.random.randint(ks[1], (2, E), 0, N, dtype=jnp.int32)
    batch = jnp.sort(jax.random.randint(ks[2], (N,), 0, NG, dtype=jnp.int32))
    pos = jax.random.normal(ks[3], (N, 3), dtype=jnp.float32)

    def lin(k, fin, fout):
        s = 1.0 / np.sqrt(fin)
        return jax.random.uniform(k, (fin, fout), jnp.float32, -s, s)

    def bias(k, fin, fout):
        s = 1.0 / np.sqrt(fin)
        return jax.random.uniform(k, (fout,), jnp.float32, -s, s)

    return {
        "x": x, "edge_index": edge_index, "batch": batch, "pos": pos,
        "W1": lin(ks[4], F_IN, H), "b1": bias(ks[5], F_IN, H),
        "W2": lin(ks[6], H, H), "b2": bias(ks[7], H, H),
        "W3": lin(ks[8], H, H), "b3": bias(ks[9], H, H),
        "Wl1": lin(ks[10], H, 125), "bl1": bias(ks[11], H, 125),
        "Wl2": lin(ks[12], 125, H), "bl2": bias(ks[13], 125, H),
        "Wl3": lin(ks[14], H, 2), "bl3": bias(ks[15], H, 2),
    }


def reference(x, edge_index, batch, pos, W1, b1, W2, b2, W3, b3, Wl1, bl1, Wl2, bl2, Wl3, bl3):
    src, dst = edge_index[0], edge_index[1]
    h = jax.nn.relu(_gcn(x, src, dst, W1, b1, N))
    h = jax.nn.relu(_gcn(h, src, dst, W2, b2, N))
    h = _gcn(h, src, dst, W3, b3, N)
    h1 = jax.nn.relu(h @ Wl1 + bl1)
    h = jax.nn.relu(h1 @ Wl2 + bl2 + h)
    h = jax.nn.relu(h @ Wl3 + bl3)
    sums = jax.ops.segment_sum(h, batch, num_segments=NG)
    cnt = jax.ops.segment_sum(jnp.ones((N, 1), h.dtype), batch, num_segments=NG)
    return sums / jnp.maximum(cnt, 1.0)

if __name__ == "__main__":
    import jax
    _d = setup_inputs()
    print(jax.jit(kernel)(*tuple(_d.values())))

</pallas_src>

<mosaic_0001>
#map = affine_map<(d0, d1) -> (0, 0)>
#map1 = affine_map<(d0, d1) -> (0, 0, 0)>
#map2 = affine_map<(d0, d1) -> (0)>
module attributes {stable_mosaic.version = 14 : i64} {
  func.func @k(%arg0: i32, %arg1: i32, %arg2: memref<10000x128xf32, #tpu.memory_space<hbm>>, %arg3: memref<2560x2x128xi32, #tpu.memory_space<hbm>>, %arg4: memref<327680xi32, #tpu.memory_space<hbm>>, %arg5: memref<327680xi32, #tpu.memory_space<hbm>>, %arg6: memref<640x128xf32, #tpu.memory_space<hbm>>, %arg7: memref<20480x128xf32, #tpu.memory_space<hbm>>, %arg8: memref<2x128xi32, #tpu.memory_space<vmem>>, %arg9: memref<2x128xi32, #tpu.memory_space<vmem>>, %arg10: memref<128xi32, #tpu.memory_space<vmem>>, %arg11: memref<128xi32, #tpu.memory_space<vmem>>, %arg12: memref<128x128xf32, #tpu.memory_space<vmem>>, %arg13: memref<128x128xf32, #tpu.memory_space<vmem>>, %arg14: memref<10240x128xf32, #tpu.memory_space<vmem_shared>>, %arg15: memref<!tpu.dma_semaphore, #tpu.memory_space<semaphore_mem>>, %arg16: memref<!tpu.dma_semaphore, #tpu.memory_space<semaphore_mem>>, %arg17: memref<!tpu.dma_semaphore, #tpu.memory_space<semaphore_mem>>, %arg18: memref<!tpu.dma_semaphore, #tpu.memory_space<semaphore_mem>>) attributes {dimension_semantics = [#tpu.dimension_semantics<core_parallel>, #tpu.dimension_semantics<subcore_parallel>], iteration_bounds = array<i64: 2, 16>, scalar_prefetch = 0 : i64, scratch_operands = 11 : i64, tpu.core_type = #tpu.core_type<sc_vector_subcore>, window_params = [{transform_indices = #map}, {transform_indices = #map1}, {transform_indices = #map2}, {transform_indices = #map2}, {transform_indices = #map}, {transform_indices = #map}]} {
    %mul3A = arith.constant 640 : i32
    %mul3A_0 = arith.muli %arg1, %mul3A : i32
    "tpu.region"() ({
      %run_scoped3A = tpu.sem_alloc : memref<!tpu.dma_semaphore, #tpu.memory_space<semaphore_mem>>
      %dma_start3A = arith.constant 0 : i32
      %dma_start3A_15 = tpu.memref_slice %arg14[%mul3A_0, %dma_start3A] : memref<10240x128xf32, #tpu.memory_space<vmem_shared>> -> memref<640x128xf32, #tpu.memory_space<vmem_shared>>
      tpu.enqueue_dma source(%arg6 : memref<640x128xf32, #tpu.memory_space<hbm>>) target(%dma_start3A_15 : memref<640x128xf32, #tpu.memory_space<vmem_shared>>) target_semaphore(%run_scoped3A : memref<!tpu.dma_semaphore, #tpu.memory_space<semaphore_mem>>)
      %dma_wait3A = arith.constant 0 : i32
      %dma_wait3A_16 = tpu.memref_slice %arg14[%mul3A_0, %dma_wait3A] : memref<10240x128xf32, #tpu.memory_space<vmem_shared>> -> memref<640x128xf32, #tpu.memory_space<vmem_shared>>
      tpu.wait_dma2 semaphore(%run_scoped3A : memref<!tpu.dma_semaphore, #tpu.memory_space<semaphore_mem>>) src(%arg6 : memref<640x128xf32, #tpu.memory_space<hbm>>) dst(%dma_wait3A_16 : memref<640x128xf32, #tpu.memory_space<vmem_shared>>)
      tpu.yield
    }) : () -> ()
    %barrier3A = arith.constant 0 : index
    tpu.barrier barrier_id(%barrier3A)
    %eq3A = arith.constant 0 : i32
    %eq3A_1 = arith.cmpi eq, %arg0, %eq3A : i32
    %convert_element_type3A = arith.extui %eq3A_1 : i1 to i32
    %cond3A = arith.constant 0 : i32
    %cond3A_2 = arith.cmpi ne, %convert_element_type3A, %cond3A : i32
    scf.if %cond3A_2 {
      %mul3A_15 = arith.constant 144 : i32
      %mul3A_16 = arith.muli %arg1, %mul3A_15 : i32
      %dma_start3A = arith.constant 0 : i32
      %dma_start3A_17 = arith.constant 0 : i32
      %dma_start3A_18 = tpu.memref_slice %arg3[%mul3A_16, %dma_start3A, %dma_start3A_17] : memref<2560x2x128xi32, #tpu.memory_space<hbm>> -> memref<1x2x128xi32, #tpu.memory_space<hbm>>
      %dma_start3A_19 = tpu.memref_squeeze %dma_start3A_18 : memref<1x2x128xi32, #tpu.memory_space<hbm>> -> memref<2x128xi32, #tpu.memory_space<hbm>>
      %dma_start3A_20 = arith.constant 0 : i32
      %dma_start3A_21 = arith.constant 0 : i32
      %dma_start3A_22 = tpu.memref_slice %arg3[%mul3A_16, %dma_start3A_20, %dma_start3A_21] : memref<2560x2x128xi32, #tpu.memory_space<hbm>> -> memref<1x2x128xi32, #tpu.memory_space<hbm>>
      %dma_start3A_23 = tpu.memref_squeeze %dma_start3A_22 : memref<1x2x128xi32, #tpu.memory_space<hbm>> -> memref<2x128xi32, #tpu.memory_space<hbm>>
      tpu.enqueue_dma source(%dma_start3A_23 : memref<2x128xi32, #tpu.memory_space<hbm>>) target(%arg8 : memref<2x128xi32, #tpu.memory_space<vmem>>) target_semaphore(%arg15 : memref<!tpu.dma_semaphore, #tpu.memory_space<semaphore_mem>>)
      %dma_wait3A = arith.constant 0 : i32
      %dma_wait3A_24 = arith.constant 0 : i32
      %dma_wait3A_25 = tpu.memref_slice %arg3[%mul3A_16, %dma_wait3A, %dma_wait3A_24] : memref<2560x2x128xi32, #tpu.memory_space<hbm>> -> memref<1x2x128xi32, #tpu.memory_space<hbm>>
      %dma_wait3A_26 = tpu.memref_squeeze %dma_wait3A_25 : memref<1x2x128xi32, #tpu.memory_space<hbm>> -> memref<2x128xi32, #tpu.memory_space<hbm>>
      %dma_wait3A_27 = arith.constant 0 : i32
      %dma_wait3A_28 = arith.constant 0 : i32
      %dma_wait3A_29 = tpu.memref_slice %arg3[%mul3A_16, %dma_wait3A_27, %dma_wait3A_28] : memref<2560x2x128xi32, #tpu.memory_space<hbm>> -> memref<1x2x128xi32, #tpu.memory_space<hbm>>
      %dma_wait3A_30 = tpu.memref_squeeze %dma_wait3A_29 : memref<1x2x128xi32, #tpu.memory_space<hbm>> -> memref<2x128xi32, #tpu.memory_space<hbm>>
      tpu.wait_dma2 semaphore(%arg15 : memref<!tpu.dma_semaphore, #tpu.memory_space<semaphore_mem>>) src(%dma_wait3A_30 : memref<2x128xi32, #tpu.memory_space<hbm>>) dst(%arg8 : memref<2x128xi32, #tpu.memory_space<vmem>>)
      %add3A_31 = arith.constant 1 : i32
      %add3A_32 = arith.addi %mul3A_16, %add3A_31 : i32
      %dma_start3A_33 = arith.constant 0 : i32
      %dma_start3A_34 = arith.constant 0 : i32
      %dma_start3A_35 = tpu.memref_slice %arg3[%add3A_32, %dma_start3A_33, %dma_start3A_34] : memref<2560x2x128xi32, #tpu.memory_space<hbm>> -> memref<1x2x128xi32, #tpu.memory_space<hbm>>
      %dma_start3A_36 = tpu.memref_squeeze %dma_start3A_35 : memref<1x2x128xi32, #tpu.memory_space<hbm>> -> memref<2x128xi32, #tpu.memory_space<hbm>>
      %dma_start3A_37 = arith.constant 0 : i32
      %dma_start3A_38 = arith.constant 0 : i32
      %dma_start3A_39 = tpu.memref_slice %arg3[%add3A_32, %dma_start3A_37, %dma_start3A_38] : memref<2560x2x128xi32, #tpu.memory_space<hbm>> -> memref<1x2x128xi32, #tpu.memory_space<hbm>>
      %dma_start3A_40 = tpu.memref_squeeze %dma_start3A_39 : memref<1x2x128xi32, #tpu.memory_space<hbm>> -> memref<2x128xi32, #tpu.memory_space<hbm>>
      tpu.enqueue_dma source(%dma_start3A_40 : memref<2x128xi32, #tpu.memory_space<hbm>>) target(%arg9 : memref<2x128xi32, #tpu.memory_space<vmem>>) target_semaphore(%arg16 : memref<!tpu.dma_semaphore, #tpu.memory_space<semaphore_mem>>)
      %dma_start3A_41 = arith.constant 0 : i32
      %dma_start3A_42 = arith.constant 0 : i32
      %dma_start3A_43 = tpu.memref_slice %arg8[%dma_start3A_41, %dma_start3A_42] : memref<2x128xi32, #tpu.memory_space<vmem>> -> memref<1x128xi32, #tpu.memory_space<vmem>>
      %dma_start3A_44 = tpu.memref_squeeze %dma_start3A_43 : memref<1x128xi32, #tpu.memory_space<vmem>> -> memref<128xi32, #tpu.memory_space<vmem>>
      %dma_start3A_45 = arith.constant 0 : i32
      %dma_start3A_46 = arith.constant 0 : i32
      %dma_start3A_47 = tpu.memref_slice %arg2[%dma_start3A_45, %dma_start3A_46] : memref<10000x128xf32, #tpu.memory_space<hbm>> -> memref<10000x128xf32, #tpu.memory_space<hbm>>
      tpu.enqueue_indirect_dma source(%dma_start3A_47 : memref<10000x128xf32, #tpu.memory_space<hbm>>) target(%arg12 : memref<128x128xf32, #tpu.memory_space<vmem>>) offsets(%dma_start3A_44 : memref<128xi32, #tpu.memory_space<vmem>>) semaphore(%arg17 : memref<!tpu.dma_semaphore, #tpu.memory_space<semaphore_mem>>)
      %scan3A = arith.constant 0 : i32
      %scan3A_48 = arith.constant 71 : i32
      %scan3A_49 = arith.addi %scan3A, %scan3A_48 : i32
      %scan3A_50 = arith.constant 1 : i32
      scf.for %scan3A_82 = %scan3A to %scan3A_49 step %scan3A_50  : i32 {
        %mul3A_83 = arith.constant 1 : i32
        %mul3A_84 = arith.muli %scan3A_82, %mul3A_83 : i32
        %add3A_85 = arith.constant 0 : i32
        %add3A_86 = arith.addi %add3A_85, %mul3A_84 : i32
        %mul3A_87 = arith.constant 2 : i32
        %mul3A_88 = arith.muli %mul3A_87, %add3A_86 : i32
        %dma_wait3A_89 = arith.constant 0 : i32
        %dma_wait3A_90 = arith.constant 0 : i32
        %dma_wait3A_91 = tpu.memref_slice %arg3[%mul3A_16, %dma_wait3A_89, %dma_wait3A_90] : memref<2560x2x128xi32, #tpu.memory_space<hbm>> -> memref<1x2x128xi32, #tpu.memory_space<hbm>>
        %dma_wait3A_92 = tpu.memref_squeeze %dma_wait3A_91 : memref<1x2x128xi32, #tpu.memory_space<hbm>> -> memref<2x128xi32, #tpu.memory_space<hbm>>
        %dma_wait3A_93 = arith.constant 0 : i32
        %dma_wait3A_94 = arith.constant 0 : i32
        %dma_wait3A_95 = tpu.memref_slice %arg3[%mul3A_16, %dma_wait3A_93, %dma_wait3A_94] : memref<2560x2x128xi32, #tpu.memory_space<hbm>> -> memref<1x2x128xi32, #tpu.memory_space<hbm>>
        %dma_wait3A_96 = tpu.memref_squeeze %dma_wait3A_95 : memref<1x2x128xi32, #tpu.memory_space<hbm>> -> memref<2x128xi32, #tpu.memory_space<hbm>>
        tpu.wait_dma2 semaphore(%arg16 : memref<!tpu.dma_semaphore, #tpu.memory_space<semaphore_mem>>) src(%dma_wait3A_96 : memref<2x128xi32, #tpu.memory_space<hbm>>) dst(%arg9 : memref<2x128xi32, #tpu.memory_space<vmem>>)
        %dma_start3A_97 = arith.constant 0 : i32
        %dma_start3A_98 = arith.constant 0 : i32
        %dma_start3A_99 = tpu.memref_slice %arg9[%dma_start3A_97, %dma_start3A_98] : memref<2x128xi32, #tpu.memory_space<vmem>> -> memref<1x128xi32, #tpu.memory_space<vmem>>
        %dma_start3A_100 = tpu.memref_squeeze %dma_start3A_99 : memref<1x128xi32, #tpu.memory_space<vmem>> -> memref<128xi32, #tpu.memory_space<vmem>>
        %dma_start3A_101 = arith.constant 0 : i32
        %dma_start3A_102 = arith.constant 0 : i32
        %dma_start3A_103 = tpu.memref_slice %arg2[%dma_start3A_101, %dma_start3A_102] : memref<10000x128xf32, #tpu.memory_space<hbm>> -> memref<10000x128xf32, #tpu.memory_space<hbm>>
        tpu.enqueue_indirect_dma source(%dma_start3A_103 : memref<10000x128xf32, #tpu.memory_space<hbm>>) target(%arg13 : memref<128x128xf32, #tpu.memory_space<vmem>>) offsets(%dma_start3A_100 : memref<128xi32, #tpu.memory_space<vmem>>) semaphore(%arg18 : memref<!tpu.dma_semaphore, #tpu.memory_space<semaphore_mem>>)
        %dma_wait3A_104 = arith.constant 0 : i32
        %dma_wait3A_105 = arith.constant 0 : i32
        %dma_wait3A_106 = tpu.memref_slice %arg8[%dma_wait3A_104, %dma_wait3A_105] : memref<2x128xi32, #tpu.memory_space<vmem>> -> memref<1x128xi32, #tpu.memory_space<vmem>>
        %dma_wait3A_107 = tpu.memref_squeeze %dma_wait3A_106 : memref<1x128xi32, #tpu.memory_space<vmem>> -> memref<128xi32, #tpu.memory_space<vmem>>
        %dma_wait3A_108 = arith.constant 0 : i32
        %dma_wait3A_109 = arith.constant 0 : i32
        %dma_wait3A_110 = tpu.memref_slice %arg2[%dma_wait3A_108, %dma_wait3A_109] : memref<10000x128xf32, #tpu.memory_space<hbm>> -> memref<10000x128xf32, #tpu.memory_space<hbm>>
        tpu.wait_indirect_dma semaphore(%arg17 : memref<!tpu.dma_semaphore, #tpu.memory_space<semaphore_mem>>) src(%dma_wait3A_110 : memref<10000x128xf32, #tpu.memory_space<hbm>>) dst(%arg12 : memref<128x128xf32, #tpu.memory_space<vmem>>)
        %run_scoped3A_111 = arith.constant 1 : i32
        "tpu.region"() ({
          %run_scoped3A_161 = tpu.sem_alloc : memref<!tpu.dma_semaphore, #tpu.memory_space<semaphore_mem>>
          %dma_start3A_162 = arith.constant 0 : i32
          %dma_start3A_163 = tpu.memref_slice %arg8[%run_scoped3A_111, %dma_start3A_162] : memref<2x128xi32, #tpu.memory_space<vmem>> -> memref<1x128xi32, #tpu.memory_space<vmem>>
          %dma_start3A_164 = tpu.memref_squeeze %dma_start3A_163 : memref<1x128xi32, #tpu.memory_space<vmem>> -> memref<128xi32, #tpu.memory_space<vmem>>
          %dma_start3A_165 = arith.constant 0 : i32
          %dma_start3A_166 = arith.constant 0 : i32
          %dma_start3A_167 = tpu.memref_slice %arg14[%dma_start3A_165, %dma_start3A_166] : memref<10240x128xf32, #tpu.memory_space<vmem_shared>> -> memref<10240x128xf32, #tpu.memory_space<vmem_shared>>
          tpu.enqueue_indirect_dma source(%arg12 : memref<128x128xf32, #tpu.memory_space<vmem>>) target(%dma_start3A_167 : memref<10240x128xf32, #tpu.memory_space<vmem_shared>>) offsets(%dma_start3A_164 : memref<128xi32, #tpu.memory_space<vmem>>) semaphore(%run_scoped3A_161 : memref<!tpu.dma_semaphore, #tpu.memory_space<semaphore_mem>>) {add = true}
          %dma_wait3A_168 = arith.constant 0 : i32
          %dma_wait3A_169 = tpu.memref_slice %arg8[%run_scoped3A_111, %dma_wait3A_168] : memref<2x128xi32, #tpu.memory_space<vmem>> -> memref<1x128xi32, #tpu.memory_space<vmem>>
          %dma_wait3A_170 = tpu.memref_squeeze %dma_wait3A_169 : memref<1x128xi32, #tpu.memory_space<vmem>> -> memref<128xi32, #tpu.memory_space<vmem>>
          %dma_wait3A_171 = arith.constant 0 : i32
          %dma_wait3A_172 = arith.constant 0 : i32
          %dma_wait3A_173 = tpu.memref_slice %arg14[%dma_wait3A_171, %dma_wait3A_172] : memref<10240x128xf32, #tpu.memory_space<vmem_shared>> -> memref<10240x128xf32, #tpu.memory_space<vmem_shared>>
          tpu.wait_indirect_dma semaphore(%run_scoped3A_161 : memref<!tpu.dma_semaphore, #tpu.memory_space<semaphore_mem>>) src(%arg12 : memref<128x128xf32, #tpu.memory_space<vmem>>) dst(%dma_wait3A_173 : memref<10240x128xf32, #tpu.memory_space<vmem_shared>>)
          tpu.yield
        }) : () -> ()
        %add3A_112 = arith.addi %mul3A_16, %mul3A_88 : i32
        %add3A_113 = arith.constant 0 : i32
        %add3A_114 = arith.addi %add3A_112, %add3A_113 : i32
        %add3A_115 = arith.constant 2 : i32
        %add3A_116 = arith.addi %add3A_114, %add3A_115 : i32
        %dma_start3A_117 = arith.constant 0 : i32
        %dma_start3A_118 = arith.constant 0 : i32
        %dma_start3A_119 = tpu.memref_slice %arg3[%add3A_116, %dma_start3A_117, %dma_start3A_118] : memref<2560x2x128xi32, #tpu.memory_space<hbm>> -> memref<1x2x128xi32, #tpu.memory_space<hbm>>
        %dma_start3A_120 = tpu.memref_squeeze %dma_start3A_119 : memref<1x2x128xi32, #tpu.memory_space<hbm>> -> memref<2x128xi32, #tpu.memory_space<hbm>>
        %dma_start3A_121 = arith.constant 0 : i32
        %dma_start3A_122 = arith.constant 0 : i32
        %dma_start3A_123 = tpu.memref_slice %arg3[%add3A_116, %dma_start3A_121, %dma_start3A_122] : memref<2560x2x128xi32, #tpu.memory_space<hbm>> -> memref<1x2x128xi32, #tpu.memory_space<hbm>>
        %dma_start3A_124 = tpu.memref_squeeze %dma_start3A_123 : memref<1x2x128xi32, #tpu.memory_space<hbm>> -> memref<2x128xi32, #tpu.memory_space<hbm>>
        tpu.enqueue_dma source(%dma_start3A_124 : memref<2x128xi32, #tpu.memory_space<hbm>>) target(%arg8 : memref<2x128xi32, #tpu.memory_space<vmem>>) target_semaphore(%arg15 : memref<!tpu.dma_semaphore, #tpu.memory_space<semaphore_mem>>)
        %dma_wait3A_125 = arith.constant 0 : i32
        %dma_wait3A_126 = arith.constant 0 : i32
        %dma_wait3A_127 = tpu.memref_slice %arg3[%mul3A_16, %dma_wait3A_125, %dma_wait3A_126] : memref<2560x2x128xi32, #tpu.memory_space<hbm>> -> memref<1x2x128xi32, #tpu.memory_space<hbm>>
        %dma_wait3A_128 = tpu.memref_squeeze %dma_wait3A_127 : memref<1x2x128xi32, #tpu.memory_space<hbm>> -> memref<2x128xi32, #tpu.memory_space<hbm>>
        %dma_wait3A_129 = arith.constant 0 : i32
        %dma_wait3A_130 = arith.constant 0 : i32
        %dma_wait3A_131 = tpu.memref_slice %arg3[%mul3A_16, %dma_wait3A_129, %dma_wait3A_130] : memref<2560x2x128xi32, #tpu.memory_space<hbm>> -> memref<1x2x128xi32, #tpu.memory_space<hbm>>
        %dma_wait3A_132 = tpu.memref_squeeze %dma_wait3A_131 : memref<1x2x128xi32, #tpu.memory_space<hbm>> -> memref<2x128xi32, #tpu.memory_space<hbm>>
        tpu.wait_dma2 semaphore(%arg15 : memref<!tpu.dma_semaphore, #tpu.memory_space<semaphore_mem>>) src(%dma_wait3A_132 : memref<2x128xi32, #tpu.memory_space<hbm>>) dst(%arg8 : memref<2x128xi32, #tpu.memory_space<vmem>>)
        %dma_start3A_133 = arith.constant 0 : i32
        %dma_start3A_134 = arith.constant 0 : i32
        %dma_start3A_135 = tpu.memref_slice %arg8[%dma_start3A_133, %dma_start3A_134] : memref<2x128xi32, #tpu.memory_space<vmem>> -> memref<1x128xi32, #tpu.memory_space<vmem>>
        %dma_start3A_136 = tpu.memref_squeeze %dma_start3A_135 : memref<1x128xi32, #tpu.memory_space<vmem>> -> memref<128xi32, #tpu.memory_space<vmem>>
        %dma_start3A_137 = arith.constant 0 : i32
        %dma_start3A_138 = arith.constant 0 : i32
        %dma_start3A_139 = tpu.memref_slice %arg2[%dma_start3A_137, %dma_start3A_138] : memref<10000x128xf32, #tpu.memory_space<hbm>> -> memref<10000x128xf32, #tpu.memory_space<hbm>>
        tpu.enqueue_indirect_dma source(%dma_start3A_139 : memref<10000x128xf32, #tpu.memory_space<hbm>>) target(%arg12 : memref<128x128xf32, #tpu.memory_space<vmem>>) offsets(%dma_start3A_136 : memref<128xi32, #tpu.memory_space<vmem>>) semaphore(%arg17 : memref<!tpu.dma_semaphore, #tpu.memory_space<semaphore_mem>>)
        %dma_wait3A_140 = arith.constant 0 : i32
        %dma_wait3A_141 = arith.constant 0 : i32
        %dma_wait3A_142 = tpu.memref_slice %arg9[%dma_wait3A_140, %dma_wait3A_141] : memref<2x128xi32, #tpu.memory_space<vmem>> -> memref<1x128xi32, #tpu.memory_space<vmem>>
        %dma_wait3A_143 = tpu.memref_squeeze %dma_wait3A_142 : memref<1x128xi32, #tpu.memory_space<vmem>> -> memref<128xi32, #tpu.memory_space<vmem>>
        %dma_wait3A_144 = arith.constant 0 : i32
        %dma_wait3A_145 = arith.constant 0 : i32
        %dma_wait3A_146 = tpu.memref_slice %arg2[%dma_wait3A_144, %dma_wait3A_145] : memref<10000x128xf32, #tpu.memory_space<hbm>> -> memref<10000x128xf32, #tpu.memory_space<hbm>>
        tpu.wait_indirect_dma semaphore(%arg18 : memref<!tpu.dma_semaphore, #tpu.memory_space<semaphore_mem>>) src(%dma_wait3A_146 : memref<10000x128xf32, #tpu.memory_space<hbm>>) dst(%arg13 : memref<128x128xf32, #tpu.memory_space<vmem>>)
        %run_scoped3A_147 = arith.constant 1 : i32
        "tpu.region"() ({
          %run_scoped3A_161 = tpu.sem_alloc : memref<!tpu.dma_semaphore, #tpu.memory_space<semaphore_mem>>
          %dma_start3A_162 = arith.constant 0 : i32
          %dma_start3A_163 = tpu.memref_slice %arg9[%run_scoped3A_147, %dma_start3A_162] : memref<2x128xi32, #tpu.memory_space<vmem>> -> memref<1x128xi32, #tpu.memory_space<vmem>>
          %dma_start3A_164 = tpu.memref_squeeze %dma_start3A_163 : memref<1x128xi32, #tpu.memory_space<vmem>> -> memref<128xi32, #tpu.memory_space<vmem>>
          %dma_start3A_165 = arith.constant 0 : i32
          %dma_start3A_166 = arith.constant 0 : i32
          %dma_start3A_167 = tpu.memref_slice %arg14[%dma_start3A_165, %dma_start3A_166] : memref<10240x128xf32, #tpu.memory_space<vmem_shared>> -> memref<10240x128xf32, #tpu.memory_space<vmem_shared>>
          tpu.enqueue_indirect_dma source(%arg13 : memref<128x128xf32, #tpu.memory_space<vmem>>) target(%dma_start3A_167 : memref<10240x128xf32, #tpu.memory_space<vmem_shared>>) offsets(%dma_start3A_164 : memref<128xi32, #tpu.memory_space<vmem>>) semaphore(%run_scoped3A_161 : memref<!tpu.dma_semaphore, #tpu.memory_space<semaphore_mem>>) {add = true}
          %dma_wait3A_168 = arith.constant 0 : i32
          %dma_wait3A_169 = tpu.memref_slice %arg9[%run_scoped3A_147, %dma_wait3A_168] : memref<2x128xi32, #tpu.memory_space<vmem>> -> memref<1x128xi32, #tpu.memory_space<vmem>>
          %dma_wait3A_170 = tpu.memref_squeeze %dma_wait3A_169 : memref<1x128xi32, #tpu.memory_space<vmem>> -> memref<128xi32, #tpu.memory_space<vmem>>
          %dma_wait3A_171 = arith.constant 0 : i32
          %dma_wait3A_172 = arith.constant 0 : i32
          %dma_wait3A_173 = tpu.memref_slice %arg14[%dma_wait3A_171, %dma_wait3A_172] : memref<10240x128xf32, #tpu.memory_space<vmem_shared>> -> memref<10240x128xf32, #tpu.memory_space<vmem_shared>>
          tpu.wait_indirect_dma semaphore(%run_scoped3A_161 : memref<!tpu.dma_semaphore, #tpu.memory_space<semaphore_mem>>) src(%arg13 : memref<128x128xf32, #tpu.memory_space<vmem>>) dst(%dma_wait3A_173 : memref<10240x128xf32, #tpu.memory_space<vmem_shared>>)
          tpu.yield
        }) : () -> ()
        %add3A_148 = arith.addi %mul3A_16, %mul3A_88 : i32
        %add3A_149 = arith.constant 1 : i32
        %add3A_150 = arith.addi %add3A_148, %add3A_149 : i32
        %add3A_151 = arith.constant 2 : i32
        %add3A_152 = arith.addi %add3A_150, %add3A_151 : i32
        %dma_start3A_153 = arith.constant 0 : i32
        %dma_start3A_154 = arith.constant 0 : i32
        %dma_start3A_155 = tpu.memref_slice %arg3[%add3A_152, %dma_start3A_153, %dma_start3A_154] : memref<2560x2x128xi32, #tpu.memory_space<hbm>> -> memref<1x2x128xi32, #tpu.memory_space<hbm>>
        %dma_start3A_156 = tpu.memref_squeeze %dma_start3A_155 : memref<1x2x128xi32, #tpu.memory_space<hbm>> -> memref<2x128xi32, #tpu.memory_space<hbm>>
        %dma_start3A_157 = arith.constant 0 : i32
        %dma_start3A_158 = arith.constant 0 : i32
        %dma_start3A_159 = tpu.memref_slice %arg3[%add3A_152, %dma_start3A_157, %dma_start3A_158] : memref<2560x2x128xi32, #tpu.memory_space<hbm>> -> memref<1x2x128xi32, #tpu.memory_space<hbm>>
        %dma_start3A_160 = tpu.memref_squeeze %dma_start3A_159 : memref<1x2x128xi32, #tpu.memory_space<hbm>> -> memref<2x128xi32, #tpu.memory_space<hbm>>
        tpu.enqueue_dma source(%dma_start3A_160 : memref<2x128xi32, #tpu.memory_space<hbm>>) target(%arg9 : memref<2x128xi32, #tpu.memory_space<vmem>>) target_semaphore(%arg16 : memref<!tpu.dma_semaphore, #tpu.memory_space<semaphore_mem>>)
      }
      %scan3A_51 = arith.constant 71 : i32
      %dma_wait3A_52 = arith.constant 0 : i32
      %dma_wait3A_53 = arith.constant 0 : i32
      %dma_wait3A_54 = tpu.memref_slice %arg3[%mul3A_16, %dma_wait3A_52, %dma_wait3A_53] : memref<2560x2x128xi32, #tpu.memory_space<hbm>> -> memref<1x2x128xi32, #tpu.memory_space<hbm>>
      %dma_wait3A_55 = tpu.memref_squeeze %dma_wait3A_54 : memref<1x2x128xi32, #tpu.memory_space<hbm>> -> memref<2x128xi32, #tpu.memory_space<hbm>>
      %dma_wait3A_56 = arith.constant 0 : i32
      %dma_wait3A_57 = arith.constant 0 : i32
      %dma_wait3A_58 = tpu.memref_slice %arg3[%mul3A_16, %dma_wait3A_56, %dma_wait3A_57] : memref<2560x2x128xi32, #tpu.memory_space<hbm>> -> memref<1x2x128xi32, #tpu.memory_space<hbm>>
      %dma_wait3A_59 = tpu.memref_squeeze %dma_wait3A_58 : memref<1x2x128xi32, #tpu.memory_space<hbm>> -> memref<2x128xi32, #tpu.memory_space<hbm>>
      tpu.wait_dma2 semaphore(%arg16 : memref<!tpu.dma_semaphore, #tpu.memory_space<semaphore_mem>>) src(%dma_wait3A_59 : memref<2x128xi32, #tpu.memory_space<hbm>>) dst(%arg9 : memref<2x128xi32, #tpu.memory_space<vmem>>)
      %dma_start3A_60 = arith.constant 0 : i32
      %dma_start3A_61 = arith.constant 0 : i32
      %dma_start3A_62 = tpu.memref_slice %arg9[%dma_start3A_60, %dma_start3A_61] : memref<2x128xi32, #tpu.memory_space<vmem>> -> memref<1x128xi32, #tpu.memory_space<vmem>>
      %dma_start3A_63 = tpu.memref_squeeze %dma_start3A_62 : memref<1x128xi32, #tpu.memory_space<vmem>> -> memref<128xi32, #tpu.memory_space<vmem>>
      %dma_start3A_64 = arith.constant 0 : i32
      %dma_start3A_65 = arith.constant 0 : i32
      %dma_start3A_66 = tpu.memref_slice %arg2[%dma_start3A_64, %dma_start3A_65] : memref<10000x128xf32, #tpu.memory_space<hbm>> -> memref<10000x128xf32, #tpu.memory_space<hbm>>
      tpu.enqueue_indirect_dma source(%dma_start3A_66 : memref<10000x128xf32, #tpu.memory_space<hbm>>) target(%arg13 : memref<128x128xf32, #tpu.memory_space<vmem>>) offsets(%dma_start3A_63 : memref<128xi32, #tpu.memory_space<vmem>>) semaphore(%arg18 : memref<!tpu.dma_semaphore, #tpu.memory_space<semaphore_mem>>)
      %dma_wait3A_67 = arith.constant 0 : i32
      %dma_wait3A_68 = arith.constant 0 : i32
      %dma_wait3A_69 = tpu.memref_slice %arg8[%dma_wait3A_67, %dma_wait3A_68] : memref<2x128xi32, #tpu.memory_space<vmem>> -> memref<1x128xi32, #tpu.memory_space<vmem>>
      %dma_wait3A_70 = tpu.memref_squeeze %dma_wait3A_69 : memref<1x128xi32, #tpu.memory_space<vmem>> -> memref<128xi32, #tpu.memory_space<vmem>>
      %dma_wait3A_71 = arith.constant 0 : i32
      %dma_wait3A_72 = arith.constant 0 : i32
      %dma_wait3A_73 = tpu.memref_slice %arg2[%dma_wait3A_71, %dma_wait3A_72] : memref<10000x128xf32, #tpu.memory_space<hbm>> -> memref<10000x128xf32, #tpu.memory_space<hbm>>
      tpu.wait_indirect_dma semaphore(%arg17 : memref<!tpu.dma_semaphore, #tpu.memory_space<semaphore_mem>>) src(%dma_wait3A_73 : memref<10000x128xf32, #tpu.memory_space<hbm>>) dst(%arg12 : memref<128x128xf32, #tpu.memory_space<vmem>>)
      %run_scoped3A = arith.constant 1 : i32
      "tpu.region"() ({
        %run_scoped3A_82 = tpu.sem_alloc : memref<!tpu.dma_semaphore, #tpu.memory_space<semaphore_mem>>
        %dma_start3A_83 = arith.constant 0 : i32
        %dma_start3A_84 = tpu.memref_slice %arg8[%run_scoped3A, %dma_start3A_83] : memref<2x128xi32, #tpu.memory_space<vmem>> -> memref<1x128xi32, #tpu.memory_space<vmem>>
        %dma_start3A_85 = tpu.memref_squeeze %dma_start3A_84 : memref<1x128xi32, #tpu.memory_space<vmem>> -> memref<128xi32, #tpu.memory_space<vmem>>
        %dma_start3A_86 = arith.constant 0 : i32
        %dma_start3A_87 = arith.constant 0 : i32
        %dma_start3A_88 = tpu.memref_slice %arg14[%dma_start3A_86, %dma_start3A_87] : memref<10240x128xf32, #tpu.memory_space<vmem_shared>> -> memref<10240x128xf32, #tpu.memory_space<vmem_shared>>
        tpu.enqueue_indirect_dma source(%arg12 : memref<128x128xf32, #tpu.memory_space<vmem>>) target(%dma_start3A_88 : memref<10240x128xf32, #tpu.memory_space<vmem_shared>>) offsets(%dma_start3A_85 : memref<128xi32, #tpu.memory_space<vmem>>) semaphore(%run_scoped3A_82 : memref<!tpu.dma_semaphore, #tpu.memory_space<semaphore_mem>>) {add = true}
        %dma_wait3A_89 = arith.constant 0 : i32
        %dma_wait3A_90 = tpu.memref_slice %arg8[%run_scoped3A, %dma_wait3A_89] : memref<2x128xi32, #tpu.memory_space<vmem>> -> memref<1x128xi32, #tpu.memory_space<vmem>>
        %dma_wait3A_91 = tpu.memref_squeeze %dma_wait3A_90 : memref<1x128xi32, #tpu.memory_space<vmem>> -> memref<128xi32, #tpu.memory_space<vmem>>
        %dma_wait3A_92 = arith.constant 0 : i32
        %dma_wait3A_93 = arith.constant 0 : i32
        %dma_wait3A_94 = tpu.memref_slice %arg14[%dma_wait3A_92, %dma_wait3A_93] : memref<10240x128xf32, #tpu.memory_space<vmem_shared>> -> memref<10240x128xf32, #tpu.memory_space<vmem_shared>>
        tpu.wait_indirect_dma semaphore(%run_scoped3A_82 : memref<!tpu.dma_semaphore, #tpu.memory_space<semaphore_mem>>) src(%arg12 : memref<128x128xf32, #tpu.memory_space<vmem>>) dst(%dma_wait3A_94 : memref<10240x128xf32, #tpu.memory_space<vmem_shared>>)
        tpu.yield
      }) : () -> ()
      %dma_wait3A_74 = arith.constant 0 : i32
      %dma_wait3A_75 = arith.constant 0 : i32
      %dma_wait3A_76 = tpu.memref_slice %arg9[%dma_wait3A_74, %dma_wait3A_75] : memref<2x128xi32, #tpu.memory_space<vmem>> -> memref<1x128xi32, #tpu.memory_space<vmem>>
      %dma_wait3A_77 = tpu.memref_squeeze %dma_wait3A_76 : memref<1x128xi32, #tpu.memory_space<vmem>> -> memref<128xi32, #tpu.memory_space<vmem>>
      %dma_wait3A_78 = arith.constant 0 : i32
      %dma_wait3A_79 = arith.constant 0 : i32
      %dma_wait3A_80 = tpu.memref_slice %arg2[%dma_wait3A_78, %dma_wait3A_79] : memref<10000x128xf32, #tpu.memory_space<hbm>> -> memref<10000x128xf32, #tpu.memory_space<hbm>>
      tpu.wait_indirect_dma semaphore(%arg18 : memref<!tpu.dma_semaphore, #tpu.memory_space<semaphore_mem>>) src(%dma_wait3A_80 : memref<10000x128xf32, #tpu.memory_space<hbm>>) dst(%arg13 : memref<128x128xf32, #tpu.memory_space<vmem>>)
      %run_scoped3A_81 = arith.constant 1 : i32
      "tpu.region"() ({
        %run_scoped3A_82 = tpu.sem_alloc : memref<!tpu.dma_semaphore, #tpu.memory_space<semaphore_mem>>
        %dma_start3A_83 = arith.constant 0 : i32
        %dma_start3A_84 = tpu.memref_slice %arg9[%run_scoped3A_81, %dma_start3A_83] : memref<2x128xi32, #tpu.memory_space<vmem>> -> memref<1x128xi32, #tpu.memory_space<vmem>>
        %dma_start3A_85 = tpu.memref_squeeze %dma_start3A_84 : memref<1x128xi32, #tpu.memory_space<vmem>> -> memref<128xi32, #tpu.memory_space<vmem>>
        %dma_start3A_86 = arith.constant 0 : i32
        %dma_start3A_87 = arith.constant 0 : i32
        %dma_start3A_88 = tpu.memref_slice %arg14[%dma_start3A_86, %dma_start3A_87] : memref<10240x128xf32, #tpu.memory_space<vmem_shared>> -> memref<10240x128xf32, #tpu.memory_space<vmem_shared>>
        tpu.enqueue_indirect_dma source(%arg13 : memref<128x128xf32, #tpu.memory_space<vmem>>) target(%dma_start3A_88 : memref<10240x128xf32, #tpu.memory_space<vmem_shared>>) offsets(%dma_start3A_85 : memref<128xi32, #tpu.memory_space<vmem>>) semaphore(%run_scoped3A_82 : memref<!tpu.dma_semaphore, #tpu.memory_space<semaphore_mem>>) {add = true}
        %dma_wait3A_89 = arith.constant 0 : i32
        %dma_wait3A_90 = tpu.memref_slice %arg9[%run_scoped3A_81, %dma_wait3A_89] : memref<2x128xi32, #tpu.memory_space<vmem>> -> memref<1x128xi32, #tpu.memory_space<vmem>>
        %dma_wait3A_91 = tpu.memref_squeeze %dma_wait3A_90 : memref<1x128xi32, #tpu.memory_space<vmem>> -> memref<128xi32, #tpu.memory_space<vmem>>
        %dma_wait3A_92 = arith.constant 0 : i32
        %dma_wait3A_93 = arith.constant 0 : i32
        %dma_wait3A_94 = tpu.memref_slice %arg14[%dma_wait3A_92, %dma_wait3A_93] : memref<10240x128xf32, #tpu.memory_space<vmem_shared>> -> memref<10240x128xf32, #tpu.memory_space<vmem_shared>>
        tpu.wait_indirect_dma semaphore(%run_scoped3A_82 : memref<!tpu.dma_semaphore, #tpu.memory_space<semaphore_mem>>) src(%arg13 : memref<128x128xf32, #tpu.memory_space<vmem>>) dst(%dma_wait3A_94 : memref<10240x128xf32, #tpu.memory_space<vmem_shared>>)
        tpu.yield
      }) : () -> ()
    } else {
    }
    %eq3A_3 = arith.constant 1 : i32
    %eq3A_4 = arith.cmpi eq, %arg0, %eq3A_3 : i32
    %convert_element_type3A_5 = arith.extui %eq3A_4 : i1 to i32
    %cond3A_6 = arith.constant 0 : i32
    %cond3A_7 = arith.cmpi ne, %convert_element_type3A_5, %cond3A_6 : i32
    scf.if %cond3A_7 {
      %mul3A_15 = arith.constant 16 : i32
      %mul3A_16 = arith.muli %arg1, %mul3A_15 : i32
      %add3A_17 = arith.constant 2304 : i32
      %add3A_18 = arith.addi %add3A_17, %mul3A_16 : i32
      %mul3A_19 = arith.constant 128 : i32
      %mul3A_20 = arith.muli %add3A_18, %mul3A_19 : i32
      %scan3A = arith.constant 0 : i32
      %scan3A_21 = arith.constant 16 : i32
      %scan3A_22 = arith.addi %scan3A, %scan3A_21 : i32
      %scan3A_23 = arith.constant 1 : i32
      scf.for %scan3A_25 = %scan3A to %scan3A_22 step %scan3A_23  : i32 {
        %mul3A_26 = arith.constant 1 : i32
        %mul3A_27 = arith.muli %scan3A_25, %mul3A_26 : i32
        %add3A_28 = arith.constant 0 : i32
        %add3A_29 = arith.addi %add3A_28, %mul3A_27 : i32
        %mul3A_30 = arith.constant 128 : i32
        %mul3A_31 = arith.muli %add3A_29, %mul3A_30 : i32
        %add3A_32 = arith.addi %mul3A_20, %mul3A_31 : i32
        "tpu.region"() ({
          %run_scoped3A = tpu.sem_alloc : memref<!tpu.dma_semaphore, #tpu.memory_space<semaphore_mem>>
          %dma_start3A_37 = tpu.memref_slice %arg4[%add3A_32] : memref<327680xi32, #tpu.memory_space<hbm>> -> memref<128xi32, #tpu.memory_space<hbm>>
          %dma_start3A_38 = tpu.memref_slice %arg4[%add3A_32] : memref<327680xi32, #tpu.memory_space<hbm>> -> memref<128xi32, #tpu.memory_space<hbm>>
          tpu.enqueue_dma source(%dma_start3A_38 : memref<128xi32, #tpu.memory_space<hbm>>) target(%arg10 : memref<128xi32, #tpu.memory_space<vmem>>) target_semaphore(%run_scoped3A : memref<!tpu.dma_semaphore, #tpu.memory_space<semaphore_mem>>)
          %dma_wait3A_39 = tpu.memref_slice %arg4[%add3A_32] : memref<327680xi32, #tpu.memory_space<hbm>> -> memref<128xi32, #tpu.memory_space<hbm>>
          %dma_wait3A_40 = tpu.memref_slice %arg4[%add3A_32] : memref<327680xi32, #tpu.memory_space<hbm>> -> memref<128xi32, #tpu.memory_space<hbm>>
          tpu.wait_dma2 semaphore(%run_scoped3A : memref<!tpu.dma_semaphore, #tpu.memory_space<semaphore_mem>>) src(%dma_wait3A_40 : memref<128xi32, #tpu.memory_space<hbm>>) dst(%arg10 : memref<128xi32, #tpu.memory_space<vmem>>)
          tpu.yield
        }) : () -> ()
        "tpu.region"() ({
          %run_scoped3A = tpu.sem_alloc : memref<!tpu.dma_semaphore, #tpu.memory_space<semaphore_mem>>
          %dma_start3A_37 = tpu.memref_slice %arg5[%add3A_32] : memref<327680xi32, #tpu.memory_space<hbm>> -> memref<128xi32, #tpu.memory_space<hbm>>
          %dma_start3A_38 = tpu.memref_slice %arg5[%add3A_32] : memref<327680xi32, #tpu.memory_space<hbm>> -> memref<128xi32, #tpu.memory_space<hbm>>
          tpu.enqueue_dma source(%dma_start3A_38 : memref<128xi32, #tpu.memory_space<hbm>>) target(%arg11 : memref<128xi32, #tpu.memory_space<vmem>>) target_semaphore(%run_scoped3A : memref<!tpu.dma_semaphore, #tpu.memory_space<semaphore_mem>>)
          %dma_wait3A_39 = tpu.memref_slice %arg5[%add3A_32] : memref<327680xi32, #tpu.memory_space<hbm>> -> memref<128xi32, #tpu.memory_space<hbm>>
          %dma_wait3A_40 = tpu.memref_slice %arg5[%add3A_32] : memref<327680xi32, #tpu.memory_space<hbm>> -> memref<128xi32, #tpu.memory_space<hbm>>
          tpu.wait_dma2 semaphore(%run_scoped3A : memref<!tpu.dma_semaphore, #tpu.memory_space<semaphore_mem>>) src(%dma_wait3A_40 : memref<128xi32, #tpu.memory_space<hbm>>) dst(%arg11 : memref<128xi32, #tpu.memory_space<vmem>>)
          tpu.yield
        }) : () -> ()
        %dma_start3A = arith.constant 0 : i32
        %dma_start3A_33 = arith.constant 0 : i32
        %dma_start3A_34 = tpu.memref_slice %arg2[%dma_start3A, %dma_start3A_33] : memref<10000x128xf32, #tpu.memory_space<hbm>> -> memref<10000x128xf32, #tpu.memory_space<hbm>>
        tpu.enqueue_indirect_dma source(%dma_start3A_34 : memref<10000x128xf32, #tpu.memory_space<hbm>>) target(%arg12 : memref<128x128xf32, #tpu.memory_space<vmem>>) offsets(%arg10 : memref<128xi32, #tpu.memory_space<vmem>>) semaphore(%arg17 : memref<!tpu.dma_semaphore, #tpu.memory_space<semaphore_mem>>)
        %dma_wait3A = arith.constant 0 : i32
        %dma_wait3A_35 = arith.constant 0 : i32
        %dma_wait3A_36 = tpu.memref_slice %arg2[%dma_wait3A, %dma_wait3A_35] : memref<10000x128xf32, #tpu.memory_space<hbm>> -> memref<10000x128xf32, #tpu.memory_space<hbm>>
        tpu.wait_indirect_dma semaphore(%arg17 : memref<!tpu.dma_semaphore, #tpu.memory_space<semaphore_mem>>) src(%dma_wait3A_36 : memref<10000x128xf32, #tpu.memory_space<hbm>>) dst(%arg12 : memref<128x128xf32, #tpu.memory_space<vmem>>)
        "tpu.region"() ({
          %run_scoped3A = tpu.sem_alloc : memref<!tpu.dma_semaphore, #tpu.memory_space<semaphore_mem>>
          %dma_start3A_37 = arith.constant 0 : i32
          %dma_start3A_38 = arith.constant 0 : i32
          %dma_start3A_39 = tpu.memref_slice %arg14[%dma_start3A_37, %dma_start3A_38] : memref<10240x128xf32, #tpu.memory_space<vmem_shared>> -> memref<10240x128xf32, #tpu.memory_space<vmem_shared>>
          tpu.enqueue_indirect_dma source(%arg12 : memref<128x128xf32, #tpu.memory_space<vmem>>) target(%dma_start3A_39 : memref<10240x128xf32, #tpu.memory_space<vmem_shared>>) offsets(%arg11 : memref<128xi32, #tpu.memory_space<vmem>>) semaphore(%run_scoped3A : memref<!tpu.dma_semaphore, #tpu.memory_space<semaphore_mem>>) {add = true}
          %dma_wait3A_40 = arith.constant 0 : i32
          %dma_wait3A_41 = arith.constant 0 : i32
          %dma_wait3A_42 = tpu.memref_slice %arg14[%dma_wait3A_40, %dma_wait3A_41] : memref<10240x128xf32, #tpu.memory_space<vmem_shared>> -> memref<10240x128xf32, #tpu.memory_space<vmem_shared>>
          tpu.wait_indirect_dma semaphore(%run_scoped3A : memref<!tpu.dma_semaphore, #tpu.memory_space<semaphore_mem>>) src(%arg12 : memref<128x128xf32, #tpu.memory_space<vmem>>) dst(%dma_wait3A_42 : memref<10240x128xf32, #tpu.memory_space<vmem_shared>>)
          tpu.yield
        }) : () -> ()
      }
      %scan3A_24 = arith.constant 16 : i32
    } else {
    }
    %barrier3A_8 = arith.constant 0 : index
    tpu.barrier barrier_id(%barrier3A_8)
    %mul3A_9 = arith.constant 10240 : i32
    %mul3A_10 = arith.muli %arg0, %mul3A_9 : i32
    %mul3A_11 = arith.constant 640 : i32
    %mul3A_12 = arith.muli %arg1, %mul3A_11 : i32
    %add3A = arith.addi %mul3A_10, %mul3A_12 : i32
    %mul3A_13 = arith.constant 640 : i32
    %mul3A_14 = arith.muli %arg1, %mul3A_13 : i32
    "tpu.region"() ({
      %run_scoped3A = tpu.sem_alloc : memref<!tpu.dma_semaphore, #tpu.memory_space<semaphore_mem>>
      %dma_start3A = arith.constant 0 : i32
      %dma_start3A_15 = tpu.memref_slice %arg7[%add3A, %dma_start3A] : memref<20480x128xf32, #tpu.memory_space<hbm>> -> memref<640x128xf32, #tpu.memory_space<hbm>>
      %dma_start3A_16 = arith.constant 0 : i32
      %dma_start3A_17 = tpu.memref_slice %arg14[%mul3A_14, %dma_start3A_16] : memref<10240x128xf32, #tpu.memory_space<vmem_shared>> -> memref<640x128xf32, #tpu.memory_space<vmem_shared>>
      tpu.enqueue_dma source(%dma_start3A_17 : memref<640x128xf32, #tpu.memory_space<vmem_shared>>) target(%dma_start3A_15 : memref<640x128xf32, #tpu.memory_space<hbm>>) target_semaphore(%run_scoped3A : memref<!tpu.dma_semaphore, #tpu.memory_space<semaphore_mem>>)
      %dma_wait3A = arith.constant 0 : i32
      %dma_wait3A_18 = tpu.memref_slice %arg7[%add3A, %dma_wait3A] : memref<20480x128xf32, #tpu.memory_space<hbm>> -> memref<640x128xf32, #tpu.memory_space<hbm>>
      %dma_wait3A_19 = arith.constant 0 : i32
      %dma_wait3A_20 = tpu.memref_slice %arg14[%mul3A_14, %dma_wait3A_19] : memref<10240x128xf32, #tpu.memory_space<vmem_shared>> -> memref<640x128xf32, #tpu.memory_space<vmem_shared>>
      tpu.wait_dma2 semaphore(%run_scoped3A : memref<!tpu.dma_semaphore, #tpu.memory_space<semaphore_mem>>) src(%dma_wait3A_20 : memref<640x128xf32, #tpu.memory_space<vmem_shared>>) dst(%dma_wait3A_18 : memref<640x128xf32, #tpu.memory_space<hbm>>)
      tpu.yield
    }) : () -> ()
    return
  }
}

#map = affine_map<(d0, d1) -> (0, 0, 0)>
#map1 = affine_map<(d0, d1) -> (0, 0)>
module attributes {stable_mosaic.version = 14 : i64} {
  func.func @k(%arg0: i32, %arg1: i32, %arg2: memref<2560x2x128xi32, #tpu.memory_space<hbm>>, %arg3: memref<128x128xf32, #tpu.memory_space<hbm>>, %arg4: memref<640x128xf32, #tpu.memory_space<hbm>>, %arg5: memref<20480x128xf32, #tpu.memory_space<hbm>>, %arg6: memref<2x128xi32, #tpu.memory_space<vmem>>, %arg7: memref<2x128xi32, #tpu.memory_space<vmem>>, %arg8: memref<128x128xf32, #tpu.memory_space<vmem>>, %arg9: memref<10240x128xf32, #tpu.memory_space<vmem_shared>>, %arg10: memref<!tpu.dma_semaphore, #tpu.memory_space<semaphore_mem>>, %arg11: memref<!tpu.dma_semaphore, #tpu.memory_space<semaphore_mem>>) attributes {dimension_semantics = [#tpu.dimension_semantics<core_parallel>, #tpu.dimension_semantics<subcore_parallel>], iteration_bounds = array<i64: 2, 16>, scalar_prefetch = 0 : i64, scratch_operands = 6 : i64, tpu.core_type = #tpu.core_type<sc_vector_subcore>, window_params = [{transform_indices = #map}, {transform_indices = #map1}, {transform_indices = #map1}, {transform_indices = #map1}]} {
    %mul3A = arith.constant 640 : i32
    %mul3A_0 = arith.muli %arg1, %mul3A : i32
    "tpu.region"() ({
      %run_scoped3A = tpu.sem_alloc : memref<!tpu.dma_semaphore, #tpu.memory_space<semaphore_mem>>
      %dma_start3A_41 = arith.constant 0 : i32
      %dma_start3A_42 = tpu.memref_slice %arg9[%mul3A_0, %dma_start3A_41] : memref<10240x128xf32, #tpu.memory_space<vmem_shared>> -> memref<640x128xf32, #tpu.memory_space<vmem_shared>>
      tpu.enqueue_dma source(%arg4 : memref<640x128xf32, #tpu.memory_space<hbm>>) target(%dma_start3A_42 : memref<640x128xf32, #tpu.memory_space<vmem_shared>>) target_semaphore(%run_scoped3A : memref<!tpu.dma_semaphore, #tpu.memory_space<semaphore_mem>>)
      %dma_wait3A_43 = arith.constant 0 : i32
      %dma_wait3A_44 = tpu.memref_slice %arg9[%mul3A_0, %dma_wait3A_43] : memref<10240x128xf32, #tpu.memory_space<vmem_shared>> -> memref<640x128xf32, #tpu.memory_space<vmem_shared>>
      tpu.wait_dma2 semaphore(%run_scoped3A : memref<!tpu.dma_semaphore, #tpu.memory_space<semaphore_mem>>) src(%arg4 : memref<640x128xf32, #tpu.memory_space<hbm>>) dst(%dma_wait3A_44 : memref<640x128xf32, #tpu.memory_space<vmem_shared>>)
      tpu.yield
    }) : () -> ()
    "tpu.region"() ({
      %run_scoped3A = tpu.sem_alloc : memref<!tpu.dma_semaphore, #tpu.memory_space<semaphore_mem>>
      tpu.enqueue_dma source(%arg3 : memref<128x128xf32, #tpu.memory_space<hbm>>) target(%arg8 : memref<128x128xf32, #tpu.memory_space<vmem>>) target_semaphore(%run_scoped3A : memref<!tpu.dma_semaphore, #tpu.memory_space<semaphore_mem>>)
      tpu.wait_dma2 semaphore(%run_scoped3A : memref<!tpu.dma_semaphore, #tpu.memory_space<semaphore_mem>>) src(%arg3 : memref<128x128xf32, #tpu.memory_space<hbm>>) dst(%arg8 : memref<128x128xf32, #tpu.memory_space<vmem>>)
      tpu.yield
    }) : () -> ()
    %barrier3A = arith.constant 0 : index
    tpu.barrier barrier_id(%barrier3A)
    %mul3A_1 = arith.constant 16 : i32
    %mul3A_2 = arith.muli %arg0, %mul3A_1 : i32
    %add3A = arith.addi %mul3A_2, %arg1 : i32
    %mul3A_3 = arith.constant 80 : i32
    %mul3A_4 = arith.muli %add3A, %mul3A_3 : i32
    %dma_start3A = arith.constant 0 : i32
    %dma_start3A_5 = arith.constant 0 : i32
    %dma_start3A_6 = tpu.memref_slice %arg2[%mul3A_4, %dma_start3A, %dma_start3A_5] : memref<2560x2x128xi32, #tpu.memory_space<hbm>> -> memref<1x2x128xi32, #tpu.memory_space<hbm>>
    %dma_start3A_7 = tpu.memref_squeeze %dma_start3A_6 : memref<1x2x128xi32, #tpu.memory_space<hbm>> -> memref<2x128xi32, #tpu.memory_space<hbm>>
    %dma_start3A_8 = arith.constant 0 : i32
    %dma_start3A_9 = arith.constant 0 : i32
    %dma_start3A_10 = tpu.memref_slice %arg2[%mul3A_4, %dma_start3A_8, %dma_start3A_9] : memref<2560x2x128xi32, #tpu.memory_space<hbm>> -> memref<1x2x128xi32, #tpu.memory_space<hbm>>
    %dma_start3A_11 = tpu.memref_squeeze %dma_start3A_10 : memref<1x2x128xi32, #tpu.memory_space<hbm>> -> memref<2x128xi32, #tpu.memory_space<hbm>>
    tpu.enqueue_dma source(%dma_start3A_11 : memref<2x128xi32, #tpu.memory_space<hbm>>) target(%arg6 : memref<2x128xi32, #tpu.memory_space<vmem>>) target_semaphore(%arg10 : memref<!tpu.dma_semaphore, #tpu.memory_space<semaphore_mem>>)
    %dma_wait3A = arith.constant 0 : i32
    %dma_wait3A_12 = arith.constant 0 : i32
    %dma_wait3A_13 = tpu.memref_slice %arg2[%mul3A_4, %dma_wait3A, %dma_wait3A_12] : memref<2560x2x128xi32, #tpu.memory_space<hbm>> -> memref<1x2x128xi32, #tpu.memory_space<hbm>>
    %dma_wait3A_14 = tpu.memref_squeeze %dma_wait3A_13 : memref<1x2x128xi32, #tpu.memory_space<hbm>> -> memref<2x128xi32, #tpu.memory_space<hbm>>
    %dma_wait3A_15 = arith.constant 0 : i32
    %dma_wait3A_16 = arith.constant 0 : i32
    %dma_wait3A_17 = tpu.memref_slice %arg2[%mul3A_4, %dma_wait3A_15, %dma_wait3A_16] : memref<2560x2x128xi32, #tpu.memory_space<hbm>> -> memref<1x2x128xi32, #tpu.memory_space<hbm>>
    %dma_wait3A_18 = tpu.memref_squeeze %dma_wait3A_17 : memref<1x2x128xi32, #tpu.memory_space<hbm>> -> memref<2x128xi32, #tpu.memory_space<hbm>>
    tpu.wait_dma2 semaphore(%arg10 : memref<!tpu.dma_semaphore, #tpu.memory_space<semaphore_mem>>) src(%dma_wait3A_18 : memref<2x128xi32, #tpu.memory_space<hbm>>) dst(%arg6 : memref<2x128xi32, #tpu.memory_space<vmem>>)
    %add3A_19 = arith.constant 1 : i32
    %add3A_20 = arith.addi %mul3A_4, %add3A_19 : i32
    %dma_start3A_21 = arith.constant 0 : i32
    %dma_start3A_22 = arith.constant 0 : i32
    %dma_start3A_23 = tpu.memref_slice %arg2[%add3A_20, %dma_start3A_21, %dma_start3A_22] : memref<2560x2x128xi32, #tpu.memory_space<hbm>> -> memref<1x2x128xi32, #tpu.memory_space<hbm>>
    %dma_start3A_24 = tpu.memref_squeeze %dma_start3A_23 : memref<1x2x128xi32, #tpu.memory_space<hbm>> -> memref<2x128xi32, #tpu.memory_space<hbm>>
    %dma_start3A_25 = arith.constant 0 : i32
    %dma_start3A_26 = arith.constant 0 : i32
    %dma_start3A_27 = tpu.memref_slice %arg2[%add3A_20, %dma_start3A_25, %dma_start3A_26] : memref<2560x2x128xi32, #tpu.memory_space<hbm>> -> memref<1x2x128xi32, #tpu.memory_space<hbm>>
    %dma_start3A_28 = tpu.memref_squeeze %dma_start3A_27 : memref<1x2x128xi32, #tpu.memory_space<hbm>> -> memref<2x128xi32, #tpu.memory_space<hbm>>
    tpu.enqueue_dma source(%dma_start3A_28 : memref<2x128xi32, #tpu.memory_space<hbm>>) target(%arg7 : memref<2x128xi32, #tpu.memory_space<vmem>>) target_semaphore(%arg11 : memref<!tpu.dma_semaphore, #tpu.memory_space<semaphore_mem>>)
    %scan3A = arith.constant 0 : i32
    %scan3A_29 = arith.constant 40 : i32
    %scan3A_30 = arith.addi %scan3A, %scan3A_29 : i32
    %scan3A_31 = arith.constant 1 : i32
    scf.for %scan3A_41 = %scan3A to %scan3A_30 step %scan3A_31  : i32 {
      %mul3A_42 = arith.constant 1 : i32
      %mul3A_43 = arith.muli %scan3A_41, %mul3A_42 : i32
      %add3A_44 = arith.constant 0 : i32
      %add3A_45 = arith.addi %add3A_44, %mul3A_43 : i32
      %mul3A_46 = arith.constant 2 : i32
      %mul3A_47 = arith.muli %mul3A_46, %add3A_45 : i32
      %add3A_48 = arith.constant 0 : i32
      %add3A_49 = arith.addi %mul3A_47, %add3A_48 : i32
      %run_scoped3A = arith.constant 1 : i32
      "tpu.region"() ({
        %run_scoped3A_80 = tpu.sem_alloc : memref<!tpu.dma_semaphore, #tpu.memory_space<semaphore_mem>>
        %dma_start3A_81 = arith.constant 0 : i32
        %dma_start3A_82 = tpu.memref_slice %arg6[%run_scoped3A, %dma_start3A_81] : memref<2x128xi32, #tpu.memory_space<vmem>> -> memref<1x128xi32, #tpu.memory_space<vmem>>
        %dma_start3A_83 = tpu.memref_squeeze %dma_start3A_82 : memref<1x128xi32, #tpu.memory_space<vmem>> -> memref<128xi32, #tpu.memory_space<vmem>>
        %dma_start3A_84 = arith.constant 0 : i32
        %dma_start3A_85 = arith.constant 0 : i32
        %dma_start3A_86 = tpu.memref_slice %arg9[%dma_start3A_84, %dma_start3A_85] : memref<10240x128xf32, #tpu.memory_space<vmem_shared>> -> memref<10240x128xf32, #tpu.memory_space<vmem_shared>>
        tpu.enqueue_indirect_dma source(%arg8 : memref<128x128xf32, #tpu.memory_space<vmem>>) target(%dma_start3A_86 : memref<10240x128xf32, #tpu.memory_space<vmem_shared>>) offsets(%dma_start3A_83 : memref<128xi32, #tpu.memory_space<vmem>>) semaphore(%run_scoped3A_80 : memref<!tpu.dma_semaphore, #tpu.memory_space<semaphore_mem>>) {add = true}
        %dma_wait3A_87 = arith.constant 0 : i32
        %dma_wait3A_88 = tpu.memref_slice %arg6[%run_scoped3A, %dma_wait3A_87] : memref<2x128xi32, #tpu.memory_space<vmem>> -> memref<1x128xi32, #tpu.memory_space<vmem>>
        %dma_wait3A_89 = tpu.memref_squeeze %dma_wait3A_88 : memref<1x128xi32, #tpu.memory_space<vmem>> -> memref<128xi32, #tpu.memory_space<vmem>>
        %dma_wait3A_90 = arith.constant 0 : i32
        %dma_wait3A_91 = arith.constant 0 : i32
        %dma_wait3A_92 = tpu.memref_slice %arg9[%dma_wait3A_90, %dma_wait3A_91] : memref<10240x128xf32, #tpu.memory_space<vmem_shared>> -> memref<10240x128xf32, #tpu.memory_space<vmem_shared>>
        tpu.wait_indirect_dma semaphore(%run_scoped3A_80 : memref<!tpu.dma_semaphore, #tpu.memory_space<semaphore_mem>>) src(%arg8 : memref<128x128xf32, #tpu.memory_space<vmem>>) dst(%dma_wait3A_92 : memref<10240x128xf32, #tpu.memory_space<vmem_shared>>)
        tpu.yield
      }) : () -> ()
      %add3A_50 = arith.constant 2 : i32
      %add3A_51 = arith.addi %add3A_49, %add3A_50 : i32
      %lt3A = arith.constant 80 : i32
      %lt3A_52 = arith.cmpi slt, %add3A_51, %lt3A : i32
      %convert_element_type3A = arith.extui %lt3A_52 : i1 to i32
      %cond3A = arith.constant 0 : i32
      %cond3A_53 = arith.cmpi ne, %convert_element_type3A, %cond3A : i32
      scf.if %cond3A_53 {
        %add3A_80 = arith.addi %mul3A_4, %add3A_49 : i32
        %add3A_81 = arith.constant 2 : i32
        %add3A_82 = arith.addi %add3A_80, %add3A_81 : i32
        %dma_start3A_83 = arith.constant 0 : i32
        %dma_start3A_84 = arith.constant 0 : i32
        %dma_start3A_85 = tpu.memref_slice %arg2[%add3A_82, %dma_start3A_83, %dma_start3A_84] : memref<2560x2x128xi32, #tpu.memory_space<hbm>> -> memref<1x2x128xi32, #tpu.memory_space<hbm>>
        %dma_start3A_86 = tpu.memref_squeeze %dma_start3A_85 : memref<1x2x128xi32, #tpu.memory_space<hbm>> -> memref<2x128xi32, #tpu.memory_space<hbm>>
        %dma_start3A_87 = arith.constant 0 : i32
        %dma_start3A_88 = arith.constant 0 : i32
        %dma_start3A_89 = tpu.memref_slice %arg2[%add3A_82, %dma_start3A_87, %dma_start3A_88] : memref<2560x2x128xi32, #tpu.memory_space<hbm>> -> memref<1x2x128xi32, #tpu.memory_space<hbm>>
        %dma_start3A_90 = tpu.memref_squeeze %dma_start3A_89 : memref<1x2x128xi32, #tpu.memory_space<hbm>> -> memref<2x128xi32, #tpu.memory_space<hbm>>
        tpu.enqueue_dma source(%dma_start3A_90 : memref<2x128xi32, #tpu.memory_space<hbm>>) target(%arg6 : memref<2x128xi32, #tpu.memory_space<vmem>>) target_semaphore(%arg10 : memref<!tpu.dma_semaphore, #tpu.memory_space<semaphore_mem>>)
      } else {
      }
      %add3A_54 = arith.constant 1 : i32
      %add3A_55 = arith.addi %add3A_49, %add3A_54 : i32
      %lt3A_56 = arith.constant 80 : i32
      %lt3A_57 = arith.cmpi slt, %add3A_55, %lt3A_56 : i32
      %convert_element_type3A_58 = arith.extui %lt3A_57 : i1 to i32
      %cond3A_59 = arith.constant 0 : i32
      %cond3A_60 = arith.cmpi ne, %convert_element_type3A_58, %cond3A_59 : i32
      scf.if %cond3A_60 {
        %dma_wait3A_80 = arith.constant 0 : i32
        %dma_wait3A_81 = arith.constant 0 : i32
        %dma_wait3A_82 = tpu.memref_slice %arg2[%mul3A_4, %dma_wait3A_80, %dma_wait3A_81] : memref<2560x2x128xi32, #tpu.memory_space<hbm>> -> memref<1x2x128xi32, #tpu.memory_space<hbm>>
        %dma_wait3A_83 = tpu.memref_squeeze %dma_wait3A_82 : memref<1x2x128xi32, #tpu.memory_space<hbm>> -> memref<2x128xi32, #tpu.memory_space<hbm>>
        %dma_wait3A_84 = arith.constant 0 : i32
        %dma_wait3A_85 = arith.constant 0 : i32
        %dma_wait3A_86 = tpu.memref_slice %arg2[%mul3A_4, %dma_wait3A_84, %dma_wait3A_85] : memref<2560x2x128xi32, #tpu.memory_space<hbm>> -> memref<1x2x128xi32, #tpu.memory_space<hbm>>
        %dma_wait3A_87 = tpu.memref_squeeze %dma_wait3A_86 : memref<1x2x128xi32, #tpu.memory_space<hbm>> -> memref<2x128xi32, #tpu.memory_space<hbm>>
        tpu.wait_dma2 semaphore(%arg11 : memref<!tpu.dma_semaphore, #tpu.memory_space<semaphore_mem>>) src(%dma_wait3A_87 : memref<2x128xi32, #tpu.memory_space<hbm>>) dst(%arg7 : memref<2x128xi32, #tpu.memory_space<vmem>>)
      } else {
      }
      %mul3A_61 = arith.constant 2 : i32
      %mul3A_62 = arith.muli %mul3A_61, %add3A_45 : i32
      %add3A_63 = arith.constant 1 : i32
      %add3A_64 = arith.addi %mul3A_62, %add3A_63 : i32
      %run_scoped3A_65 = arith.constant 1 : i32
      "tpu.region"() ({
        %run_scoped3A_80 = tpu.sem_alloc : memref<!tpu.dma_semaphore, #tpu.memory_space<semaphore_mem>>
        %dma_start3A_81 = arith.constant 0 : i32
        %dma_start3A_82 = tpu.memref_slice %arg7[%run_scoped3A_65, %dma_start3A_81] : memref<2x128xi32, #tpu.memory_space<vmem>> -> memref<1x128xi32, #tpu.memory_space<vmem>>
        %dma_start3A_83 = tpu.memref_squeeze %dma_start3A_82 : memref<1x128xi32, #tpu.memory_space<vmem>> -> memref<128xi32, #tpu.memory_space<vmem>>
        %dma_start3A_84 = arith.constant 0 : i32
        %dma_start3A_85 = arith.constant 0 : i32
        %dma_start3A_86 = tpu.memref_slice %arg9[%dma_start3A_84, %dma_start3A_85] : memref<10240x128xf32, #tpu.memory_space<vmem_shared>> -> memref<10240x128xf32, #tpu.memory_space<vmem_shared>>
        tpu.enqueue_indirect_dma source(%arg8 : memref<128x128xf32, #tpu.memory_space<vmem>>) target(%dma_start3A_86 : memref<10240x128xf32, #tpu.memory_space<vmem_shared>>) offsets(%dma_start3A_83 : memref<128xi32, #tpu.memory_space<vmem>>) semaphore(%run_scoped3A_80 : memref<!tpu.dma_semaphore, #tpu.memory_space<semaphore_mem>>) {add = true}
        %dma_wait3A_87 = arith.constant 0 : i32
        %dma_wait3A_88 = tpu.memref_slice %arg7[%run_scoped3A_65, %dma_wait3A_87] : memref<2x128xi32, #tpu.memory_space<vmem>> -> memref<1x128xi32, #tpu.memory_space<vmem>>
        %dma_wait3A_89 = tpu.memref_squeeze %dma_wait3A_88 : memref<1x128xi32, #tpu.memory_space<vmem>> -> memref<128xi32, #tpu.memory_space<vmem>>
        %dma_wait3A_90 = arith.constant 0 : i32
        %dma_wait3A_91 = arith.constant 0 : i32
        %dma_wait3A_92 = tpu.memref_slice %arg9[%dma_wait3A_90, %dma_wait3A_91] : memref<10240x128xf32, #tpu.memory_space<vmem_shared>> -> memref<10240x128xf32, #tpu.memory_space<vmem_shared>>
        tpu.wait_indirect_dma semaphore(%run_scoped3A_80 : memref<!tpu.dma_semaphore, #tpu.memory_space<semaphore_mem>>) src(%arg8 : memref<128x128xf32, #tpu.memory_space<vmem>>) dst(%dma_wait3A_92 : memref<10240x128xf32, #tpu.memory_space<vmem_shared>>)
        tpu.yield
      }) : () -> ()
      %add3A_66 = arith.constant 2 : i32
      %add3A_67 = arith.addi %add3A_64, %add3A_66 : i32
      %lt3A_68 = arith.constant 80 : i32
      %lt3A_69 = arith.cmpi slt, %add3A_67, %lt3A_68 : i32
      %convert_element_type3A_70 = arith.extui %lt3A_69 : i1 to i32
      %cond3A_71 = arith.constant 0 : i32
      %cond3A_72 = arith.cmpi ne, %convert_element_type3A_70, %cond3A_71 : i32
      scf.if %cond3A_72 {
        %add3A_80 = arith.addi %mul3A_4, %add3A_64 : i32
        %add3A_81 = arith.constant 2 : i32
        %add3A_82 = arith.addi %add3A_80, %add3A_81 : i32
        %dma_start3A_83 = arith.constant 0 : i32
        %dma_start3A_84 = arith.constant 0 : i32
        %dma_start3A_85 = tpu.memref_slice %arg2[%add3A_82, %dma_start3A_83, %dma_start3A_84] : memref<2560x2x128xi32, #tpu.memory_space<hbm>> -> memref<1x2x128xi32, #tpu.memory_space<hbm>>
        %dma_start3A_86 = tpu.memref_squeeze %dma_start3A_85 : memref<1x2x128xi32, #tpu.memory_space<hbm>> -> memref<2x128xi32, #tpu.memory_space<hbm>>
        %dma_start3A_87 = arith.constant 0 : i32
        %dma_start3A_88 = arith.constant 0 : i32
        %dma_start3A_89 = tpu.memref_slice %arg2[%add3A_82, %dma_start3A_87, %dma_start3A_88] : memref<2560x2x128xi32, #tpu.memory_space<hbm>> -> memref<1x2x128xi32, #tpu.memory_space<hbm>>
        %dma_start3A_90 = tpu.memref_squeeze %dma_start3A_89 : memref<1x2x128xi32, #tpu.memory_space<hbm>> -> memref<2x128xi32, #tpu.memory_space<hbm>>
        tpu.enqueue_dma source(%dma_start3A_90 : memref<2x128xi32, #tpu.memory_space<hbm>>) target(%arg7 : memref<2x128xi32, #tpu.memory_space<vmem>>) target_semaphore(%arg11 : memref<!tpu.dma_semaphore, #tpu.memory_space<semaphore_mem>>)
      } else {
      }
      %add3A_73 = arith.constant 1 : i32
      %add3A_74 = arith.addi %add3A_64, %add3A_73 : i32
      %lt3A_75 = arith.constant 80 : i32
      %lt3A_76 = arith.cmpi slt, %add3A_74, %lt3A_75 : i32
      %convert_element_type3A_77 = arith.extui %lt3A_76 : i1 to i32
      %cond3A_78 = arith.constant 0 : i32
      %cond3A_79 = arith.cmpi ne, %convert_element_type3A_77, %cond3A_78 : i32
      scf.if %cond3A_79 {
        %dma_wait3A_80 = arith.constant 0 : i32
        %dma_wait3A_81 = arith.constant 0 : i32
        %dma_wait3A_82 = tpu.memref_slice %arg2[%mul3A_4, %dma_wait3A_80, %dma_wait3A_81] : memref<2560x2x128xi32, #tpu.memory_space<hbm>> -> memref<1x2x128xi32, #tpu.memory_space<hbm>>
        %dma_wait3A_83 = tpu.memref_squeeze %dma_wait3A_82 : memref<1x2x128xi32, #tpu.memory_space<hbm>> -> memref<2x128xi32, #tpu.memory_space<hbm>>
        %dma_wait3A_84 = arith.constant 0 : i32
        %dma_wait3A_85 = arith.constant 0 : i32
        %dma_wait3A_86 = tpu.memref_slice %arg2[%mul3A_4, %dma_wait3A_84, %dma_wait3A_85] : memref<2560x2x128xi32, #tpu.memory_space<hbm>> -> memref<1x2x128xi32, #tpu.memory_space<hbm>>
        %dma_wait3A_87 = tpu.memref_squeeze %dma_wait3A_86 : memref<1x2x128xi32, #tpu.memory_space<hbm>> -> memref<2x128xi32, #tpu.memory_space<hbm>>
        tpu.wait_dma2 semaphore(%arg10 : memref<!tpu.dma_semaphore, #tpu.memory_space<semaphore_mem>>) src(%dma_wait3A_87 : memref<2x128xi32, #tpu.memory_space<hbm>>) dst(%arg6 : memref<2x128xi32, #tpu.memory_space<vmem>>)
      } else {
      }
    }
    %scan3A_32 = arith.constant 40 : i32
    %barrier3A_33 = arith.constant 0 : index
    tpu.barrier barrier_id(%barrier3A_33)
    %mul3A_34 = arith.constant 10240 : i32
    %mul3A_35 = arith.muli %arg0, %mul3A_34 : i32
    %mul3A_36 = arith.constant 640 : i32
    %mul3A_37 = arith.muli %arg1, %mul3A_36 : i32
    %add3A_38 = arith.addi %mul3A_35, %mul3A_37 : i32
    %mul3A_39 = arith.constant 640 : i32
    %mul3A_40 = arith.muli %arg1, %mul3A_39 : i32
    "tpu.region"() ({
      %run_scoped3A = tpu.sem_alloc : memref<!tpu.dma_semaphore, #tpu.memory_space<semaphore_mem>>
      %dma_start3A_41 = arith.constant 0 : i32
      %dma_start3A_42 = tpu.memref_slice %arg5[%add3A_38, %dma_start3A_41] : memref<20480x128xf32, #tpu.memory_space<hbm>> -> memref<640x128xf32, #tpu.memory_space<hbm>>
      %dma_start3A_43 = arith.constant 0 : i32
      %dma_start3A_44 = tpu.memref_slice %arg9[%mul3A_40, %dma_start3A_43] : memref<10240x128xf32, #tpu.memory_space<vmem_shared>> -> memref<640x128xf32, #tpu.memory_space<vmem_shared>>
      tpu.enqueue_dma source(%dma_start3A_44 : memref<640x128xf32, #tpu.memory_space<vmem_shared>>) target(%dma_start3A_42 : memref<640x128xf32, #tpu.memory_space<hbm>>) target_semaphore(%run_scoped3A : memref<!tpu.dma_semaphore, #tpu.memory_space<semaphore_mem>>)
      %dma_wait3A_45 = arith.constant 0 : i32
      %dma_wait3A_46 = tpu.memref_slice %arg5[%add3A_38, %dma_wait3A_45] : memref<20480x128xf32, #tpu.memory_space<hbm>> -> memref<640x128xf32, #tpu.memory_space<hbm>>
      %dma_wait3A_47 = arith.constant 0 : i32
      %dma_wait3A_48 = tpu.memref_slice %arg9[%mul3A_40, %dma_wait3A_47] : memref<10240x128xf32, #tpu.memory_space<vmem_shared>> -> memref<640x128xf32, #tpu.memory_space<vmem_shared>>
      tpu.wait_dma2 semaphore(%run_scoped3A : memref<!tpu.dma_semaphore, #tpu.memory_space<semaphore_mem>>) src(%dma_wait3A_48 : memref<640x128xf32, #tpu.memory_space<vmem_shared>>) dst(%dma_wait3A_46 : memref<640x128xf32, #tpu.memory_space<hbm>>)
      tpu.yield
    }) : () -> ()
    return
  }
}

#map = affine_map<(d0, d1) -> (0, 0)>
#map1 = affine_map<(d0, d1) -> (0, 0, 0)>
#map2 = affine_map<(d0, d1) -> (0)>
module attributes {stable_mosaic.version = 14 : i64} {
  func.func @k(%arg0: i32, %arg1: i32, %arg2: memref<10000x128xf32, #tpu.memory_space<hbm>>, %arg3: memref<2560x2x128xi32, #tpu.memory_space<hbm>>, %arg4: memref<327680xi32, #tpu.memory_space<hbm>>, %arg5: memref<327680xi32, #tpu.memory_space<hbm>>, %arg6: memref<640x128xf32, #tpu.memory_space<hbm>>, %arg7: memref<20480x128xf32, #tpu.memory_space<hbm>>, %arg8: memref<2x128xi32, #tpu.memory_space<vmem>>, %arg9: memref<2x128xi32, #tpu.memory_space<vmem>>, %arg10: memref<128xi32, #tpu.memory_space<vmem>>, %arg11: memref<128xi32, #tpu.memory_space<vmem>>, %arg12: memref<128x128xf32, #tpu.memory_space<vmem>>, %arg13: memref<128x128xf32, #tpu.memory_space<vmem>>, %arg14: memref<10240x128xf32, #tpu.memory_space<vmem_shared>>, %arg15: memref<!tpu.dma_semaphore, #tpu.memory_space<semaphore_mem>>, %arg16: memref<!tpu.dma_semaphore, #tpu.memory_space<semaphore_mem>>, %arg17: memref<!tpu.dma_semaphore, #tpu.memory_space<semaphore_mem>>, %arg18: memref<!tpu.dma_semaphore, #tpu.memory_space<semaphore_mem>>) attributes {dimension_semantics = [#tpu.dimension_semantics<core_parallel>, #tpu.dimension_semantics<subcore_parallel>], iteration_bounds = array<i64: 2, 16>, scalar_prefetch = 0 : i64, scratch_operands = 11 : i64, tpu.core_type = #tpu.core_type<sc_vector_subcore>, window_params = [{transform_indices = #map}, {transform_indices = #map1}, {transform_indices = #map2}, {transform_indices = #map2}, {transform_indices = #map}, {transform_indices = #map}]} {
    %mul3A = arith.constant 640 : i32
    %mul3A_0 = arith.muli %arg1, %mul3A : i32
    "tpu.region"() ({
      %run_scoped3A = tpu.sem_alloc : memref<!tpu.dma_semaphore, #tpu.memory_space<semaphore_mem>>
      %dma_start3A = arith.constant 0 : i32
      %dma_start3A_15 = tpu.memref_slice %arg14[%mul3A_0, %dma_start3A] : memref<10240x128xf32, #tpu.memory_space<vmem_shared>> -> memref<640x128xf32, #tpu.memory_space<vmem_shared>>
      tpu.enqueue_dma source(%arg6 : memref<640x128xf32, #tpu.memory_space<hbm>>) target(%dma_start3A_15 : memref<640x128xf32, #tpu.memory_space<vmem_shared>>) target_semaphore(%run_scoped3A : memref<!tpu.dma_semaphore, #tpu.memory_space<semaphore_mem>>)
      %dma_wait3A = arith.constant 0 : i32
      %dma_wait3A_16 = tpu.memref_slice %arg14[%mul3A_0, %dma_wait3A] : memref<10240x128xf32, #tpu.memory_space<vmem_shared>> -> memref<640x128xf32, #tpu.memory_space<vmem_shared>>
      tpu.wait_dma2 semaphore(%run_scoped3A : memref<!tpu.dma_semaphore, #tpu.memory_space<semaphore_mem>>) src(%arg6 : memref<640x128xf32, #tpu.memory_space<hbm>>) dst(%dma_wait3A_16 : memref<640x128xf32, #tpu.memory_space<vmem_shared>>)
      tpu.yield
    }) : () -> ()
    %barrier3A = arith.constant 0 : index
    tpu.barrier barrier_id(%barrier3A)
    %eq3A = arith.constant 0 : i32
    %eq3A_1 = arith.cmpi eq, %arg0, %eq3A : i32
    %convert_element_type3A = arith.extui %eq3A_1 : i1 to i32
    %cond3A = arith.constant 0 : i32
    %cond3A_2 = arith.cmpi ne, %convert_element_type3A, %cond3A : i32
    scf.if %cond3A_2 {
      %mul3A_15 = arith.constant 144 : i32
      %mul3A_16 = arith.muli %arg1, %mul3A_15 : i32
      %dma_start3A = arith.constant 0 : i32
      %dma_start3A_17 = arith.constant 0 : i32
      %dma_start3A_18 = tpu.memref_slice %arg3[%mul3A_16, %dma_start3A, %dma_start3A_17] : memref<2560x2x128xi32, #tpu.memory_space<hbm>> -> memref<1x2x128xi32, #tpu.memory_space<hbm>>
      %dma_start3A_19 = tpu.memref_squeeze %dma_start3A_18 : memref<1x2x128xi32, #tpu.memory_space<hbm>> -> memref<2x128xi32, #tpu.memory_space<hbm>>
      %dma_start3A_20 = arith.constant 0 : i32
      %dma_start3A_21 = arith.constant 0 : i32
      %dma_start3A_22 = tpu.memref_slice %arg3[%mul3A_16, %dma_start3A_20, %dma_start3A_21] : memref<2560x2x128xi32, #tpu.memory_space<hbm>> -> memref<1x2x128xi32, #tpu.memory_space<hbm>>
      %dma_start3A_23 = tpu.memref_squeeze %dma_start3A_22 : memref<1x2x128xi32, #tpu.memory_space<hbm>> -> memref<2x128xi32, #tpu.memory_space<hbm>>
      tpu.enqueue_dma source(%dma_start3A_23 : memref<2x128xi32, #tpu.memory_space<hbm>>) target(%arg8 : memref<2x128xi32, #tpu.memory_space<vmem>>) target_semaphore(%arg15 : memref<!tpu.dma_semaphore, #tpu.memory_space<semaphore_mem>>)
      %dma_wait3A = arith.constant 0 : i32
      %dma_wait3A_24 = arith.constant 0 : i32
      %dma_wait3A_25 = tpu.memref_slice %arg3[%mul3A_16, %dma_wait3A, %dma_wait3A_24] : memref<2560x2x128xi32, #tpu.memory_space<hbm>> -> memref<1x2x128xi32, #tpu.memory_space<hbm>>
      %dma_wait3A_26 = tpu.memref_squeeze %dma_wait3A_25 : memref<1x2x128xi32, #tpu.memory_space<hbm>> -> memref<2x128xi32, #tpu.memory_space<hbm>>
      %dma_wait3A_27 = arith.constant 0 : i32
      %dma_wait3A_28 = arith.constant 0 : i32
      %dma_wait3A_29 = tpu.memref_slice %arg3[%mul3A_16, %dma_wait3A_27, %dma_wait3A_28] : memref<2560x2x128xi32, #tpu.memory_space<hbm>> -> memref<1x2x128xi32, #tpu.memory_space<hbm>>
      %dma_wait3A_30 = tpu.memref_squeeze %dma_wait3A_29 : memref<1x2x128xi32, #tpu.memory_space<hbm>> -> memref<2x128xi32, #tpu.memory_space<hbm>>
      tpu.wait_dma2 semaphore(%arg15 : memref<!tpu.dma_semaphore, #tpu.memory_space<semaphore_mem>>) src(%dma_wait3A_30 : memref<2x128xi32, #tpu.memory_space<hbm>>) dst(%arg8 : memref<2x128xi32, #tpu.memory_space<vmem>>)
      %add3A_31 = arith.constant 1 : i32
      %add3A_32 = arith.addi %mul3A_16, %add3A_31 : i32
      %dma_start3A_33 = arith.constant 0 : i32
      %dma_start3A_34 = arith.constant 0 : i32
      %dma_start3A_35 = tpu.memref_slice %arg3[%add3A_32, %dma_start3A_33, %dma_start3A_34] : memref<2560x2x128xi32, #tpu.memory_space<hbm>> -> memref<1x2x128xi32, #tpu.memory_space<hbm>>
      %dma_start3A_36 = tpu.memref_squeeze %dma_start3A_35 : memref<1x2x128xi32, #tpu.memory_space<hbm>> -> memref<2x128xi32, #tpu.memory_space<hbm>>
      %dma_start3A_37 = arith.constant 0 : i32
      %dma_start3A_38 = arith.constant 0 : i32
      %dma_start3A_39 = tpu.memref_slice %arg3[%add3A_32, %dma_start3A_37, %dma_start3A_38] : memref<2560x2x128xi32, #tpu.memory_space<hbm>> -> memref<1x2x128xi32, #tpu.memory_space<hbm>>
      %dma_start3A_40 = tpu.memref_squeeze %dma_start3A_39 : memref<1x2x128xi32, #tpu.memory_space<hbm>> -> memref<2x128xi32, #tpu.memory_space<hbm>>
      tpu.enqueue_dma source(%dma_start3A_40 : memref<2x128xi32, #tpu.memory_space<hbm>>) target(%arg9 : memref<2x128xi32, #tpu.memory_space<vmem>>) target_semaphore(%arg16 : memref<!tpu.dma_semaphore, #tpu.memory_space<semaphore_mem>>)
      %dma_start3A_41 = arith.constant 0 : i32
      %dma_start3A_42 = arith.constant 0 : i32
      %dma_start3A_43 = tpu.memref_slice %arg8[%dma_start3A_41, %dma_start3A_42] : memref<2x128xi32, #tpu.memory_space<vmem>> -> memref<1x128xi32, #tpu.memory_space<vmem>>
      %dma_start3A_44 = tpu.memref_squeeze %dma_start3A_43 : memref<1x128xi32, #tpu.memory_space<vmem>> -> memref<128xi32, #tpu.memory_space<vmem>>
      %dma_start3A_45 = arith.constant 0 : i32
      %dma_start3A_46 = arith.constant 0 : i32
      %dma_start3A_47 = tpu.memref_slice %arg2[%dma_start3A_45, %dma_start3A_46] : memref<10000x128xf32, #tpu.memory_space<hbm>> -> memref<10000x128xf32, #tpu.memory_space<hbm>>
      tpu.enqueue_indirect_dma source(%dma_start3A_47 : memref<10000x128xf32, #tpu.memory_space<hbm>>) target(%arg12 : memref<128x128xf32, #tpu.memory_space<vmem>>) offsets(%dma_start3A_44 : memref<128xi32, #tpu.memory_space<vmem>>) semaphore(%arg17 : memref<!tpu.dma_semaphore, #tpu.memory_space<semaphore_mem>>)
      %scan3A = arith.constant 0 : i32
      %scan3A_48 = arith.constant 71 : i32
      %scan3A_49 = arith.addi %scan3A, %scan3A_48 : i32
      %scan3A_50 = arith.constant 1 : i32
      scf.for %scan3A_82 = %scan3A to %scan3A_49 step %scan3A_50  : i32 {
        %mul3A_83 = arith.constant 1 : i32
        %mul3A_84 = arith.muli %scan3A_82, %mul3A_83 : i32
        %add3A_85 = arith.constant 0 : i32
        %add3A_86 = arith.addi %add3A_85, %mul3A_84 : i32
        %mul3A_87 = arith.constant 2 : i32
        %mul3A_88 = arith.muli %mul3A_87, %add3A_86 : i32
        %dma_wait3A_89 = arith.constant 0 : i32
        %dma_wait3A_90 = arith.constant 0 : i32
        %dma_wait3A_91 = tpu.memref_slice %arg3[%mul3A_16, %dma_wait3A_89, %dma_wait3A_90] : memref<2560x2x128xi32, #tpu.memory_space<hbm>> -> memref<1x2x128xi32, #tpu.memory_space<hbm>>
        %dma_wait3A_92 = tpu.memref_squeeze %dma_wait3A_91 : memref<1x2x128xi32, #tpu.memory_space<hbm>> -> memref<2x128xi32, #tpu.memory_space<hbm>>
        %dma_wait3A_93 = arith.constant 0 : i32
        %dma_wait3A_94 = arith.constant 0 : i32
        %dma_wait3A_95 = tpu.memref_slice %arg3[%mul3A_16, %dma_wait3A_93, %dma_wait3A_94] : memref<2560x2x128xi32, #tpu.memory_space<hbm>> -> memref<1x2x128xi32, #tpu.memory_space<hbm>>
        %dma_wait3A_96 = tpu.memref_squeeze %dma_wait3A_95 : memref<1x2x128xi32, #tpu.memory_space<hbm>> -> memref<2x128xi32, #tpu.memory_space<hbm>>
        tpu.wait_dma2 semaphore(%arg16 : memref<!tpu.dma_semaphore, #tpu.memory_space<semaphore_mem>>) src(%dma_wait3A_96 : memref<2x128xi32, #tpu.memory_space<hbm>>) dst(%arg9 : memref<2x128xi32, #tpu.memory_space<vmem>>)
        %dma_start3A_97 = arith.constant 0 : i32
        %dma_start3A_98 = arith.constant 0 : i32
        %dma_start3A_99 = tpu.memref_slice %arg9[%dma_start3A_97, %dma_start3A_98] : memref<2x128xi32, #tpu.memory_space<vmem>> -> memref<1x128xi32, #tpu.memory_space<vmem>>
        %dma_start3A_100 = tpu.memref_squeeze %dma_start3A_99 : memref<1x128xi32, #tpu.memory_space<vmem>> -> memref<128xi32, #tpu.memory_space<vmem>>
        %dma_start3A_101 = arith.constant 0 : i32
        %dma_start3A_102 = arith.constant 0 : i32
        %dma_start3A_103 = tpu.memref_slice %arg2[%dma_start3A_101, %dma_start3A_102] : memref<10000x128xf32, #tpu.memory_space<hbm>> -> memref<10000x128xf32, #tpu.memory_space<hbm>>
        tpu.enqueue_indirect_dma source(%dma_start3A_103 : memref<10000x128xf32, #tpu.memory_space<hbm>>) target(%arg13 : memref<128x128xf32, #tpu.memory_space<vmem>>) offsets(%dma_start3A_100 : memref<128xi32, #tpu.memory_space<vmem>>) semaphore(%arg18 : memref<!tpu.dma_semaphore, #tpu.memory_space<semaphore_mem>>)
        %dma_wait3A_104 = arith.constant 0 : i32
        %dma_wait3A_105 = arith.constant 0 : i32
        %dma_wait3A_106 = tpu.memref_slice %arg8[%dma_wait3A_104, %dma_wait3A_105] : memref<2x128xi32, #tpu.memory_space<vmem>> -> memref<1x128xi32, #tpu.memory_space<vmem>>
        %dma_wait3A_107 = tpu.memref_squeeze %dma_wait3A_106 : memref<1x128xi32, #tpu.memory_space<vmem>> -> memref<128xi32, #tpu.memory_space<vmem>>
        %dma_wait3A_108 = arith.constant 0 : i32
        %dma_wait3A_109 = arith.constant 0 : i32
        %dma_wait3A_110 = tpu.memref_slice %arg2[%dma_wait3A_108, %dma_wait3A_109] : memref<10000x128xf32, #tpu.memory_space<hbm>> -> memref<10000x128xf32, #tpu.memory_space<hbm>>
        tpu.wait_indirect_dma semaphore(%arg17 : memref<!tpu.dma_semaphore, #tpu.memory_space<semaphore_mem>>) src(%dma_wait3A_110 : memref<10000x128xf32, #tpu.memory_space<hbm>>) dst(%arg12 : memref<128x128xf32, #tpu.memory_space<vmem>>)
        %run_scoped3A_111 = arith.constant 1 : i32
        "tpu.region"() ({
          %run_scoped3A_161 = tpu.sem_alloc : memref<!tpu.dma_semaphore, #tpu.memory_space<semaphore_mem>>
          %dma_start3A_162 = arith.constant 0 : i32
          %dma_start3A_163 = tpu.memref_slice %arg8[%run_scoped3A_111, %dma_start3A_162] : memref<2x128xi32, #tpu.memory_space<vmem>> -> memref<1x128xi32, #tpu.memory_space<vmem>>
          %dma_start3A_164 = tpu.memref_squeeze %dma_start3A_163 : memref<1x128xi32, #tpu.memory_space<vmem>> -> memref<128xi32, #tpu.memory_space<vmem>>
          %dma_start3A_165 = arith.constant 0 : i32
          %dma_start3A_166 = arith.constant 0 : i32
          %dma_start3A_167 = tpu.memref_slice %arg14[%dma_start3A_165, %dma_start3A_166] : memref<10240x128xf32, #tpu.memory_space<vmem_shared>> -> memref<10240x128xf32, #tpu.memory_space<vmem_shared>>
          tpu.enqueue_indirect_dma source(%arg12 : memref<128x128xf32, #tpu.memory_space<vmem>>) target(%dma_start3A_167 : memref<10240x128xf32, #tpu.memory_space<vmem_shared>>) offsets(%dma_start3A_164 : memref<128xi32, #tpu.memory_space<vmem>>) semaphore(%run_scoped3A_161 : memref<!tpu.dma_semaphore, #tpu.memory_space<semaphore_mem>>) {add = true}
          %dma_wait3A_168 = arith.constant 0 : i32
          %dma_wait3A_169 = tpu.memref_slice %arg8[%run_scoped3A_111, %dma_wait3A_168] : memref<2x128xi32, #tpu.memory_space<vmem>> -> memref<1x128xi32, #tpu.memory_space<vmem>>
          %dma_wait3A_170 = tpu.memref_squeeze %dma_wait3A_169 : memref<1x128xi32, #tpu.memory_space<vmem>> -> memref<128xi32, #tpu.memory_space<vmem>>
          %dma_wait3A_171 = arith.constant 0 : i32
          %dma_wait3A_172 = arith.constant 0 : i32
          %dma_wait3A_173 = tpu.memref_slice %arg14[%dma_wait3A_171, %dma_wait3A_172] : memref<10240x128xf32, #tpu.memory_space<vmem_shared>> -> memref<10240x128xf32, #tpu.memory_space<vmem_shared>>
          tpu.wait_indirect_dma semaphore(%run_scoped3A_161 : memref<!tpu.dma_semaphore, #tpu.memory_space<semaphore_mem>>) src(%arg12 : memref<128x128xf32, #tpu.memory_space<vmem>>) dst(%dma_wait3A_173 : memref<10240x128xf32, #tpu.memory_space<vmem_shared>>)
          tpu.yield
        }) : () -> ()
        %add3A_112 = arith.addi %mul3A_16, %mul3A_88 : i32
        %add3A_113 = arith.constant 0 : i32
        %add3A_114 = arith.addi %add3A_112, %add3A_113 : i32
        %add3A_115 = arith.constant 2 : i32
        %add3A_116 = arith.addi %add3A_114, %add3A_115 : i32
        %dma_start3A_117 = arith.constant 0 : i32
        %dma_start3A_118 = arith.constant 0 : i32
        %dma_start3A_119 = tpu.memref_slice %arg3[%add3A_116, %dma_start3A_117, %dma_start3A_118] : memref<2560x2x128xi32, #tpu.memory_space<hbm>> -> memref<1x2x128xi32, #tpu.memory_space<hbm>>
        %dma_start3A_120 = tpu.memref_squeeze %dma_start3A_119 : memref<1x2x128xi32, #tpu.memory_space<hbm>> -> memref<2x128xi32, #tpu.memory_space<hbm>>
        %dma_start3A_121 = arith.constant 0 : i32
        %dma_start3A_122 = arith.constant 0 : i32
        %dma_start3A_123 = tpu.memref_slice %arg3[%add3A_116, %dma_start3A_121, %dma_start3A_122] : memref<2560x2x128xi32, #tpu.memory_space<hbm>> -> memref<1x2x128xi32, #tpu.memory_space<hbm>>
        %dma_start3A_124 = tpu.memref_squeeze %dma_start3A_123 : memref<1x2x128xi32, #tpu.memory_space<hbm>> -> memref<2x128xi32, #tpu.memory_space<hbm>>
        tpu.enqueue_dma source(%dma_start3A_124 : memref<2x128xi32, #tpu.memory_space<hbm>>) target(%arg8 : memref<2x128xi32, #tpu.memory_space<vmem>>) target_semaphore(%arg15 : memref<!tpu.dma_semaphore, #tpu.memory_space<semaphore_mem>>)
        %dma_wait3A_125 = arith.constant 0 : i32
        %dma_wait3A_126 = arith.constant 0 : i32
        %dma_wait3A_127 = tpu.memref_slice %arg3[%mul3A_16, %dma_wait3A_125, %dma_wait3A_126] : memref<2560x2x128xi32, #tpu.memory_space<hbm>> -> memref<1x2x128xi32, #tpu.memory_space<hbm>>
        %dma_wait3A_128 = tpu.memref_squeeze %dma_wait3A_127 : memref<1x2x128xi32, #tpu.memory_space<hbm>> -> memref<2x128xi32, #tpu.memory_space<hbm>>
        %dma_wait3A_129 = arith.constant 0 : i32
        %dma_wait3A_130 = arith.constant 0 : i32
        %dma_wait3A_131 = tpu.memref_slice %arg3[%mul3A_16, %dma_wait3A_129, %dma_wait3A_130] : memref<2560x2x128xi32, #tpu.memory_space<hbm>> -> memref<1x2x128xi32, #tpu.memory_space<hbm>>
        %dma_wait3A_132 = tpu.memref_squeeze %dma_wait3A_131 : memref<1x2x128xi32, #tpu.memory_space<hbm>> -> memref<2x128xi32, #tpu.memory_space<hbm>>
        tpu.wait_dma2 semaphore(%arg15 : memref<!tpu.dma_semaphore, #tpu.memory_space<semaphore_mem>>) src(%dma_wait3A_132 : memref<2x128xi32, #tpu.memory_space<hbm>>) dst(%arg8 : memref<2x128xi32, #tpu.memory_space<vmem>>)
        %dma_start3A_133 = arith.constant 0 : i32
        %dma_start3A_134 = arith.constant 0 : i32
        %dma_start3A_135 = tpu.memref_slice %arg8[%dma_start3A_133, %dma_start3A_134] : memref<2x128xi32, #tpu.memory_space<vmem>> -> memref<1x128xi32, #tpu.memory_space<vmem>>
        %dma_start3A_136 = tpu.memref_squeeze %dma_start3A_135 : memref<1x128xi32, #tpu.memory_space<vmem>> -> memref<128xi32, #tpu.memory_space<vmem>>
        %dma_start3A_137 = arith.constant 0 : i32
        %dma_start3A_138 = arith.constant 0 : i32
        %dma_start3A_139 = tpu.memref_slice %arg2[%dma_start3A_137, %dma_start3A_138] : memref<10000x128xf32, #tpu.memory_space<hbm>> -> memref<10000x128xf32, #tpu.memory_space<hbm>>
        tpu.enqueue_indirect_dma source(%dma_start3A_139 : memref<10000x128xf32, #tpu.memory_space<hbm>>) target(%arg12 : memref<128x128xf32, #tpu.memory_space<vmem>>) offsets(%dma_start3A_136 : memref<128xi32, #tpu.memory_space<vmem>>) semaphore(%arg17 : memref<!tpu.dma_semaphore, #tpu.memory_space<semaphore_mem>>)
        %dma_wait3A_140 = arith.constant 0 : i32
        %dma_wait3A_141 = arith.constant 0 : i32
        %dma_wait3A_142 = tpu.memref_slice %arg9[%dma_wait3A_140, %dma_wait3A_141] : memref<2x128xi32, #tpu.memory_space<vmem>> -> memref<1x128xi32, #tpu.memory_space<vmem>>
        %dma_wait3A_143 = tpu.memref_squeeze %dma_wait3A_142 : memref<1x128xi32, #tpu.memory_space<vmem>> -> memref<128xi32, #tpu.memory_space<vmem>>
        %dma_wait3A_144 = arith.constant 0 : i32
        %dma_wait3A_145 = arith.constant 0 : i32
        %dma_wait3A_146 = tpu.memref_slice %arg2[%dma_wait3A_144, %dma_wait3A_145] : memref<10000x128xf32, #tpu.memory_space<hbm>> -> memref<10000x128xf32, #tpu.memory_space<hbm>>
        tpu.wait_indirect_dma semaphore(%arg18 : memref<!tpu.dma_semaphore, #tpu.memory_space<semaphore_mem>>) src(%dma_wait3A_146 : memref<10000x128xf32, #tpu.memory_space<hbm>>) dst(%arg13 : memref<128x128xf32, #tpu.memory_space<vmem>>)
        %run_scoped3A_147 = arith.constant 1 : i32
        "tpu.region"() ({
          %run_scoped3A_161 = tpu.sem_alloc : memref<!tpu.dma_semaphore, #tpu.memory_space<semaphore_mem>>
          %dma_start3A_162 = arith.constant 0 : i32
          %dma_start3A_163 = tpu.memref_slice %arg9[%run_scoped3A_147, %dma_start3A_162] : memref<2x128xi32, #tpu.memory_space<vmem>> -> memref<1x128xi32, #tpu.memory_space<vmem>>
          %dma_start3A_164 = tpu.memref_squeeze %dma_start3A_163 : memref<1x128xi32, #tpu.memory_space<vmem>> -> memref<128xi32, #tpu.memory_space<vmem>>
          %dma_start3A_165 = arith.constant 0 : i32
          %dma_start3A_166 = arith.constant 0 : i32
          %dma_start3A_167 = tpu.memref_slice %arg14[%dma_start3A_165, %dma_start3A_166] : memref<10240x128xf32, #tpu.memory_space<vmem_shared>> -> memref<10240x128xf32, #tpu.memory_space<vmem_shared>>
          tpu.enqueue_indirect_dma source(%arg13 : memref<128x128xf32, #tpu.memory_space<vmem>>) target(%dma_start3A_167 : memref<10240x128xf32, #tpu.memory_space<vmem_shared>>) offsets(%dma_start3A_164 : memref<128xi32, #tpu.memory_space<vmem>>) semaphore(%run_scoped3A_161 : memref<!tpu.dma_semaphore, #tpu.memory_space<semaphore_mem>>) {add = true}
          %dma_wait3A_168 = arith.constant 0 : i32
          %dma_wait3A_169 = tpu.memref_slice %arg9[%run_scoped3A_147, %dma_wait3A_168] : memref<2x128xi32, #tpu.memory_space<vmem>> -> memref<1x128xi32, #tpu.memory_space<vmem>>
          %dma_wait3A_170 = tpu.memref_squeeze %dma_wait3A_169 : memref<1x128xi32, #tpu.memory_space<vmem>> -> memref<128xi32, #tpu.memory_space<vmem>>
          %dma_wait3A_171 = arith.constant 0 : i32
          %dma_wait3A_172 = arith.constant 0 : i32
          %dma_wait3A_173 = tpu.memref_slice %arg14[%dma_wait3A_171, %dma_wait3A_172] : memref<10240x128xf32, #tpu.memory_space<vmem_shared>> -> memref<10240x128xf32, #tpu.memory_space<vmem_shared>>
          tpu.wait_indirect_dma semaphore(%run_scoped3A_161 : memref<!tpu.dma_semaphore, #tpu.memory_space<semaphore_mem>>) src(%arg13 : memref<128x128xf32, #tpu.memory_space<vmem>>) dst(%dma_wait3A_173 : memref<10240x128xf32, #tpu.memory_space<vmem_shared>>)
          tpu.yield
        }) : () -> ()
        %add3A_148 = arith.addi %mul3A_16, %mul3A_88 : i32
        %add3A_149 = arith.constant 1 : i32
        %add3A_150 = arith.addi %add3A_148, %add3A_149 : i32
        %add3A_151 = arith.constant 2 : i32
        %add3A_152 = arith.addi %add3A_150, %add3A_151 : i32
        %dma_start3A_153 = arith.constant 0 : i32
        %dma_start3A_154 = arith.constant 0 : i32
        %dma_start3A_155 = tpu.memref_slice %arg3[%add3A_152, %dma_start3A_153, %dma_start3A_154] : memref<2560x2x128xi32, #tpu.memory_space<hbm>> -> memref<1x2x128xi32, #tpu.memory_space<hbm>>
        %dma_start3A_156 = tpu.memref_squeeze %dma_start3A_155 : memref<1x2x128xi32, #tpu.memory_space<hbm>> -> memref<2x128xi32, #tpu.memory_space<hbm>>
        %dma_start3A_157 = arith.constant 0 : i32
        %dma_start3A_158 = arith.constant 0 : i32
        %dma_start3A_159 = tpu.memref_slice %arg3[%add3A_152, %dma_start3A_157, %dma_start3A_158] : memref<2560x2x128xi32, #tpu.memory_space<hbm>> -> memref<1x2x128xi32, #tpu.memory_space<hbm>>
        %dma_start3A_160 = tpu.memref_squeeze %dma_start3A_159 : memref<1x2x128xi32, #tpu.memory_space<hbm>> -> memref<2x128xi32, #tpu.memory_space<hbm>>
        tpu.enqueue_dma source(%dma_start3A_160 : memref<2x128xi32, #tpu.memory_space<hbm>>) target(%arg9 : memref<2x128xi32, #tpu.memory_space<vmem>>) target_semaphore(%arg16 : memref<!tpu.dma_semaphore, #tpu.memory_space<semaphore_mem>>)
      }
      %scan3A_51 = arith.constant 71 : i32
      %dma_wait3A_52 = arith.constant 0 : i32
      %dma_wait3A_53 = arith.constant 0 : i32
      %dma_wait3A_54 = tpu.memref_slice %arg3[%mul3A_16, %dma_wait3A_52, %dma_wait3A_53] : memref<2560x2x128xi32, #tpu.memory_space<hbm>> -> memref<1x2x128xi32, #tpu.memory_space<hbm>>
      %dma_wait3A_55 = tpu.memref_squeeze %dma_wait3A_54 : memref<1x2x128xi32, #tpu.memory_space<hbm>> -> memref<2x128xi32, #tpu.memory_space<hbm>>
      %dma_wait3A_56 = arith.constant 0 : i32
      %dma_wait3A_57 = arith.constant 0 : i32
      %dma_wait3A_58 = tpu.memref_slice %arg3[%mul3A_16, %dma_wait3A_56, %dma_wait3A_57] : memref<2560x2x128xi32, #tpu.memory_space<hbm>> -> memref<1x2x128xi32, #tpu.memory_space<hbm>>
      %dma_wait3A_59 = tpu.memref_squeeze %dma_wait3A_58 : memref<1x2x128xi32, #tpu.memory_space<hbm>> -> memref<2x128xi32, #tpu.memory_space<hbm>>
      tpu.wait_dma2 semaphore(%arg16 : memref<!tpu.dma_semaphore, #tpu.memory_space<semaphore_mem>>) src(%dma_wait3A_59 : memref<2x128xi32, #tpu.memory_space<hbm>>) dst(%arg9 : memref<2x128xi32, #tpu.memory_space<vmem>>)
      %dma_start3A_60 = arith.constant 0 : i32
      %dma_start3A_61 = arith.constant 0 : i32
      %dma_start3A_62 = tpu.memref_slice %arg9[%dma_start3A_60, %dma_start3A_61] : memref<2x128xi32, #tpu.memory_space<vmem>> -> memref<1x128xi32, #tpu.memory_space<vmem>>
      %dma_start3A_63 = tpu.memref_squeeze %dma_start3A_62 : memref<1x128xi32, #tpu.memory_space<vmem>> -> memref<128xi32, #tpu.memory_space<vmem>>
      %dma_start3A_64 = arith.constant 0 : i32
      %dma_start3A_65 = arith.constant 0 : i32
      %dma_start3A_66 = tpu.memref_slice %arg2[%dma_start3A_64, %dma_start3A_65] : memref<10000x128xf32, #tpu.memory_space<hbm>> -> memref<10000x128xf32, #tpu.memory_space<hbm>>
      tpu.enqueue_indirect_dma source(%dma_start3A_66 : memref<10000x128xf32, #tpu.memory_space<hbm>>) target(%arg13 : memref<128x128xf32, #tpu.memory_space<vmem>>) offsets(%dma_start3A_63 : memref<128xi32, #tpu.memory_space<vmem>>) semaphore(%arg18 : memref<!tpu.dma_semaphore, #tpu.memory_space<semaphore_mem>>)
      %dma_wait3A_67 = arith.constant 0 : i32
      %dma_wait3A_68 = arith.constant 0 : i32
      %dma_wait3A_69 = tpu.memref_slice %arg8[%dma_wait3A_67, %dma_wait3A_68] : memref<2x128xi32, #tpu.memory_space<vmem>> -> memref<1x128xi32, #tpu.memory_space<vmem>>
      %dma_wait3A_70 = tpu.memref_squeeze %dma_wait3A_69 : memref<1x128xi32, #tpu.memory_space<vmem>> -> memref<128xi32, #tpu.memory_space<vmem>>
      %dma_wait3A_71 = arith.constant 0 : i32
      %dma_wait3A_72 = arith.constant 0 : i32
      %dma_wait3A_73 = tpu.memref_slice %arg2[%dma_wait3A_71, %dma_wait3A_72] : memref<10000x128xf32, #tpu.memory_space<hbm>> -> memref<10000x128xf32, #tpu.memory_space<hbm>>
      tpu.wait_indirect_dma semaphore(%arg17 : memref<!tpu.dma_semaphore, #tpu.memory_space<semaphore_mem>>) src(%dma_wait3A_73 : memref<10000x128xf32, #tpu.memory_space<hbm>>) dst(%arg12 : memref<128x128xf32, #tpu.memory_space<vmem>>)
      %run_scoped3A = arith.constant 1 : i32
      "tpu.region"() ({
        %run_scoped3A_82 = tpu.sem_alloc : memref<!tpu.dma_semaphore, #tpu.memory_space<semaphore_mem>>
        %dma_start3A_83 = arith.constant 0 : i32
        %dma_start3A_84 = tpu.memref_slice %arg8[%run_scoped3A, %dma_start3A_83] : memref<2x128xi32, #tpu.memory_space<vmem>> -> memref<1x128xi32, #tpu.memory_space<vmem>>
        %dma_start3A_85 = tpu.memref_squeeze %dma_start3A_84 : memref<1x128xi32, #tpu.memory_space<vmem>> -> memref<128xi32, #tpu.memory_space<vmem>>
        %dma_start3A_86 = arith.constant 0 : i32
        %dma_start3A_87 = arith.constant 0 : i32
        %dma_start3A_88 = tpu.memref_slice %arg14[%dma_start3A_86, %dma_start3A_87] : memref<10240x128xf32, #tpu.memory_space<vmem_shared>> -> memref<10240x128xf32, #tpu.memory_space<vmem_shared>>
        tpu.enqueue_indirect_dma source(%arg12 : memref<128x128xf32, #tpu.memory_space<vmem>>) target(%dma_start3A_88 : memref<10240x128xf32, #tpu.memory_space<vmem_shared>>) offsets(%dma_start3A_85 : memref<128xi32, #tpu.memory_space<vmem>>) semaphore(%run_scoped3A_82 : memref<!tpu.dma_semaphore, #tpu.memory_space<semaphore_mem>>) {add = true}
        %dma_wait3A_89 = arith.constant 0 : i32
        %dma_wait3A_90 = tpu.memref_slice %arg8[%run_scoped3A, %dma_wait3A_89] : memref<2x128xi32, #tpu.memory_space<vmem>> -> memref<1x128xi32, #tpu.memory_space<vmem>>
        %dma_wait3A_91 = tpu.memref_squeeze %dma_wait3A_90 : memref<1x128xi32, #tpu.memory_space<vmem>> -> memref<128xi32, #tpu.memory_space<vmem>>
        %dma_wait3A_92 = arith.constant 0 : i32
        %dma_wait3A_93 = arith.constant 0 : i32
        %dma_wait3A_94 = tpu.memref_slice %arg14[%dma_wait3A_92, %dma_wait3A_93] : memref<10240x128xf32, #tpu.memory_space<vmem_shared>> -> memref<10240x128xf32, #tpu.memory_space<vmem_shared>>
        tpu.wait_indirect_dma semaphore(%run_scoped3A_82 : memref<!tpu.dma_semaphore, #tpu.memory_space<semaphore_mem>>) src(%arg12 : memref<128x128xf32, #tpu.memory_space<vmem>>) dst(%dma_wait3A_94 : memref<10240x128xf32, #tpu.memory_space<vmem_shared>>)
        tpu.yield
      }) : () -> ()
      %dma_wait3A_74 = arith.constant 0 : i32
      %dma_wait3A_75 = arith.constant 0 : i32
      %dma_wait3A_76 = tpu.memref_slice %arg9[%dma_wait3A_74, %dma_wait3A_75] : memref<2x128xi32, #tpu.memory_space<vmem>> -> memref<1x128xi32, #tpu.memory_space<vmem>>
      %dma_wait3A_77 = tpu.memref_squeeze %dma_wait3A_76 : memref<1x128xi32, #tpu.memory_space<vmem>> -> memref<128xi32, #tpu.memory_space<vmem>>
      %dma_wait3A_78 = arith.constant 0 : i32
      %dma_wait3A_79 = arith.constant 0 : i32
      %dma_wait3A_80 = tpu.memref_slice %arg2[%dma_wait3A_78, %dma_wait3A_79] : memref<10000x128xf32, #tpu.memory_space<hbm>> -> memref<10000x128xf32, #tpu.memory_space<hbm>>
      tpu.wait_indirect_dma semaphore(%arg18 : memref<!tpu.dma_semaphore, #tpu.memory_space<semaphore_mem>>) src(%dma_wait3A_80 : memref<10000x128xf32, #tpu.memory_space<hbm>>) dst(%arg13 : memref<128x128xf32, #tpu.memory_space<vmem>>)
      %run_scoped3A_81 = arith.constant 1 : i32
      "tpu.region"() ({
        %run_scoped3A_82 = tpu.sem_alloc : memref<!tpu.dma_semaphore, #tpu.memory_space<semaphore_mem>>
        %dma_start3A_83 = arith.constant 0 : i32
        %dma_start3A_84 = tpu.memref_slice %arg9[%run_scoped3A_81, %dma_start3A_83] : memref<2x128xi32, #tpu.memory_space<vmem>> -> memref<1x128xi32, #tpu.memory_space<vmem>>
        %dma_start3A_85 = tpu.memref_squeeze %dma_start3A_84 : memref<1x128xi32, #tpu.memory_space<vmem>> -> memref<128xi32, #tpu.memory_space<vmem>>
        %dma_start3A_86 = arith.constant 0 : i32
        %dma_start3A_87 = arith.constant 0 : i32
        %dma_start3A_88 = tpu.memref_slice %arg14[%dma_start3A_86, %dma_start3A_87] : memref<10240x128xf32, #tpu.memory_space<vmem_shared>> -> memref<10240x128xf32, #tpu.memory_space<vmem_shared>>
        tpu.enqueue_indirect_dma source(%arg13 : memref<128x128xf32, #tpu.memory_space<vmem>>) target(%dma_start3A_88 : memref<10240x128xf32, #tpu.memory_space<vmem_shared>>) offsets(%dma_start3A_85 : memref<128xi32, #tpu.memory_space<vmem>>) semaphore(%run_scoped3A_82 : memref<!tpu.dma_semaphore, #tpu.memory_space<semaphore_mem>>) {add = true}
        %dma_wait3A_89 = arith.constant 0 : i32
        %dma_wait3A_90 = tpu.memref_slice %arg9[%run_scoped3A_81, %dma_wait3A_89] : memref<2x128xi32, #tpu.memory_space<vmem>> -> memref<1x128xi32, #tpu.memory_space<vmem>>
        %dma_wait3A_91 = tpu.memref_squeeze %dma_wait3A_90 : memref<1x128xi32, #tpu.memory_space<vmem>> -> memref<128xi32, #tpu.memory_space<vmem>>
        %dma_wait3A_92 = arith.constant 0 : i32
        %dma_wait3A_93 = arith.constant 0 : i32
        %dma_wait3A_94 = tpu.memref_slice %arg14[%dma_wait3A_92, %dma_wait3A_93] : memref<10240x128xf32, #tpu.memory_space<vmem_shared>> -> memref<10240x128xf32, #tpu.memory_space<vmem_shared>>
        tpu.wait_indirect_dma semaphore(%run_scoped3A_82 : memref<!tpu.dma_semaphore, #tpu.memory_space<semaphore_mem>>) src(%arg13 : memref<128x128xf32, #tpu.memory_space<vmem>>) dst(%dma_wait3A_94 : memref<10240x128xf32, #tpu.memory_space<vmem_shared>>)
        tpu.yield
      }) : () -> ()
    } else {
    }
    %eq3A_3 = arith.constant 1 : i32
    %eq3A_4 = arith.cmpi eq, %arg0, %eq3A_3 : i32
    %convert_element_type3A_5 = arith.extui %eq3A_4 : i1 to i32
    %cond3A_6 = arith.constant 0 : i32
    %cond3A_7 = arith.cmpi ne, %convert_element_type3A_5, %cond3A_6 : i32
    scf.if %cond3A_7 {
      %mul3A_15 = arith.constant 16 : i32
      %mul3A_16 = arith.muli %arg1, %mul3A_15 : i32
      %add3A_17 = arith.constant 2304 : i32
      %add3A_18 = arith.addi %add3A_17, %mul3A_16 : i32
      %mul3A_19 = arith.constant 128 : i32
      %mul3A_20 = arith.muli %add3A_18, %mul3A_19 : i32
      %scan3A = arith.constant 0 : i32
      %scan3A_21 = arith.constant 16 : i32
      %scan3A_22 = arith.addi %scan3A, %scan3A_21 : i32
      %scan3A_23 = arith.constant 1 : i32
      scf.for %scan3A_25 = %scan3A to %scan3A_22 step %scan3A_23  : i32 {
        %mul3A_26 = arith.constant 1 : i32
        %mul3A_27 = arith.muli %scan3A_25, %mul3A_26 : i32
        %add3A_28 = arith.constant 0 : i32
        %add3A_29 = arith.addi %add3A_28, %mul3A_27 : i32
        %mul3A_30 = arith.constant 128 : i32
        %mul3A_31 = arith.muli %add3A_29, %mul3A_30 : i32
        %add3A_32 = arith.addi %mul3A_20, %mul3A_31 : i32
        "tpu.region"() ({
          %run_scoped3A = tpu.sem_alloc : memref<!tpu.dma_semaphore, #tpu.memory_space<semaphore_mem>>
          %dma_start3A_37 = tpu.memref_slice %arg4[%add3A_32] : memref<327680xi32, #tpu.memory_space<hbm>> -> memref<128xi32, #tpu.memory_space<hbm>>
          %dma_start3A_38 = tpu.memref_slice %arg4[%add3A_32] : memref<327680xi32, #tpu.memory_space<hbm>> -> memref<128xi32, #tpu.memory_space<hbm>>
          tpu.enqueue_dma source(%dma_start3A_38 : memref<128xi32, #tpu.memory_space<hbm>>) target(%arg10 : memref<128xi32, #tpu.memory_space<vmem>>) target_semaphore(%run_scoped3A : memref<!tpu.dma_semaphore, #tpu.memory_space<semaphore_mem>>)
          %dma_wait3A_39 = tpu.memref_slice %arg4[%add3A_32] : memref<327680xi32, #tpu.memory_space<hbm>> -> memref<128xi32, #tpu.memory_space<hbm>>
          %dma_wait3A_40 = tpu.memref_slice %arg4[%add3A_32] : memref<327680xi32, #tpu.memory_space<hbm>> -> memref<128xi32, #tpu.memory_space<hbm>>
          tpu.wait_dma2 semaphore(%run_scoped3A : memref<!tpu.dma_semaphore, #tpu.memory_space<semaphore_mem>>) src(%dma_wait3A_40 : memref<128xi32, #tpu.memory_space<hbm>>) dst(%arg10 : memref<128xi32, #tpu.memory_space<vmem>>)
          tpu.yield
        }) : () -> ()
        "tpu.region"() ({
          %run_scoped3A = tpu.sem_alloc : memref<!tpu.dma_semaphore, #tpu.memory_space<semaphore_mem>>
          %dma_start3A_37 = tpu.memref_slice %arg5[%add3A_32] : memref<327680xi32, #tpu.memory_space<hbm>> -> memref<128xi32, #tpu.memory_space<hbm>>
          %dma_start3A_38 = tpu.memref_slice %arg5[%add3A_32] : memref<327680xi32, #tpu.memory_space<hbm>> -> memref<128xi32, #tpu.memory_space<hbm>>
          tpu.enqueue_dma source(%dma_start3A_38 : memref<128xi32, #tpu.memory_space<hbm>>) target(%arg11 : memref<128xi32, #tpu.memory_space<vmem>>) target_semaphore(%run_scoped3A : memref<!tpu.dma_semaphore, #tpu.memory_space<semaphore_mem>>)
          %dma_wait3A_39 = tpu.memref_slice %arg5[%add3A_32] : memref<327680xi32, #tpu.memory_space<hbm>> -> memref<128xi32, #tpu.memory_space<hbm>>
          %dma_wait3A_40 = tpu.memref_slice %arg5[%add3A_32] : memref<327680xi32, #tpu.memory_space<hbm>> -> memref<128xi32, #tpu.memory_space<hbm>>
          tpu.wait_dma2 semaphore(%run_scoped3A : memref<!tpu.dma_semaphore, #tpu.memory_space<semaphore_mem>>) src(%dma_wait3A_40 : memref<128xi32, #tpu.memory_space<hbm>>) dst(%arg11 : memref<128xi32, #tpu.memory_space<vmem>>)
          tpu.yield
        }) : () -> ()
        %dma_start3A = arith.constant 0 : i32
        %dma_start3A_33 = arith.constant 0 : i32
        %dma_start3A_34 = tpu.memref_slice %arg2[%dma_start3A, %dma_start3A_33] : memref<10000x128xf32, #tpu.memory_space<hbm>> -> memref<10000x128xf32, #tpu.memory_space<hbm>>
        tpu.enqueue_indirect_dma source(%dma_start3A_34 : memref<10000x128xf32, #tpu.memory_space<hbm>>) target(%arg12 : memref<128x128xf32, #tpu.memory_space<vmem>>) offsets(%arg10 : memref<128xi32, #tpu.memory_space<vmem>>) semaphore(%arg17 : memref<!tpu.dma_semaphore, #tpu.memory_space<semaphore_mem>>)
        %dma_wait3A = arith.constant 0 : i32
        %dma_wait3A_35 = arith.constant 0 : i32
        %dma_wait3A_36 = tpu.memref_slice %arg2[%dma_wait3A, %dma_wait3A_35] : memref<10000x128xf32, #tpu.memory_space<hbm>> -> memref<10000x128xf32, #tpu.memory_space<hbm>>
        tpu.wait_indirect_dma semaphore(%arg17 : memref<!tpu.dma_semaphore, #tpu.memory_space<semaphore_mem>>) src(%dma_wait3A_36 : memref<10000x128xf32, #tpu.memory_space<hbm>>) dst(%arg12 : memref<128x128xf32, #tpu.memory_space<vmem>>)
        "tpu.region"() ({
          %run_scoped3A = tpu.sem_alloc : memref<!tpu.dma_semaphore, #tpu.memory_space<semaphore_mem>>
          %dma_start3A_37 = arith.constant 0 : i32
          %dma_start3A_38 = arith.constant 0 : i32
          %dma_start3A_39 = tpu.memref_slice %arg14[%dma_start3A_37, %dma_start3A_38] : memref<10240x128xf32, #tpu.memory_space<vmem_shared>> -> memref<10240x128xf32, #tpu.memory_space<vmem_shared>>
          tpu.enqueue_indirect_dma source(%arg12 : memref<128x128xf32, #tpu.memory_space<vmem>>) target(%dma_start3A_39 : memref<10240x128xf32, #tpu.memory_space<vmem_shared>>) offsets(%arg11 : memref<128xi32, #tpu.memory_space<vmem>>) semaphore(%run_scoped3A : memref<!tpu.dma_semaphore, #tpu.memory_space<semaphore_mem>>) {add = true}
          %dma_wait3A_40 = arith.constant 0 : i32
          %dma_wait3A_41 = arith.constant 0 : i32
          %dma_wait3A_42 = tpu.memref_slice %arg14[%dma_wait3A_40, %dma_wait3A_41] : memref<10240x128xf32, #tpu.memory_space<vmem_shared>> -> memref<10240x128xf32, #tpu.memory_space<vmem_shared>>
          tpu.wait_indirect_dma semaphore(%run_scoped3A : memref<!tpu.dma_semaphore, #tpu.memory_space<semaphore_mem>>) src(%arg12 : memref<128x128xf32, #tpu.memory_space<vmem>>) dst(%dma_wait3A_42 : memref<10240x128xf32, #tpu.memory_space<vmem_shared>>)
          tpu.yield
        }) : () -> ()
      }
      %scan3A_24 = arith.constant 16 : i32
    } else {
    }
    %barrier3A_8 = arith.constant 0 : index
    tpu.barrier barrier_id(%barrier3A_8)
    %mul3A_9 = arith.constant 10240 : i32
    %mul3A_10 = arith.muli %arg0, %mul3A_9 : i32
    %mul3A_11 = arith.constant 640 : i32
    %mul3A_12 = arith.muli %arg1, %mul3A_11 : i32
    %add3A = arith.addi %mul3A_10, %mul3A_12 : i32
    %mul3A_13 = arith.constant 640 : i32
    %mul3A_14 = arith.muli %arg1, %mul3A_13 : i32
    "tpu.region"() ({
      %run_scoped3A = tpu.sem_alloc : memref<!tpu.dma_semaphore, #tpu.memory_space<semaphore_mem>>
      %dma_start3A = arith.constant 0 : i32
      %dma_start3A_15 = tpu.memref_slice %arg7[%add3A, %dma_start3A] : memref<20480x128xf32, #tpu.memory_space<hbm>> -> memref<640x128xf32, #tpu.memory_space<hbm>>
      %dma_start3A_16 = arith.constant 0 : i32
      %dma_start3A_17 = tpu.memref_slice %arg14[%mul3A_14, %dma_start3A_16] : memref<10240x128xf32, #tpu.memory_space<vmem_shared>> -> memref<640x128xf32, #tpu.memory_space<vmem_shared>>
      tpu.enqueue_dma source(%dma_start3A_17 : memref<640x128xf32, #tpu.memory_space<vmem_shared>>) target(%dma_start3A_15 : memref<640x128xf32, #tpu.memory_space<hbm>>) target_semaphore(%run_scoped3A : memref<!tpu.dma_semaphore, #tpu.memory_space<semaphore_mem>>)
      %dma_wait3A = arith.constant 0 : i32
      %dma_wait3A_18 = tpu.memref_slice %arg7[%add3A, %dma_wait3A] : memref<20480x128xf32, #tpu.memory_space<hbm>> -> memref<640x128xf32, #tpu.memory_space<hbm>>
      %dma_wait3A_19 = arith.constant 0 : i32
      %dma_wait3A_20 = tpu.memref_slice %arg14[%mul3A_14, %dma_wait3A_19] : memref<10240x128xf32, #tpu.memory_space<vmem_shared>> -> memref<640x128xf32, #tpu.memory_space<vmem_shared>>
      tpu.wait_dma2 semaphore(%run_scoped3A : memref<!tpu.dma_semaphore, #tpu.memory_space<semaphore_mem>>) src(%dma_wait3A_20 : memref<640x128xf32, #tpu.memory_space<vmem_shared>>) dst(%dma_wait3A_18 : memref<640x128xf32, #tpu.memory_space<hbm>>)
      tpu.yield
    }) : () -> ()
    return
  }
}

#map = affine_map<(d0, d1) -> (0, 0)>
#map1 = affine_map<(d0, d1) -> (0, 0, 0)>
#map2 = affine_map<(d0, d1) -> (0)>
module attributes {stable_mosaic.version = 14 : i64} {
  func.func @k(%arg0: i32, %arg1: i32, %arg2: memref<10000x128xf32, #tpu.memory_space<hbm>>, %arg3: memref<2560x2x128xi32, #tpu.memory_space<hbm>>, %arg4: memref<327680xi32, #tpu.memory_space<hbm>>, %arg5: memref<327680xi32, #tpu.memory_space<hbm>>, %arg6: memref<640x128xf32, #tpu.memory_space<hbm>>, %arg7: memref<20480x128xf32, #tpu.memory_space<hbm>>, %arg8: memref<2x128xi32, #tpu.memory_space<vmem>>, %arg9: memref<2x128xi32, #tpu.memory_space<vmem>>, %arg10: memref<128xi32, #tpu.memory_space<vmem>>, %arg11: memref<128xi32, #tpu.memory_space<vmem>>, %arg12: memref<128x128xf32, #tpu.memory_space<vmem>>, %arg13: memref<128x128xf32, #tpu.memory_space<vmem>>, %arg14: memref<10240x128xf32, #tpu.memory_space<vmem_shared>>, %arg15: memref<!tpu.dma_semaphore, #tpu.memory_space<semaphore_mem>>, %arg16: memref<!tpu.dma_semaphore, #tpu.memory_space<semaphore_mem>>, %arg17: memref<!tpu.dma_semaphore, #tpu.memory_space<semaphore_mem>>, %arg18: memref<!tpu.dma_semaphore, #tpu.memory_space<semaphore_mem>>) attributes {dimension_semantics = [#tpu.dimension_semantics<core_parallel>, #tpu.dimension_semantics<subcore_parallel>], iteration_bounds = array<i64: 2, 16>, scalar_prefetch = 0 : i64, scratch_operands = 11 : i64, tpu.core_type = #tpu.core_type<sc_vector_subcore>, window_params = [{transform_indices = #map}, {transform_indices = #map1}, {transform_indices = #map2}, {transform_indices = #map2}, {transform_indices = #map}, {transform_indices = #map}]} {
    %mul3A = arith.constant 640 : i32
    %mul3A_0 = arith.muli %arg1, %mul3A : i32
    "tpu.region"() ({
      %run_scoped3A = tpu.sem_alloc : memref<!tpu.dma_semaphore, #tpu.memory_space<semaphore_mem>>
      %dma_start3A = arith.constant 0 : i32
      %dma_start3A_15 = tpu.memref_slice %arg14[%mul3A_0, %dma_start3A] : memref<10240x128xf32, #tpu.memory_space<vmem_shared>> -> memref<640x128xf32, #tpu.memory_space<vmem_shared>>
      tpu.enqueue_dma source(%arg6 : memref<640x128xf32, #tpu.memory_space<hbm>>) target(%dma_start3A_15 : memref<640x128xf32, #tpu.memory_space<vmem_shared>>) target_semaphore(%run_scoped3A : memref<!tpu.dma_semaphore, #tpu.memory_space<semaphore_mem>>)
      %dma_wait3A = arith.constant 0 : i32
      %dma_wait3A_16 = tpu.memref_slice %arg14[%mul3A_0, %dma_wait3A] : memref<10240x128xf32, #tpu.memory_space<vmem_shared>> -> memref<640x128xf32, #tpu.memory_space<vmem_shared>>
      tpu.wait_dma2 semaphore(%run_scoped3A : memref<!tpu.dma_semaphore, #tpu.memory_space<semaphore_mem>>) src(%arg6 : memref<640x128xf32, #tpu.memory_space<hbm>>) dst(%dma_wait3A_16 : memref<640x128xf32, #tpu.memory_space<vmem_shared>>)
      tpu.yield
    }) : () -> ()
    %barrier3A = arith.constant 0 : index
    tpu.barrier barrier_id(%barrier3A)
    %eq3A = arith.constant 0 : i32
    %eq3A_1 = arith.cmpi eq, %arg0, %eq3A : i32
    %convert_element_type3A = arith.extui %eq3A_1 : i1 to i32
    %cond3A = arith.constant 0 : i32
    %cond3A_2 = arith.cmpi ne, %convert_element_type3A, %cond3A : i32
    scf.if %cond3A_2 {
      %mul3A_15 = arith.constant 144 : i32
      %mul3A_16 = arith.muli %arg1, %mul3A_15 : i32
      %dma_start3A = arith.constant 0 : i32
      %dma_start3A_17 = arith.constant 0 : i32
      %dma_start3A_18 = tpu.memref_slice %arg3[%mul3A_16, %dma_start3A, %dma_start3A_17] : memref<2560x2x128xi32, #tpu.memory_space<hbm>> -> memref<1x2x128xi32, #tpu.memory_space<hbm>>
      %dma_start3A_19 = tpu.memref_squeeze %dma_start3A_18 : memref<1x2x128xi32, #tpu.memory_space<hbm>> -> memref<2x128xi32, #tpu.memory_space<hbm>>
      %dma_start3A_20 = arith.constant 0 : i32
      %dma_start3A_21 = arith.constant 0 : i32
      %dma_start3A_22 = tpu.memref_slice %arg3[%mul3A_16, %dma_start3A_20, %dma_start3A_21] : memref<2560x2x128xi32, #tpu.memory_space<hbm>> -> memref<1x2x128xi32, #tpu.memory_space<hbm>>
      %dma_start3A_23 = tpu.memref_squeeze %dma_start3A_22 : memref<1x2x128xi32, #tpu.memory_space<hbm>> -> memref<2x128xi32, #tpu.memory_space<hbm>>
      tpu.enqueue_dma source(%dma_start3A_23 : memref<2x128xi32, #tpu.memory_space<hbm>>) target(%arg8 : memref<2x128xi32, #tpu.memory_space<vmem>>) target_semaphore(%arg15 : memref<!tpu.dma_semaphore, #tpu.memory_space<semaphore_mem>>)
      %dma_wait3A = arith.constant 0 : i32
      %dma_wait3A_24 = arith.constant 0 : i32
      %dma_wait3A_25 = tpu.memref_slice %arg3[%mul3A_16, %dma_wait3A, %dma_wait3A_24] : memref<2560x2x128xi32, #tpu.memory_space<hbm>> -> memref<1x2x128xi32, #tpu.memory_space<hbm>>
      %dma_wait3A_26 = tpu.memref_squeeze %dma_wait3A_25 : memref<1x2x128xi32, #tpu.memory_space<hbm>> -> memref<2x128xi32, #tpu.memory_space<hbm>>
      %dma_wait3A_27 = arith.constant 0 : i32
      %dma_wait3A_28 = arith.constant 0 : i32
      %dma_wait3A_29 = tpu.memref_slice %arg3[%mul3A_16, %dma_wait3A_27, %dma_wait3A_28] : memref<2560x2x128xi32, #tpu.memory_space<hbm>> -> memref<1x2x128xi32, #tpu.memory_space<hbm>>
      %dma_wait3A_30 = tpu.memref_squeeze %dma_wait3A_29 : memref<1x2x128xi32, #tpu.memory_space<hbm>> -> memref<2x128xi32, #tpu.memory_space<hbm>>
      tpu.wait_dma2 semaphore(%arg15 : memref<!tpu.dma_semaphore, #tpu.memory_space<semaphore_mem>>) src(%dma_wait3A_30 : memref<2x128xi32, #tpu.memory_space<hbm>>) dst(%arg8 : memref<2x128xi32, #tpu.memory_space<vmem>>)
      %add3A_31 = arith.constant 1 : i32
      %add3A_32 = arith.addi %mul3A_16, %add3A_31 : i32
      %dma_start3A_33 = arith.constant 0 : i32
      %dma_start3A_34 = arith.constant 0 : i32
      %dma_start3A_35 = tpu.memref_slice %arg3[%add3A_32, %dma_start3A_33, %dma_start3A_34] : memref<2560x2x128xi32, #tpu.memory_space<hbm>> -> memref<1x2x128xi32, #tpu.memory_space<hbm>>
      %dma_start3A_36 = tpu.memref_squeeze %dma_start3A_35 : memref<1x2x128xi32, #tpu.memory_space<hbm>> -> memref<2x128xi32, #tpu.memory_space<hbm>>
      %dma_start3A_37 = arith.constant 0 : i32
      %dma_start3A_38 = arith.constant 0 : i32
      %dma_start3A_39 = tpu.memref_slice %arg3[%add3A_32, %dma_start3A_37, %dma_start3A_38] : memref<2560x2x128xi32, #tpu.memory_space<hbm>> -> memref<1x2x128xi32, #tpu.memory_space<hbm>>
      %dma_start3A_40 = tpu.memref_squeeze %dma_start3A_39 : memref<1x2x128xi32, #tpu.memory_space<hbm>> -> memref<2x128xi32, #tpu.memory_space<hbm>>
      tpu.enqueue_dma source(%dma_start3A_40 : memref<2x128xi32, #tpu.memory_space<hbm>>) target(%arg9 : memref<2x128xi32, #tpu.memory_space<vmem>>) target_semaphore(%arg16 : memref<!tpu.dma_semaphore, #tpu.memory_space<semaphore_mem>>)
      %dma_start3A_41 = arith.constant 0 : i32
      %dma_start3A_42 = arith.constant 0 : i32
      %dma_start3A_43 = tpu.memref_slice %arg8[%dma_start3A_41, %dma_start3A_42] : memref<2x128xi32, #tpu.memory_space<vmem>> -> memref<1x128xi32, #tpu.memory_space<vmem>>
      %dma_start3A_44 = tpu.memref_squeeze %dma_start3A_43 : memref<1x128xi32, #tpu.memory_space<vmem>> -> memref<128xi32, #tpu.memory_space<vmem>>
      %dma_start3A_45 = arith.constant 0 : i32
      %dma_start3A_46 = arith.constant 0 : i32
      %dma_start3A_47 = tpu.memref_slice %arg2[%dma_start3A_45, %dma_start3A_46] : memref<10000x128xf32, #tpu.memory_space<hbm>> -> memref<10000x128xf32, #tpu.memory_space<hbm>>
      tpu.enqueue_indirect_dma source(%dma_start3A_47 : memref<10000x128xf32, #tpu.memory_space<hbm>>) target(%arg12 : memref<128x128xf32, #tpu.memory_space<vmem>>) offsets(%dma_start3A_44 : memref<128xi32, #tpu.memory_space<vmem>>) semaphore(%arg17 : memref<!tpu.dma_semaphore, #tpu.memory_space<semaphore_mem>>)
      %scan3A = arith.constant 0 : i32
      %scan3A_48 = arith.constant 71 : i32
      %scan3A_49 = arith.addi %scan3A, %scan3A_48 : i32
      %scan3A_50 = arith.constant 1 : i32
      scf.for %scan3A_82 = %scan3A to %scan3A_49 step %scan3A_50  : i32 {
        %mul3A_83 = arith.constant 1 : i32
        %mul3A_84 = arith.muli %scan3A_82, %mul3A_83 : i32
        %add3A_85 = arith.constant 0 : i32
        %add3A_86 = arith.addi %add3A_85, %mul3A_84 : i32
        %mul3A_87 = arith.constant 2 : i32
        %mul3A_88 = arith.muli %mul3A_87, %add3A_86 : i32
        %dma_wait3A_89 = arith.constant 0 : i32
        %dma_wait3A_90 = arith.constant 0 : i32
        %dma_wait3A_91 = tpu.memref_slice %arg3[%mul3A_16, %dma_wait3A_89, %dma_wait3A_90] : memref<2560x2x128xi32, #tpu.memory_space<hbm>> -> memref<1x2x128xi32, #tpu.memory_space<hbm>>
        %dma_wait3A_92 = tpu.memref_squeeze %dma_wait3A_91 : memref<1x2x128xi32, #tpu.memory_space<hbm>> -> memref<2x128xi32, #tpu.memory_space<hbm>>
        %dma_wait3A_93 = arith.constant 0 : i32
        %dma_wait3A_94 = arith.constant 0 : i32
        %dma_wait3A_95 = tpu.memref_slice %arg3[%mul3A_16, %dma_wait3A_93, %dma_wait3A_94] : memref<2560x2x128xi32, #tpu.memory_space<hbm>> -> memref<1x2x128xi32, #tpu.memory_space<hbm>>
        %dma_wait3A_96 = tpu.memref_squeeze %dma_wait3A_95 : memref<1x2x128xi32, #tpu.memory_space<hbm>> -> memref<2x128xi32, #tpu.memory_space<hbm>>
        tpu.wait_dma2 semaphore(%arg16 : memref<!tpu.dma_semaphore, #tpu.memory_space<semaphore_mem>>) src(%dma_wait3A_96 : memref<2x128xi32, #tpu.memory_space<hbm>>) dst(%arg9 : memref<2x128xi32, #tpu.memory_space<vmem>>)
        %dma_start3A_97 = arith.constant 0 : i32
        %dma_start3A_98 = arith.constant 0 : i32
        %dma_start3A_99 = tpu.memref_slice %arg9[%dma_start3A_97, %dma_start3A_98] : memref<2x128xi32, #tpu.memory_space<vmem>> -> memref<1x128xi32, #tpu.memory_space<vmem>>
        %dma_start3A_100 = tpu.memref_squeeze %dma_start3A_99 : memref<1x128xi32, #tpu.memory_space<vmem>> -> memref<128xi32, #tpu.memory_space<vmem>>
        %dma_start3A_101 = arith.constant 0 : i32
        %dma_start3A_102 = arith.constant 0 : i32
        %dma_start3A_103 = tpu.memref_slice %arg2[%dma_start3A_101, %dma_start3A_102] : memref<10000x128xf32, #tpu.memory_space<hbm>> -> memref<10000x128xf32, #tpu.memory_space<hbm>>
        tpu.enqueue_indirect_dma source(%dma_start3A_103 : memref<10000x128xf32, #tpu.memory_space<hbm>>) target(%arg13 : memref<128x128xf32, #tpu.memory_space<vmem>>) offsets(%dma_start3A_100 : memref<128xi32, #tpu.memory_space<vmem>>) semaphore(%arg18 : memref<!tpu.dma_semaphore, #tpu.memory_space<semaphore_mem>>)
        %dma_wait3A_104 = arith.constant 0 : i32
        %dma_wait3A_105 = arith.constant 0 : i32
        %dma_wait3A_106 = tpu.memref_slice %arg8[%dma_wait3A_104, %dma_wait3A_105] : memref<2x128xi32, #tpu.memory_space<vmem>> -> memref<1x128xi32, #tpu.memory_space<vmem>>
        %dma_wait3A_107 = tpu.memref_squeeze %dma_wait3A_106 : memref<1x128xi32, #tpu.memory_space<vmem>> -> memref<128xi32, #tpu.memory_space<vmem>>
        %dma_wait3A_108 = arith.constant 0 : i32
        %dma_wait3A_109 = arith.constant 0 : i32
        %dma_wait3A_110 = tpu.memref_slice %arg2[%dma_wait3A_108, %dma_wait3A_109] : memref<10000x128xf32, #tpu.memory_space<hbm>> -> memref<10000x128xf32, #tpu.memory_space<hbm>>
        tpu.wait_indirect_dma semaphore(%arg17 : memref<!tpu.dma_semaphore, #tpu.memory_space<semaphore_mem>>) src(%dma_wait3A_110 : memref<10000x128xf32, #tpu.memory_space<hbm>>) dst(%arg12 : memref<128x128xf32, #tpu.memory_space<vmem>>)
        %run_scoped3A_111 = arith.constant 1 : i32
        "tpu.region"() ({
          %run_scoped3A_161 = tpu.sem_alloc : memref<!tpu.dma_semaphore, #tpu.memory_space<semaphore_mem>>
          %dma_start3A_162 = arith.constant 0 : i32
          %dma_start3A_163 = tpu.memref_slice %arg8[%run_scoped3A_111, %dma_start3A_162] : memref<2x128xi32, #tpu.memory_space<vmem>> -> memref<1x128xi32, #tpu.memory_space<vmem>>
          %dma_start3A_164 = tpu.memref_squeeze %dma_start3A_163 : memref<1x128xi32, #tpu.memory_space<vmem>> -> memref<128xi32, #tpu.memory_space<vmem>>
          %dma_start3A_165 = arith.constant 0 : i32
          %dma_start3A_166 = arith.constant 0 : i32
          %dma_start3A_167 = tpu.memref_slice %arg14[%dma_start3A_165, %dma_start3A_166] : memref<10240x128xf32, #tpu.memory_space<vmem_shared>> -> memref<10240x128xf32, #tpu.memory_space<vmem_shared>>
          tpu.enqueue_indirect_dma source(%arg12 : memref<128x128xf32, #tpu.memory_space<vmem>>) target(%dma_start3A_167 : memref<10240x128xf32, #tpu.memory_space<vmem_shared>>) offsets(%dma_start3A_164 : memref<128xi32, #tpu.memory_space<vmem>>) semaphore(%run_scoped3A_161 : memref<!tpu.dma_semaphore, #tpu.memory_space<semaphore_mem>>) {add = true}
          %dma_wait3A_168 = arith.constant 0 : i32
          %dma_wait3A_169 = tpu.memref_slice %arg8[%run_scoped3A_111, %dma_wait3A_168] : memref<2x128xi32, #tpu.memory_space<vmem>> -> memref<1x128xi32, #tpu.memory_space<vmem>>
          %dma_wait3A_170 = tpu.memref_squeeze %dma_wait3A_169 : memref<1x128xi32, #tpu.memory_space<vmem>> -> memref<128xi32, #tpu.memory_space<vmem>>
          %dma_wait3A_171 = arith.constant 0 : i32
          %dma_wait3A_172 = arith.constant 0 : i32
          %dma_wait3A_173 = tpu.memref_slice %arg14[%dma_wait3A_171, %dma_wait3A_172] : memref<10240x128xf32, #tpu.memory_space<vmem_shared>> -> memref<10240x128xf32, #tpu.memory_space<vmem_shared>>
          tpu.wait_indirect_dma semaphore(%run_scoped3A_161 : memref<!tpu.dma_semaphore, #tpu.memory_space<semaphore_mem>>) src(%arg12 : memref<128x128xf32, #tpu.memory_space<vmem>>) dst(%dma_wait3A_173 : memref<10240x128xf32, #tpu.memory_space<vmem_shared>>)
          tpu.yield
        }) : () -> ()
        %add3A_112 = arith.addi %mul3A_16, %mul3A_88 : i32
        %add3A_113 = arith.constant 0 : i32
        %add3A_114 = arith.addi %add3A_112, %add3A_113 : i32
        %add3A_115 = arith.constant 2 : i32
        %add3A_116 = arith.addi %add3A_114, %add3A_115 : i32
        %dma_start3A_117 = arith.constant 0 : i32
        %dma_start3A_118 = arith.constant 0 : i32
        %dma_start3A_119 = tpu.memref_slice %arg3[%add3A_116, %dma_start3A_117, %dma_start3A_118] : memref<2560x2x128xi32, #tpu.memory_space<hbm>> -> memref<1x2x128xi32, #tpu.memory_space<hbm>>
        %dma_start3A_120 = tpu.memref_squeeze %dma_start3A_119 : memref<1x2x128xi32, #tpu.memory_space<hbm>> -> memref<2x128xi32, #tpu.memory_space<hbm>>
        %dma_start3A_121 = arith.constant 0 : i32
        %dma_start3A_122 = arith.constant 0 : i32
        %dma_start3A_123 = tpu.memref_slice %arg3[%add3A_116, %dma_start3A_121, %dma_start3A_122] : memref<2560x2x128xi32, #tpu.memory_space<hbm>> -> memref<1x2x128xi32, #tpu.memory_space<hbm>>
        %dma_start3A_124 = tpu.memref_squeeze %dma_start3A_123 : memref<1x2x128xi32, #tpu.memory_space<hbm>> -> memref<2x128xi32, #tpu.memory_space<hbm>>
        tpu.enqueue_dma source(%dma_start3A_124 : memref<2x128xi32, #tpu.memory_space<hbm>>) target(%arg8 : memref<2x128xi32, #tpu.memory_space<vmem>>) target_semaphore(%arg15 : memref<!tpu.dma_semaphore, #tpu.memory_space<semaphore_mem>>)
        %dma_wait3A_125 = arith.constant 0 : i32
        %dma_wait3A_126 = arith.constant 0 : i32
        %dma_wait3A_127 = tpu.memref_slice %arg3[%mul3A_16, %dma_wait3A_125, %dma_wait3A_126] : memref<2560x2x128xi32, #tpu.memory_space<hbm>> -> memref<1x2x128xi32, #tpu.memory_space<hbm>>
        %dma_wait3A_128 = tpu.memref_squeeze %dma_wait3A_127 : memref<1x2x128xi32, #tpu.memory_space<hbm>> -> memref<2x128xi32, #tpu.memory_space<hbm>>
        %dma_wait3A_129 = arith.constant 0 : i32
        %dma_wait3A_130 = arith.constant 0 : i32
        %dma_wait3A_131 = tpu.memref_slice %arg3[%mul3A_16, %dma_wait3A_129, %dma_wait3A_130] : memref<2560x2x128xi32, #tpu.memory_space<hbm>> -> memref<1x2x128xi32, #tpu.memory_space<hbm>>
        %dma_wait3A_132 = tpu.memref_squeeze %dma_wait3A_131 : memref<1x2x128xi32, #tpu.memory_space<hbm>> -> memref<2x128xi32, #tpu.memory_space<hbm>>
        tpu.wait_dma2 semaphore(%arg15 : memref<!tpu.dma_semaphore, #tpu.memory_space<semaphore_mem>>) src(%dma_wait3A_132 : memref<2x128xi32, #tpu.memory_space<hbm>>) dst(%arg8 : memref<2x128xi32, #tpu.memory_space<vmem>>)
        %dma_start3A_133 = arith.constant 0 : i32
        %dma_start3A_134 = arith.constant 0 : i32
        %dma_start3A_135 = tpu.memref_slice %arg8[%dma_start3A_133, %dma_start3A_134] : memref<2x128xi32, #tpu.memory_space<vmem>> -> memref<1x128xi32, #tpu.memory_space<vmem>>
        %dma_start3A_136 = tpu.memref_squeeze %dma_start3A_135 : memref<1x128xi32, #tpu.memory_space<vmem>> -> memref<128xi32, #tpu.memory_space<vmem>>
        %dma_start3A_137 = arith.constant 0 : i32
        %dma_start3A_138 = arith.constant 0 : i32
        %dma_start3A_139 = tpu.memref_slice %arg2[%dma_start3A_137, %dma_start3A_138] : memref<10000x128xf32, #tpu.memory_space<hbm>> -> memref<10000x128xf32, #tpu.memory_space<hbm>>
        tpu.enqueue_indirect_dma source(%dma_start3A_139 : memref<10000x128xf32, #tpu.memory_space<hbm>>) target(%arg12 : memref<128x128xf32, #tpu.memory_space<vmem>>) offsets(%dma_start3A_136 : memref<128xi32, #tpu.memory_space<vmem>>) semaphore(%arg17 : memref<!tpu.dma_semaphore, #tpu.memory_space<semaphore_mem>>)
        %dma_wait3A_140 = arith.constant 0 : i32
        %dma_wait3A_141 = arith.constant 0 : i32
        %dma_wait3A_142 = tpu.memref_slice %arg9[%dma_wait3A_140, %dma_wait3A_141] : memref<2x128xi32, #tpu.memory_space<vmem>> -> memref<1x128xi32, #tpu.memory_space<vmem>>
        %dma_wait3A_143 = tpu.memref_squeeze %dma_wait3A_142 : memref<1x128xi32, #tpu.memory_space<vmem>> -> memref<128xi32, #tpu.memory_space<vmem>>
        %dma_wait3A_144 = arith.constant 0 : i32
        %dma_wait3A_145 = arith.constant 0 : i32
        %dma_wait3A_146 = tpu.memref_slice %arg2[%dma_wait3A_144, %dma_wait3A_145] : memref<10000x128xf32, #tpu.memory_space<hbm>> -> memref<10000x128xf32, #tpu.memory_space<hbm>>
        tpu.wait_indirect_dma semaphore(%arg18 : memref<!tpu.dma_semaphore, #tpu.memory_space<semaphore_mem>>) src(%dma_wait3A_146 : memref<10000x128xf32, #tpu.memory_space<hbm>>) dst(%arg13 : memref<128x128xf32, #tpu.memory_space<vmem>>)
        %run_scoped3A_147 = arith.constant 1 : i32
        "tpu.region"() ({
          %run_scoped3A_161 = tpu.sem_alloc : memref<!tpu.dma_semaphore, #tpu.memory_space<semaphore_mem>>
          %dma_start3A_162 = arith.constant 0 : i32
          %dma_start3A_163 = tpu.memref_slice %arg9[%run_scoped3A_147, %dma_start3A_162] : memref<2x128xi32, #tpu.memory_space<vmem>> -> memref<1x128xi32, #tpu.memory_space<vmem>>
          %dma_start3A_164 = tpu.memref_squeeze %dma_start3A_163 : memref<1x128xi32, #tpu.memory_space<vmem>> -> memref<128xi32, #tpu.memory_space<vmem>>
          %dma_start3A_165 = arith.constant 0 : i32
          %dma_start3A_166 = arith.constant 0 : i32
          %dma_start3A_167 = tpu.memref_slice %arg14[%dma_start3A_165, %dma_start3A_166] : memref<10240x128xf32, #tpu.memory_space<vmem_shared>> -> memref<10240x128xf32, #tpu.memory_space<vmem_shared>>
          tpu.enqueue_indirect_dma source(%arg13 : memref<128x128xf32, #tpu.memory_space<vmem>>) target(%dma_start3A_167 : memref<10240x128xf32, #tpu.memory_space<vmem_shared>>) offsets(%dma_start3A_164 : memref<128xi32, #tpu.memory_space<vmem>>) semaphore(%run_scoped3A_161 : memref<!tpu.dma_semaphore, #tpu.memory_space<semaphore_mem>>) {add = true}
          %dma_wait3A_168 = arith.constant 0 : i32
          %dma_wait3A_169 = tpu.memref_slice %arg9[%run_scoped3A_147, %dma_wait3A_168] : memref<2x128xi32, #tpu.memory_space<vmem>> -> memref<1x128xi32, #tpu.memory_space<vmem>>
          %dma_wait3A_170 = tpu.memref_squeeze %dma_wait3A_169 : memref<1x128xi32, #tpu.memory_space<vmem>> -> memref<128xi32, #tpu.memory_space<vmem>>
          %dma_wait3A_171 = arith.constant 0 : i32
          %dma_wait3A_172 = arith.constant 0 : i32
          %dma_wait3A_173 = tpu.memref_slice %arg14[%dma_wait3A_171, %dma_wait3A_172] : memref<10240x128xf32, #tpu.memory_space<vmem_shared>> -> memref<10240x128xf32, #tpu.memory_space<vmem_shared>>
          tpu.wait_indirect_dma semaphore(%run_scoped3A_161 : memref<!tpu.dma_semaphore, #tpu.memory_space<semaphore_mem>>) src(%arg13 : memref<128x128xf32, #tpu.memory_space<vmem>>) dst(%dma_wait3A_173 : memref<10240x128xf32, #tpu.memory_space<vmem_shared>>)
          tpu.yield
        }) : () -> ()
        %add3A_148 = arith.addi %mul3A_16, %mul3A_88 : i32
        %add3A_149 = arith.constant 1 : i32
        %add3A_150 = arith.addi %add3A_148, %add3A_149 : i32
        %add3A_151 = arith.constant 2 : i32
        %add3A_152 = arith.addi %add3A_150, %add3A_151 : i32
        %dma_start3A_153 = arith.constant 0 : i32
        %dma_start3A_154 = arith.constant 0 : i32
        %dma_start3A_155 = tpu.memref_slice %arg3[%add3A_152, %dma_start3A_153, %dma_start3A_154] : memref<2560x2x128xi32, #tpu.memory_space<hbm>> -> memref<1x2x128xi32, #tpu.memory_space<hbm>>
        %dma_start3A_156 = tpu.memref_squeeze %dma_start3A_155 : memref<1x2x128xi32, #tpu.memory_space<hbm>> -> memref<2x128xi32, #tpu.memory_space<hbm>>
        %dma_start3A_157 = arith.constant 0 : i32
        %dma_start3A_158 = arith.constant 0 : i32
        %dma_start3A_159 = tpu.memref_slice %arg3[%add3A_152, %dma_start3A_157, %dma_start3A_158] : memref<2560x2x128xi32, #tpu.memory_space<hbm>> -> memref<1x2x128xi32, #tpu.memory_space<hbm>>
        %dma_start3A_160 = tpu.memref_squeeze %dma_start3A_159 : memref<1x2x128xi32, #tpu.memory_space<hbm>> -> memref<2x128xi32, #tpu.memory_space<hbm>>
        tpu.enqueue_dma source(%dma_start3A_160 : memref<2x128xi32, #tpu.memory_space<hbm>>) target(%arg9 : memref<2x128xi32, #tpu.memory_space<vmem>>) target_semaphore(%arg16 : memref<!tpu.dma_semaphore, #tpu.memory_space<semaphore_mem>>)
      }
      %scan3A_51 = arith.constant 71 : i32
      %dma_wait3A_52 = arith.constant 0 : i32
      %dma_wait3A_53 = arith.constant 0 : i32
      %dma_wait3A_54 = tpu.memref_slice %arg3[%mul3A_16, %dma_wait3A_52, %dma_wait3A_53] : memref<2560x2x128xi32, #tpu.memory_space<hbm>> -> memref<1x2x128xi32, #tpu.memory_space<hbm>>
      %dma_wait3A_55 = tpu.memref_squeeze %dma_wait3A_54 : memref<1x2x128xi32, #tpu.memory_space<hbm>> -> memref<2x128xi32, #tpu.memory_space<hbm>>
      %dma_wait3A_56 = arith.constant 0 : i32
      %dma_wait3A_57 = arith.constant 0 : i32
      %dma_wait3A_58 = tpu.memref_slice %arg3[%mul3A_16, %dma_wait3A_56, %dma_wait3A_57] : memref<2560x2x128xi32, #tpu.memory_space<hbm>> -> memref<1x2x128xi32, #tpu.memory_space<hbm>>
      %dma_wait3A_59 = tpu.memref_squeeze %dma_wait3A_58 : memref<1x2x128xi32, #tpu.memory_space<hbm>> -> memref<2x128xi32, #tpu.memory_space<hbm>>
      tpu.wait_dma2 semaphore(%arg16 : memref<!tpu.dma_semaphore, #tpu.memory_space<semaphore_mem>>) src(%dma_wait3A_59 : memref<2x128xi32, #tpu.memory_space<hbm>>) dst(%arg9 : memref<2x128xi32, #tpu.memory_space<vmem>>)
      %dma_start3A_60 = arith.constant 0 : i32
      %dma_start3A_61 = arith.constant 0 : i32
      %dma_start3A_62 = tpu.memref_slice %arg9[%dma_start3A_60, %dma_start3A_61] : memref<2x128xi32, #tpu.memory_space<vmem>> -> memref<1x128xi32, #tpu.memory_space<vmem>>
      %dma_start3A_63 = tpu.memref_squeeze %dma_start3A_62 : memref<1x128xi32, #tpu.memory_space<vmem>> -> memref<128xi32, #tpu.memory_space<vmem>>
      %dma_start3A_64 = arith.constant 0 : i32
      %dma_start3A_65 = arith.constant 0 : i32
      %dma_start3A_66 = tpu.memref_slice %arg2[%dma_start3A_64, %dma_start3A_65] : memref<10000x128xf32, #tpu.memory_space<hbm>> -> memref<10000x128xf32, #tpu.memory_space<hbm>>
      tpu.enqueue_indirect_dma source(%dma_start3A_66 : memref<10000x128xf32, #tpu.memory_space<hbm>>) target(%arg13 : memref<128x128xf32, #tpu.memory_space<vmem>>) offsets(%dma_start3A_63 : memref<128xi32, #tpu.memory_space<vmem>>) semaphore(%arg18 : memref<!tpu.dma_semaphore, #tpu.memory_space<semaphore_mem>>)
      %dma_wait3A_67 = arith.constant 0 : i32
      %dma_wait3A_68 = arith.constant 0 : i32
      %dma_wait3A_69 = tpu.memref_slice %arg8[%dma_wait3A_67, %dma_wait3A_68] : memref<2x128xi32, #tpu.memory_space<vmem>> -> memref<1x128xi32, #tpu.memory_space<vmem>>
      %dma_wait3A_70 = tpu.memref_squeeze %dma_wait3A_69 : memref<1x128xi32, #tpu.memory_space<vmem>> -> memref<128xi32, #tpu.memory_space<vmem>>
      %dma_wait3A_71 = arith.constant 0 : i32
      %dma_wait3A_72 = arith.constant 0 : i32
      %dma_wait3A_73 = tpu.memref_slice %arg2[%dma_wait3A_71, %dma_wait3A_72] : memref<10000x128xf32, #tpu.memory_space<hbm>> -> memref<10000x128xf32, #tpu.memory_space<hbm>>
      tpu.wait_indirect_dma semaphore(%arg17 : memref<!tpu.dma_semaphore, #tpu.memory_space<semaphore_mem>>) src(%dma_wait3A_73 : memref<10000x128xf32, #tpu.memory_space<hbm>>) dst(%arg12 : memref<128x128xf32, #tpu.memory_space<vmem>>)
      %run_scoped3A = arith.constant 1 : i32
      "tpu.region"() ({
        %run_scoped3A_82 = tpu.sem_alloc : memref<!tpu.dma_semaphore, #tpu.memory_space<semaphore_mem>>
        %dma_start3A_83 = arith.constant 0 : i32
        %dma_start3A_84 = tpu.memref_slice %arg8[%run_scoped3A, %dma_start3A_83] : memref<2x128xi32, #tpu.memory_space<vmem>> -> memref<1x128xi32, #tpu.memory_space<vmem>>
        %dma_start3A_85 = tpu.memref_squeeze %dma_start3A_84 : memref<1x128xi32, #tpu.memory_space<vmem>> -> memref<128xi32, #tpu.memory_space<vmem>>
        %dma_start3A_86 = arith.constant 0 : i32
        %dma_start3A_87 = arith.constant 0 : i32
        %dma_start3A_88 = tpu.memref_slice %arg14[%dma_start3A_86, %dma_start3A_87] : memref<10240x128xf32, #tpu.memory_space<vmem_shared>> -> memref<10240x128xf32, #tpu.memory_space<vmem_shared>>
        tpu.enqueue_indirect_dma source(%arg12 : memref<128x128xf32, #tpu.memory_space<vmem>>) target(%dma_start3A_88 : memref<10240x128xf32, #tpu.memory_space<vmem_shared>>) offsets(%dma_start3A_85 : memref<128xi32, #tpu.memory_space<vmem>>) semaphore(%run_scoped3A_82 : memref<!tpu.dma_semaphore, #tpu.memory_space<semaphore_mem>>) {add = true}
        %dma_wait3A_89 = arith.constant 0 : i32
        %dma_wait3A_90 = tpu.memref_slice %arg8[%run_scoped3A, %dma_wait3A_89] : memref<2x128xi32, #tpu.memory_space<vmem>> -> memref<1x128xi32, #tpu.memory_space<vmem>>
        %dma_wait3A_91 = tpu.memref_squeeze %dma_wait3A_90 : memref<1x128xi32, #tpu.memory_space<vmem>> -> memref<128xi32, #tpu.memory_space<vmem>>
        %dma_wait3A_92 = arith.constant 0 : i32
        %dma_wait3A_93 = arith.constant 0 : i32
        %dma_wait3A_94 = tpu.memref_slice %arg14[%dma_wait3A_92, %dma_wait3A_93] : memref<10240x128xf32, #tpu.memory_space<vmem_shared>> -> memref<10240x128xf32, #tpu.memory_space<vmem_shared>>
        tpu.wait_indirect_dma semaphore(%run_scoped3A_82 : memref<!tpu.dma_semaphore, #tpu.memory_space<semaphore_mem>>) src(%arg12 : memref<128x128xf32, #tpu.memory_space<vmem>>) dst(%dma_wait3A_94 : memref<10240x128xf32, #tpu.memory_space<vmem_shared>>)
        tpu.yield
      }) : () -> ()
      %dma_wait3A_74 = arith.constant 0 : i32
      %dma_wait3A_75 = arith.constant 0 : i32
      %dma_wait3A_76 = tpu.memref_slice %arg9[%dma_wait3A_74, %dma_wait3A_75] : memref<2x128xi32, #tpu.memory_space<vmem>> -> memref<1x128xi32, #tpu.memory_space<vmem>>
      %dma_wait3A_77 = tpu.memref_squeeze %dma_wait3A_76 : memref<1x128xi32, #tpu.memory_space<vmem>> -> memref<128xi32, #tpu.memory_space<vmem>>
      %dma_wait3A_78 = arith.constant 0 : i32
      %dma_wait3A_79 = arith.constant 0 : i32
      %dma_wait3A_80 = tpu.memref_slice %arg2[%dma_wait3A_78, %dma_wait3A_79] : memref<10000x128xf32, #tpu.memory_space<hbm>> -> memref<10000x128xf32, #tpu.memory_space<hbm>>
      tpu.wait_indirect_dma semaphore(%arg18 : memref<!tpu.dma_semaphore, #tpu.memory_space<semaphore_mem>>) src(%dma_wait3A_80 : memref<10000x128xf32, #tpu.memory_space<hbm>>) dst(%arg13 : memref<128x128xf32, #tpu.memory_space<vmem>>)
      %run_scoped3A_81 = arith.constant 1 : i32
      "tpu.region"() ({
        %run_scoped3A_82 = tpu.sem_alloc : memref<!tpu.dma_semaphore, #tpu.memory_space<semaphore_mem>>
        %dma_start3A_83 = arith.constant 0 : i32
        %dma_start3A_84 = tpu.memref_slice %arg9[%run_scoped3A_81, %dma_start3A_83] : memref<2x128xi32, #tpu.memory_space<vmem>> -> memref<1x128xi32, #tpu.memory_space<vmem>>
        %dma_start3A_85 = tpu.memref_squeeze %dma_start3A_84 : memref<1x128xi32, #tpu.memory_space<vmem>> -> memref<128xi32, #tpu.memory_space<vmem>>
        %dma_start3A_86 = arith.constant 0 : i32
        %dma_start3A_87 = arith.constant 0 : i32
        %dma_start3A_88 = tpu.memref_slice %arg14[%dma_start3A_86, %dma_start3A_87] : memref<10240x128xf32, #tpu.memory_space<vmem_shared>> -> memref<10240x128xf32, #tpu.memory_space<vmem_shared>>
        tpu.enqueue_indirect_dma source(%arg13 : memref<128x128xf32, #tpu.memory_space<vmem>>) target(%dma_start3A_88 : memref<10240x128xf32, #tpu.memory_space<vmem_shared>>) offsets(%dma_start3A_85 : memref<128xi32, #tpu.memory_space<vmem>>) semaphore(%run_scoped3A_82 : memref<!tpu.dma_semaphore, #tpu.memory_space<semaphore_mem>>) {add = true}
        %dma_wait3A_89 = arith.constant 0 : i32
        %dma_wait3A_90 = tpu.memref_slice %arg9[%run_scoped3A_81, %dma_wait3A_89] : memref<2x128xi32, #tpu.memory_space<vmem>> -> memref<1x128xi32, #tpu.memory_space<vmem>>
        %dma_wait3A_91 = tpu.memref_squeeze %dma_wait3A_90 : memref<1x128xi32, #tpu.memory_space<vmem>> -> memref<128xi32, #tpu.memory_space<vmem>>
        %dma_wait3A_92 = arith.constant 0 : i32
        %dma_wait3A_93 = arith.constant 0 : i32
        %dma_wait3A_94 = tpu.memref_slice %arg14[%dma_wait3A_92, %dma_wait3A_93] : memref<10240x128xf32, #tpu.memory_space<vmem_shared>> -> memref<10240x128xf32, #tpu.memory_space<vmem_shared>>
        tpu.wait_indirect_dma semaphore(%run_scoped3A_82 : memref<!tpu.dma_semaphore, #tpu.memory_space<semaphore_mem>>) src(%arg13 : memref<128x128xf32, #tpu.memory_space<vmem>>) dst(%dma_wait3A_94 : memref<10240x128xf32, #tpu.memory_space<vmem_shared>>)
        tpu.yield
      }) : () -> ()
    } else {
    }
    %eq3A_3 = arith.constant 1 : i32
    %eq3A_4 = arith.cmpi eq, %arg0, %eq3A_3 : i32
    %convert_element_type3A_5 = arith.extui %eq3A_4 : i1 to i32
    %cond3A_6 = arith.constant 0 : i32
    %cond3A_7 = arith.cmpi ne, %convert_element_type3A_5, %cond3A_6 : i32
    scf.if %cond3A_7 {
      %mul3A_15 = arith.constant 16 : i32
      %mul3A_16 = arith.muli %arg1, %mul3A_15 : i32
      %add3A_17 = arith.constant 2304 : i32
      %add3A_18 = arith.addi %add3A_17, %mul3A_16 : i32
      %mul3A_19 = arith.constant 128 : i32
      %mul3A_20 = arith.muli %add3A_18, %mul3A_19 : i32
      %scan3A = arith.constant 0 : i32
      %scan3A_21 = arith.constant 16 : i32
      %scan3A_22 = arith.addi %scan3A, %scan3A_21 : i32
      %scan3A_23 = arith.constant 1 : i32
      scf.for %scan3A_25 = %scan3A to %scan3A_22 step %scan3A_23  : i32 {
        %mul3A_26 = arith.constant 1 : i32
        %mul3A_27 = arith.muli %scan3A_25, %mul3A_26 : i32
        %add3A_28 = arith.constant 0 : i32
        %add3A_29 = arith.addi %add3A_28, %mul3A_27 : i32
        %mul3A_30 = arith.constant 128 : i32
        %mul3A_31 = arith.muli %add3A_29, %mul3A_30 : i32
        %add3A_32 = arith.addi %mul3A_20, %mul3A_31 : i32
        "tpu.region"() ({
          %run_scoped3A = tpu.sem_alloc : memref<!tpu.dma_semaphore, #tpu.memory_space<semaphore_mem>>
          %dma_start3A_37 = tpu.memref_slice %arg4[%add3A_32] : memref<327680xi32, #tpu.memory_space<hbm>> -> memref<128xi32, #tpu.memory_space<hbm>>
          %dma_start3A_38 = tpu.memref_slice %arg4[%add3A_32] : memref<327680xi32, #tpu.memory_space<hbm>> -> memref<128xi32, #tpu.memory_space<hbm>>
          tpu.enqueue_dma source(%dma_start3A_38 : memref<128xi32, #tpu.memory_space<hbm>>) target(%arg10 : memref<128xi32, #tpu.memory_space<vmem>>) target_semaphore(%run_scoped3A : memref<!tpu.dma_semaphore, #tpu.memory_space<semaphore_mem>>)
          %dma_wait3A_39 = tpu.memref_slice %arg4[%add3A_32] : memref<327680xi32, #tpu.memory_space<hbm>> -> memref<128xi32, #tpu.memory_space<hbm>>
          %dma_wait3A_40 = tpu.memref_slice %arg4[%add3A_32] : memref<327680xi32, #tpu.memory_space<hbm>> -> memref<128xi32, #tpu.memory_space<hbm>>
          tpu.wait_dma2 semaphore(%run_scoped3A : memref<!tpu.dma_semaphore, #tpu.memory_space<semaphore_mem>>) src(%dma_wait3A_40 : memref<128xi32, #tpu.memory_space<hbm>>) dst(%arg10 : memref<128xi32, #tpu.memory_space<vmem>>)
          tpu.yield
        }) : () -> ()
        "tpu.region"() ({
          %run_scoped3A = tpu.sem_alloc : memref<!tpu.dma_semaphore, #tpu.memory_space<semaphore_mem>>
          %dma_start3A_37 = tpu.memref_slice %arg5[%add3A_32] : memref<327680xi32, #tpu.memory_space<hbm>> -> memref<128xi32, #tpu.memory_space<hbm>>
          %dma_start3A_38 = tpu.memref_slice %arg5[%add3A_32] : memref<327680xi32, #tpu.memory_space<hbm>> -> memref<128xi32, #tpu.memory_space<hbm>>
          tpu.enqueue_dma source(%dma_start3A_38 : memref<128xi32, #tpu.memory_space<hbm>>) target(%arg11 : memref<128xi32, #tpu.memory_space<vmem>>) target_semaphore(%run_scoped3A : memref<!tpu.dma_semaphore, #tpu.memory_space<semaphore_mem>>)
          %dma_wait3A_39 = tpu.memref_slice %arg5[%add3A_32] : memref<327680xi32, #tpu.memory_space<hbm>> -> memref<128xi32, #tpu.memory_space<hbm>>
          %dma_wait3A_40 = tpu.memref_slice %arg5[%add3A_32] : memref<327680xi32, #tpu.memory_space<hbm>> -> memref<128xi32, #tpu.memory_space<hbm>>
          tpu.wait_dma2 semaphore(%run_scoped3A : memref<!tpu.dma_semaphore, #tpu.memory_space<semaphore_mem>>) src(%dma_wait3A_40 : memref<128xi32, #tpu.memory_space<hbm>>) dst(%arg11 : memref<128xi32, #tpu.memory_space<vmem>>)
          tpu.yield
        }) : () -> ()
        %dma_start3A = arith.constant 0 : i32
        %dma_start3A_33 = arith.constant 0 : i32
        %dma_start3A_34 = tpu.memref_slice %arg2[%dma_start3A, %dma_start3A_33] : memref<10000x128xf32, #tpu.memory_space<hbm>> -> memref<10000x128xf32, #tpu.memory_space<hbm>>
        tpu.enqueue_indirect_dma source(%dma_start3A_34 : memref<10000x128xf32, #tpu.memory_space<hbm>>) target(%arg12 : memref<128x128xf32, #tpu.memory_space<vmem>>) offsets(%arg10 : memref<128xi32, #tpu.memory_space<vmem>>) semaphore(%arg17 : memref<!tpu.dma_semaphore, #tpu.memory_space<semaphore_mem>>)
        %dma_wait3A = arith.constant 0 : i32
        %dma_wait3A_35 = arith.constant 0 : i32
        %dma_wait3A_36 = tpu.memref_slice %arg2[%dma_wait3A, %dma_wait3A_35] : memref<10000x128xf32, #tpu.memory_space<hbm>> -> memref<10000x128xf32, #tpu.memory_space<hbm>>
        tpu.wait_indirect_dma semaphore(%arg17 : memref<!tpu.dma_semaphore, #tpu.memory_space<semaphore_mem>>) src(%dma_wait3A_36 : memref<10000x128xf32, #tpu.memory_space<hbm>>) dst(%arg12 : memref<128x128xf32, #tpu.memory_space<vmem>>)
        "tpu.region"() ({
          %run_scoped3A = tpu.sem_alloc : memref<!tpu.dma_semaphore, #tpu.memory_space<semaphore_mem>>
          %dma_start3A_37 = arith.constant 0 : i32
          %dma_start3A_38 = arith.constant 0 : i32
          %dma_start3A_39 = tpu.memref_slice %arg14[%dma_start3A_37, %dma_start3A_38] : memref<10240x128xf32, #tpu.memory_space<vmem_shared>> -> memref<10240x128xf32, #tpu.memory_space<vmem_shared>>
          tpu.enqueue_indirect_dma source(%arg12 : memref<128x128xf32, #tpu.memory_space<vmem>>) target(%dma_start3A_39 : memref<10240x128xf32, #tpu.memory_space<vmem_shared>>) offsets(%arg11 : memref<128xi32, #tpu.memory_space<vmem>>) semaphore(%run_scoped3A : memref<!tpu.dma_semaphore, #tpu.memory_space<semaphore_mem>>) {add = true}
          %dma_wait3A_40 = arith.constant 0 : i32
          %dma_wait3A_41 = arith.constant 0 : i32
          %dma_wait3A_42 = tpu.memref_slice %arg14[%dma_wait3A_40, %dma_wait3A_41] : memref<10240x128xf32, #tpu.memory_space<vmem_shared>> -> memref<10240x128xf32, #tpu.memory_space<vmem_shared>>
          tpu.wait_indirect_dma semaphore(%run_scoped3A : memref<!tpu.dma_semaphore, #tpu.memory_space<semaphore_mem>>) src(%arg12 : memref<128x128xf32, #tpu.memory_space<vmem>>) dst(%dma_wait3A_42 : memref<10240x128xf32, #tpu.memory_space<vmem_shared>>)
          tpu.yield
        }) : () -> ()
      }
      %scan3A_24 = arith.constant 16 : i32
    } else {
    }
    %barrier3A_8 = arith.constant 0 : index
    tpu.barrier barrier_id(%barrier3A_8)
    %mul3A_9 = arith.constant 10240 : i32
    %mul3A_10 = arith.muli %arg0, %mul3A_9 : i32
    %mul3A_11 = arith.constant 640 : i32
    %mul3A_12 = arith.muli %arg1, %mul3A_11 : i32
    %add3A = arith.addi %mul3A_10, %mul3A_12 : i32
    %mul3A_13 = arith.constant 640 : i32
    %mul3A_14 = arith.muli %arg1, %mul3A_13 : i32
    "tpu.region"() ({
      %run_scoped3A = tpu.sem_alloc : memref<!tpu.dma_semaphore, #tpu.memory_space<semaphore_mem>>
      %dma_start3A = arith.constant 0 : i32
      %dma_start3A_15 = tpu.memref_slice %arg7[%add3A, %dma_start3A] : memref<20480x128xf32, #tpu.memory_space<hbm>> -> memref<640x128xf32, #tpu.memory_space<hbm>>
      %dma_start3A_16 = arith.constant 0 : i32
      %dma_start3A_17 = tpu.memref_slice %arg14[%mul3A_14, %dma_start3A_16] : memref<10240x128xf32, #tpu.memory_space<vmem_shared>> -> memref<640x128xf32, #tpu.memory_space<vmem_shared>>
      tpu.enqueue_dma source(%dma_start3A_17 : memref<640x128xf32, #tpu.memory_space<vmem_shared>>) target(%dma_start3A_15 : memref<640x128xf32, #tpu.memory_space<hbm>>) target_semaphore(%run_scoped3A : memref<!tpu.dma_semaphore, #tpu.memory_space<semaphore_mem>>)
      %dma_wait3A = arith.constant 0 : i32
      %dma_wait3A_18 = tpu.memref_slice %arg7[%add3A, %dma_wait3A] : memref<20480x128xf32, #tpu.memory_space<hbm>> -> memref<640x128xf32, #tpu.memory_space<hbm>>
      %dma_wait3A_19 = arith.constant 0 : i32
      %dma_wait3A_20 = tpu.memref_slice %arg14[%mul3A_14, %dma_wait3A_19] : memref<10240x128xf32, #tpu.memory_space<vmem_shared>> -> memref<640x128xf32, #tpu.memory_space<vmem_shared>>
      tpu.wait_dma2 semaphore(%run_scoped3A : memref<!tpu.dma_semaphore, #tpu.memory_space<semaphore_mem>>) src(%dma_wait3A_20 : memref<640x128xf32, #tpu.memory_space<vmem_shared>>) dst(%dma_wait3A_18 : memref<640x128xf32, #tpu.memory_space<hbm>>)
      tpu.yield
    }) : () -> ()
    return
  }
}

module attributes {stable_mosaic.version = 14 : i64} {
  func.func @_mm_body(%arg0: i32, %arg1: memref<400x128xf32, #tpu.memory_space<vmem>>, %arg2: memref<128x128xf32, #tpu.memory_space<vmem>>, %arg3: memref<400x128xf32, #tpu.memory_space<vmem>>) attributes {dimension_semantics = [#tpu.dimension_semantics<parallel>], iteration_bounds = array<i64: 25>, scalar_prefetch = 0 : i64, scratch_operands = 0 : i64, tpu.core_type = #tpu.core_type<tc>, window_params = [{transform_indices = @transform_0, window_bounds = array<i64: 400, 128>}, {pipeline_mode = #tpu.pipeline_mode<synchronous>, transform_indices = @transform_1, window_bounds = array<i64: 128, 128>}, {transform_indices = @transform_2, window_bounds = array<i64: 400, 128>}]} {
    %get3A = arith.constant 0 : index
    %get3A_0 = arith.constant 0 : index
    %get3A_1 = vector.load %arg1[%get3A, %get3A_0] : memref<400x128xf32, #tpu.memory_space<vmem>>, vector<400x128xf32>
    %get3A_2 = arith.constant 0 : index
    %get3A_3 = arith.constant 0 : index
    %get3A_4 = vector.load %arg2[%get3A_2, %get3A_3] : memref<128x128xf32, #tpu.memory_space<vmem>>, vector<128x128xf32>
    %dot_general3A = arith.constant dense<0.000000e+00> : vector<400x128xf32>
    %dot_general3A_5 = tpu.matmul %get3A_1, %get3A_4, %dot_general3A {dimension_numbers = #tpu.dot_dimension_numbers<[1], [0], [0], [1], [0, 0, 1, 1], [], []>, transpose_lhs_hint = false} : vector<400x128xf32>, vector<128x128xf32>, vector<400x128xf32> -> vector<400x128xf32>
    %swap3A = arith.constant 0 : index
    %swap3A_6 = arith.constant 0 : index
    %swap3A_7 = vector.load %arg3[%swap3A, %swap3A_6] : memref<400x128xf32, #tpu.memory_space<vmem>>, vector<400x128xf32>
    tpu.vector_store %arg3[%swap3A, %swap3A_6], %dot_general3A_5 {strides = array<i32>} : memref<400x128xf32, #tpu.memory_space<vmem>>, vector<400x128xf32>,
    return
  }
  func.func @transform_0(%arg0: i32) -> (i32, i32) {
    %c0_i32 = arith.constant 0 : i32
    %c0_i32_0 = arith.constant 0 : i32
    return %arg0, %c0_i32 : i32, i32
  }
  func.func @transform_1(%arg0: i32) -> (i32, i32) {
    %c0_i32 = arith.constant 0 : i32
    %c0_i32_0 = arith.constant 0 : i32
    %c0_i32_1 = arith.constant 0 : i32
    return %c0_i32, %c0_i32_0 : i32, i32
  }
  func.func @transform_2(%arg0: i32) -> (i32, i32) {
    %c0_i32 = arith.constant 0 : i32
    %c0_i32_0 = arith.constant 0 : i32
    return %arg0, %c0_i32 : i32, i32
  }
}

module attributes {stable_mosaic.version = 14 : i64} {
  func.func @_post1_body(%arg0: i32, %arg1: memref<400x128xf32, #tpu.memory_space<vmem>>, %arg2: memref<400x1xf32, #tpu.memory_space<vmem>>, %arg3: memref<400x1xf32, #tpu.memory_space<vmem>>, %arg4: memref<400x1xf32, #tpu.memory_space<vmem>>, %arg5: memref<400x128xf32, #tpu.memory_space<vmem>>) attributes {dimension_semantics = [#tpu.dimension_semantics<parallel>], iteration_bounds = array<i64: 25>, scalar_prefetch = 0 : i64, scratch_operands = 0 : i64, tpu.core_type = #tpu.core_type<tc>, window_params = [{transform_indices = @transform_0, window_bounds = array<i64: 400, 128>}, {transform_indices = @transform_1, window_bounds = array<i64: 400, 1>}, {transform_indices = @transform_2, window_bounds = array<i64: 400, 1>}, {transform_indices = @transform_3, window_bounds = array<i64: 400, 1>}, {transform_indices = @transform_4, window_bounds = array<i64: 400, 128>}]} {
    %get3A = arith.constant 0 : index
    %get3A_0 = arith.constant 0 : index
    %get3A_1 = vector.load %arg2[%get3A, %get3A_0] : memref<400x1xf32, #tpu.memory_space<vmem>>, vector<400x1xf32>
    %get3A_2 = arith.constant 0 : index
    %get3A_3 = arith.constant 0 : index
    %get3A_4 = vector.load %arg3[%get3A_2, %get3A_3] : memref<400x1xf32, #tpu.memory_space<vmem>>, vector<400x1xf32>
    %add3A = arith.addf %get3A_1, %get3A_4 : vector<400x1xf32>
    %add3A_5 = arith.constant 1.000000e+00 : f32
    %add3A_6 = vector.broadcast %add3A_5 : f32 to vector<400x1xf32>
    %add3A_7 = arith.addf %add3A, %add3A_6 : vector<400x1xf32>
    %rsqrt3A = math.rsqrt %add3A_7 : vector<400x1xf32>
    %swap3A = arith.constant 0 : index
    %swap3A_8 = arith.constant 0 : index
    %swap3A_9 = vector.load %arg4[%swap3A, %swap3A_8] : memref<400x1xf32, #tpu.memory_space<vmem>>, vector<400x1xf32>
    tpu.vector_store %arg4[%swap3A, %swap3A_8], %rsqrt3A {strides = array<i32>} : memref<400x1xf32, #tpu.memory_space<vmem>>, vector<400x1xf32>,
    %get3A_10 = arith.constant 0 : index
    %get3A_11 = arith.constant 0 : index
    %get3A_12 = vector.load %arg1[%get3A_10, %get3A_11] : memref<400x128xf32, #tpu.memory_space<vmem>>, vector<400x128xf32>
    %mul3A = vector.broadcast %rsqrt3A : vector<400x1xf32> to vector<400x128xf32>
    %mul3A_13 = arith.mulf %get3A_12, %mul3A : vector<400x128xf32>
    %swap3A_14 = arith.constant 0 : index
    %swap3A_15 = arith.constant 0 : index
    %swap3A_16 = vector.load %arg5[%swap3A_14, %swap3A_15] : memref<400x128xf32, #tpu.memory_space<vmem>>, vector<400x128xf32>
    tpu.vector_store %arg5[%swap3A_14, %swap3A_15], %mul3A_13 {strides = array<i32>} : memref<400x128xf32, #tpu.memory_space<vmem>>, vector<400x128xf32>,
    return
  }
  func.func @transform_0(%arg0: i32) -> (i32, i32) {
    %c0_i32 = arith.constant 0 : i32
    %c0_i32_0 = arith.constant 0 : i32
    return %arg0, %c0_i32 : i32, i32
  }
  func.func @transform_1(%arg0: i32) -> (i32, i32) {
    %c0_i32 = arith.constant 0 : i32
    %c0_i32_0 = arith.constant 0 : i32
    return %arg0, %c0_i32 : i32, i32
  }
  func.func @transform_2(%arg0: i32) -> (i32, i32) {
    %c0_i32 = arith.constant 0 : i32
    %c0_i32_0 = arith.constant 0 : i32
    return %arg0, %c0_i32 : i32, i32
  }
  func.func @transform_3(%arg0: i32) -> (i32, i32) {
    %c0_i32 = arith.constant 0 : i32
    %c0_i32_0 = arith.constant 0 : i32
    return %arg0, %c0_i32 : i32, i32
  }
  func.func @transform_4(%arg0: i32) -> (i32, i32) {
    %c0_i32 = arith.constant 0 : i32
    %c0_i32_0 = arith.constant 0 : i32
    return %arg0, %c0_i32 : i32, i32
  }
}

module attributes {stable_mosaic.version = 14 : i64} {
  func.func @_layer_body(%arg0: i32, %arg1: memref<400x128xf32, #tpu.memory_space<vmem>>, %arg2: memref<400x128xf32, #tpu.memory_space<vmem>>, %arg3: memref<400x128xf32, #tpu.memory_space<vmem>>, %arg4: memref<400x1xf32, #tpu.memory_space<vmem>>, %arg5: memref<1x128xf32, #tpu.memory_space<vmem>>, %arg6: memref<128x128xf32, #tpu.memory_space<vmem>>, %arg7: memref<400x128xf32, #tpu.memory_space<vmem>>) attributes {dimension_semantics = [#tpu.dimension_semantics<parallel>], iteration_bounds = array<i64: 25>, scalar_prefetch = 0 : i64, scratch_operands = 0 : i64, tpu.core_type = #tpu.core_type<tc>, window_params = [{transform_indices = @transform_0, window_bounds = array<i64: 400, 128>}, {transform_indices = @transform_1, window_bounds = array<i64: 400, 128>}, {transform_indices = @transform_2, window_bounds = array<i64: 400, 128>}, {transform_indices = @transform_3, window_bounds = array<i64: 400, 1>}, {pipeline_mode = #tpu.pipeline_mode<synchronous>, transform_indices = @transform_4, window_bounds = array<i64: 1, 128>}, {pipeline_mode = #tpu.pipeline_mode<synchronous>, transform_indices = @transform_5, window_bounds = array<i64: 128, 128>}, {transform_indices = @transform_6, window_bounds = array<i64: 400, 128>}]} {
    %get3A = arith.constant 0 : index
    %get3A_0 = arith.constant 0 : index
    %get3A_1 = vector.load %arg4[%get3A, %get3A_0] : memref<400x1xf32, #tpu.memory_space<vmem>>, vector<400x1xf32>
    %get3A_2 = arith.constant 0 : index
    %get3A_3 = arith.constant 0 : index
    %get3A_4 = vector.load %arg1[%get3A_2, %get3A_3] : memref<400x128xf32, #tpu.memory_space<vmem>>, vector<400x128xf32>
    %get3A_5 = arith.constant 0 : index
    %get3A_6 = arith.constant 0 : index
    %get3A_7 = vector.load %arg2[%get3A_5, %get3A_6] : memref<400x128xf32, #tpu.memory_space<vmem>>, vector<400x128xf32>
    %add3A = arith.addf %get3A_4, %get3A_7 : vector<400x128xf32>
    %get3A_8 = arith.constant 0 : index
    %get3A_9 = arith.constant 0 : index
    %get3A_10 = vector.load %arg3[%get3A_8, %get3A_9] : memref<400x128xf32, #tpu.memory_space<vmem>>, vector<400x128xf32>
    %add3A_11 = arith.addf %add3A, %get3A_10 : vector<400x128xf32>
    %mul3A = vector.broadcast %get3A_1 : vector<400x1xf32> to vector<400x128xf32>
    %mul3A_12 = arith.mulf %mul3A, %add3A_11 : vector<400x128xf32>
    %get3A_13 = arith.constant 0 : index
    %get3A_14 = arith.constant 0 : index
    %get3A_15 = vector.load %arg5[%get3A_13, %get3A_14] : memref<1x128xf32, #tpu.memory_space<vmem>>, vector<1x128xf32>
    %add3A_16 = vector.broadcast %get3A_15 : vector<1x128xf32> to vector<400x128xf32>
    %add3A_17 = arith.addf %mul3A_12, %add3A_16 : vector<400x128xf32>
    %max3A = arith.constant 0.000000e+00 : f32
    %max3A_18 = vector.broadcast %max3A : f32 to vector<400x128xf32>
    %max3A_19 = arith.maximumf %add3A_17, %max3A_18 : vector<400x128xf32>
    %get3A_20 = arith.constant 0 : index
    %get3A_21 = arith.constant 0 : index
    %get3A_22 = vector.load %arg6[%get3A_20, %get3A_21] : memref<128x128xf32, #tpu.memory_space<vmem>>, vector<128x128xf32>
    %dot_general3A = arith.constant dense<0.000000e+00> : vector<400x128xf32>
    %dot_general3A_23 = tpu.matmul %max3A_19, %get3A_22, %dot_general3A {dimension_numbers = #tpu.dot_dimension_numbers<[1], [0], [0], [1], [0, 0, 1, 1], [], []>, transpose_lhs_hint = false} : vector<400x128xf32>, vector<128x128xf32>, vector<400x128xf32> -> vector<400x128xf32>
    %mul3A_24 = vector.broadcast %get3A_1 : vector<400x1xf32> to vector<400x128xf32>
    %mul3A_25 = arith.mulf %mul3A_24, %dot_general3A_23 : vector<400x128xf32>
    %swap3A = arith.constant 0 : index
    %swap3A_26 = arith.constant 0 : index
    %swap3A_27 = vector.load %arg7[%swap3A, %swap3A_26] : memref<400x128xf32, #tpu.memory_space<vmem>>, vector<400x128xf32>
    tpu.vector_store %arg7[%swap3A, %swap3A_26], %mul3A_25 {strides = array<i32>} : memref<400x128xf32, #tpu.memory_space<vmem>>, vector<400x128xf32>,
    return
  }
  func.func @transform_0(%arg0: i32) -> (i32, i32) {
    %c0_i32 = arith.constant 0 : i32
    %c0_i32_0 = arith.constant 0 : i32
    return %arg0, %c0_i32 : i32, i32
  }
  func.func @transform_1(%arg0: i32) -> (i32, i32) {
    %c0_i32 = arith.constant 0 : i32
    %c0_i32_0 = arith.constant 0 : i32
    return %arg0, %c0_i32 : i32, i32
  }
  func.func @transform_2(%arg0: i32) -> (i32, i32) {
    %c0_i32 = arith.constant 0 : i32
    %c0_i32_0 = arith.constant 0 : i32
    return %arg0, %c0_i32 : i32, i32
  }
  func.func @transform_3(%arg0: i32) -> (i32, i32) {
    %c0_i32 = arith.constant 0 : i32
    %c0_i32_0 = arith.constant 0 : i32
    return %arg0, %c0_i32 : i32, i32
  }
  func.func @transform_4(%arg0: i32) -> (i32, i32) {
    %c0_i32 = arith.constant 0 : i32
    %c0_i32_0 = arith.constant 0 : i32
    %c0_i32_1 = arith.constant 0 : i32
    return %c0_i32, %c0_i32_0 : i32, i32
  }
  func.func @transform_5(%arg0: i32) -> (i32, i32) {
    %c0_i32 = arith.constant 0 : i32
    %c0_i32_0 = arith.constant 0 : i32
    %c0_i32_1 = arith.constant 0 : i32
    return %c0_i32, %c0_i32_0 : i32, i32
  }
  func.func @transform_6(%arg0: i32) -> (i32, i32) {
    %c0_i32 = arith.constant 0 : i32
    %c0_i32_0 = arith.constant 0 : i32
    return %arg0, %c0_i32 : i32, i32
  }
}

module attributes {stable_mosaic.version = 14 : i64} {
  func.func @_final_body(%arg0: i32, %arg1: memref<400x128xf32, #tpu.memory_space<vmem>>, %arg2: memref<400x128xf32, #tpu.memory_space<vmem>>, %arg3: memref<400x128xf32, #tpu.memory_space<vmem>>, %arg4: memref<400x1xf32, #tpu.memory_space<vmem>>, %arg5: memref<1x128xf32, #tpu.memory_space<vmem>>, %arg6: memref<128x128xf32, #tpu.memory_space<vmem>>, %arg7: memref<1x128xf32, #tpu.memory_space<vmem>>, %arg8: memref<128x128xf32, #tpu.memory_space<vmem>>, %arg9: memref<1x128xf32, #tpu.memory_space<vmem>>, %arg10: memref<128x128xf32, #tpu.memory_space<vmem>>, %arg11: memref<1x128xf32, #tpu.memory_space<vmem>>, %arg12: memref<400x1xi32, #tpu.memory_space<vmem>>, %arg13: memref<8x128xf32, #tpu.memory_space<vmem>>, %arg14: memref<8x128xf32, #tpu.memory_space<vmem>>) attributes {dimension_semantics = [#tpu.dimension_semantics<arbitrary>], iteration_bounds = array<i64: 25>, scalar_prefetch = 0 : i64, scratch_operands = 1 : i64, tpu.core_type = #tpu.core_type<tc>, window_params = [{transform_indices = @transform_0, window_bounds = array<i64: 400, 128>}, {transform_indices = @transform_1, window_bounds = array<i64: 400, 128>}, {transform_indices = @transform_2, window_bounds = array<i64: 400, 128>}, {transform_indices = @transform_3, window_bounds = array<i64: 400, 1>}, {pipeline_mode = #tpu.pipeline_mode<synchronous>, transform_indices = @transform_4, window_bounds = array<i64: 1, 128>}, {pipeline_mode = #tpu.pipeline_mode<synchronous>, transform_indices = @transform_5, window_bounds = array<i64: 128, 128>}, {pipeline_mode = #tpu.pipeline_mode<synchronous>, transform_indices = @transform_6, window_bounds = array<i64: 1, 128>}, {pipeline_mode = #tpu.pipeline_mode<synchronous>, transform_indices = @transform_7, window_bounds = array<i64: 128, 128>}, {pipeline_mode = #tpu.pipeline_mode<synchronous>, transform_indices = @transform_8, window_bounds = array<i64: 1, 128>}, {pipeline_mode = #tpu.pipeline_mode<synchronous>, transform_indices = @transform_9, window_bounds = array<i64: 128, 128>}, {pipeline_mode = #tpu.pipeline_mode<synchronous>, transform_indices = @transform_10, window_bounds = array<i64: 1, 128>}, {transform_indices = @transform_11, window_bounds = array<i64: 400, 1>}, {pipeline_mode = #tpu.pipeline_mode<synchronous>, transform_indices = @transform_12, window_bounds = array<i64: 8, 128>}]} {
    %eq3A = arith.constant 0 : i32
    %eq3A_0 = arith.cmpi eq, %arg0, %eq3A : i32
    %convert_element_type3A = arith.extui %eq3A_0 : i1 to i32
    %cond3A = arith.constant 0 : i32
    %cond3A_1 = arith.cmpi ne, %convert_element_type3A, %cond3A : i32
    scf.if %cond3A_1 {
      %broadcast_in_dim3A_89 = arith.constant 0.000000e+00 : f32
      %broadcast_in_dim3A_90 = vector.broadcast %broadcast_in_dim3A_89 : f32 to vector<8x128xf32>
      %swap3A_91 = arith.constant 0 : index
      %swap3A_92 = arith.constant 0 : index
      %swap3A_93 = vector.load %arg13[%swap3A_91, %swap3A_92] : memref<8x128xf32, #tpu.memory_space<vmem>>, vector<8x128xf32>
      tpu.vector_store %arg13[%swap3A_91, %swap3A_92], %broadcast_in_dim3A_90 {strides = array<i32>} : memref<8x128xf32, #tpu.memory_space<vmem>>, vector<8x128xf32>,
      %broadcast_in_dim3A_94 = arith.constant 0.000000e+00 : f32
      %broadcast_in_dim3A_95 = vector.broadcast %broadcast_in_dim3A_94 : f32 to vector<8x128xf32>
      %swap3A_96 = arith.constant 0 : index
      %swap3A_97 = arith.constant 0 : index
      %swap3A_98 = vector.load %arg14[%swap3A_96, %swap3A_97] : memref<8x128xf32, #tpu.memory_space<vmem>>, vector<8x128xf32>
      tpu.vector_store %arg14[%swap3A_96, %swap3A_97], %broadcast_in_dim3A_95 {strides = array<i32>} : memref<8x128xf32, #tpu.memory_space<vmem>>, vector<8x128xf32>,
    } else {
    }
    %get3A = arith.constant 0 : index
    %get3A_2 = arith.constant 0 : index
    %get3A_3 = vector.load %arg4[%get3A, %get3A_2] : memref<400x1xf32, #tpu.memory_space<vmem>>, vector<400x1xf32>
    %get3A_4 = arith.constant 0 : index
    %get3A_5 = arith.constant 0 : index
    %get3A_6 = vector.load %arg1[%get3A_4, %get3A_5] : memref<400x128xf32, #tpu.memory_space<vmem>>, vector<400x128xf32>
    %get3A_7 = arith.constant 0 : index
    %get3A_8 = arith.constant 0 : index
    %get3A_9 = vector.load %arg2[%get3A_7, %get3A_8] : memref<400x128xf32, #tpu.memory_space<vmem>>, vector<400x128xf32>
    %add3A = arith.addf %get3A_6, %get3A_9 : vector<400x128xf32>
    %get3A_10 = arith.constant 0 : index
    %get3A_11 = arith.constant 0 : index
    %get3A_12 = vector.load %arg3[%get3A_10, %get3A_11] : memref<400x128xf32, #tpu.memory_space<vmem>>, vector<400x128xf32>
    %add3A_13 = arith.addf %add3A, %get3A_12 : vector<400x128xf32>
    %mul3A = vector.broadcast %get3A_3 : vector<400x1xf32> to vector<400x128xf32>
    %mul3A_14 = arith.mulf %mul3A, %add3A_13 : vector<400x128xf32>
    %get3A_15 = arith.constant 0 : index
    %get3A_16 = arith.constant 0 : index
    %get3A_17 = vector.load %arg5[%get3A_15, %get3A_16] : memref<1x128xf32, #tpu.memory_space<vmem>>, vector<1x128xf32>
    %add3A_18 = vector.broadcast %get3A_17 : vector<1x128xf32> to vector<400x128xf32>
    %add3A_19 = arith.addf %mul3A_14, %add3A_18 : vector<400x128xf32>
    %get3A_20 = arith.constant 0 : index
    %get3A_21 = arith.constant 0 : index
    %get3A_22 = vector.load %arg6[%get3A_20, %get3A_21] : memref<128x128xf32, #tpu.memory_space<vmem>>, vector<128x128xf32>
    %dot_general3A = arith.constant dense<0.000000e+00> : vector<400x128xf32>
    %dot_general3A_23 = tpu.matmul %add3A_19, %get3A_22, %dot_general3A {dimension_numbers = #tpu.dot_dimension_numbers<[1], [0], [0], [1], [0, 0, 1, 1], [], []>, transpose_lhs_hint = false} : vector<400x128xf32>, vector<128x128xf32>, vector<400x128xf32> -> vector<400x128xf32>
    %get3A_24 = arith.constant 0 : index
    %get3A_25 = arith.constant 0 : index
    %get3A_26 = vector.load %arg7[%get3A_24, %get3A_25] : memref<1x128xf32, #tpu.memory_space<vmem>>, vector<1x128xf32>
    %add3A_27 = vector.broadcast %get3A_26 : vector<1x128xf32> to vector<400x128xf32>
    %add3A_28 = arith.addf %dot_general3A_23, %add3A_27 : vector<400x128xf32>
    %max3A = arith.constant 0.000000e+00 : f32
    %max3A_29 = vector.broadcast %max3A : f32 to vector<400x128xf32>
    %max3A_30 = arith.maximumf %add3A_28, %max3A_29 : vector<400x128xf32>
    %get3A_31 = arith.constant 0 : index
    %get3A_32 = arith.constant 0 : index
    %get3A_33 = vector.load %arg8[%get3A_31, %get3A_32] : memref<128x128xf32, #tpu.memory_space<vmem>>, vector<128x128xf32>
    %dot_general3A_34 = arith.constant dense<0.000000e+00> : vector<400x128xf32>
    %dot_general3A_35 = tpu.matmul %max3A_30, %get3A_33, %dot_general3A_34 {dimension_numbers = #tpu.dot_dimension_numbers<[1], [0], [0], [1], [0, 0, 1, 1], [], []>, transpose_lhs_hint = false} : vector<400x128xf32>, vector<128x128xf32>, vector<400x128xf32> -> vector<400x128xf32>
    %get3A_36 = arith.constant 0 : index
    %get3A_37 = arith.constant 0 : index
    %get3A_38 = vector.load %arg9[%get3A_36, %get3A_37] : memref<1x128xf32, #tpu.memory_space<vmem>>, vector<1x128xf32>
    %add3A_39 = vector.broadcast %get3A_38 : vector<1x128xf32> to vector<400x128xf32>
    %add3A_40 = arith.addf %dot_general3A_35, %add3A_39 : vector<400x128xf32>
    %add3A_41 = arith.addf %add3A_40, %add3A_19 : vector<400x128xf32>
    %max3A_42 = arith.constant 0.000000e+00 : f32
    %max3A_43 = vector.broadcast %max3A_42 : f32 to vector<400x128xf32>
    %max3A_44 = arith.maximumf %add3A_41, %max3A_43 : vector<400x128xf32>
    %get3A_45 = arith.constant 0 : index
    %get3A_46 = arith.constant 0 : index
    %get3A_47 = vector.load %arg10[%get3A_45, %get3A_46] : memref<128x128xf32, #tpu.memory_space<vmem>>, vector<128x128xf32>
    %dot_general3A_48 = arith.constant dense<0.000000e+00> : vector<400x128xf32>
    %dot_general3A_49 = tpu.matmul %max3A_44, %get3A_47, %dot_general3A_48 {dimension_numbers = #tpu.dot_dimension_numbers<[1], [0], [0], [1], [0, 0, 1, 1], [], []>, transpose_lhs_hint = false} : vector<400x128xf32>, vector<128x128xf32>, vector<400x128xf32> -> vector<400x128xf32>
    %get3A_50 = arith.constant 0 : index
    %get3A_51 = arith.constant 0 : index
    %get3A_52 = vector.load %arg11[%get3A_50, %get3A_51] : memref<1x128xf32, #tpu.memory_space<vmem>>, vector<1x128xf32>
    %add3A_53 = vector.broadcast %get3A_52 : vector<1x128xf32> to vector<400x128xf32>
    %add3A_54 = arith.addf %dot_general3A_49, %add3A_53 : vector<400x128xf32>
    %max3A_55 = arith.constant 0.000000e+00 : f32
    %max3A_56 = vector.broadcast %max3A_55 : f32 to vector<400x128xf32>
    %max3A_57 = arith.maximumf %add3A_54, %max3A_56 : vector<400x128xf32>
    %get3A_58 = arith.constant 0 : index
    %get3A_59 = arith.constant 0 : index
    %get3A_60 = vector.load %arg12[%get3A_58, %get3A_59] : memref<400x1xi32, #tpu.memory_space<vmem>>, vector<400x1xi32>
    %iota3A = tpu.iota {dimensions = array<i32: 1>} : vector<1x8xi32>
    %eq3A_61 = vector.broadcast %get3A_60 : vector<400x1xi32> to vector<400x8xi32>
    %eq3A_62 = vector.broadcast %iota3A : vector<1x8xi32> to vector<400x8xi32>
    %eq3A_63 = arith.cmpi eq, %eq3A_61, %eq3A_62 : vector<400x8xi32>
    %convert_element_type3A_64 = arith.extui %eq3A_63 : vector<400x8xi1> to vector<400x8xi32>
    %convert_element_type3A_65 = arith.sitofp %convert_element_type3A_64 : vector<400x8xi32> to vector<400x8xf32>
    %get3A_66 = arith.constant 0 : index
    %get3A_67 = arith.constant 0 : index
    %get3A_68 = vector.load %arg13[%get3A_66, %get3A_67] : memref<8x128xf32, #tpu.memory_space<vmem>>, vector<8x128xf32>
    %dot_general3A_69 = arith.constant dense<0.000000e+00> : vector<8x128xf32>
    %dot_general3A_70 = tpu.matmul %convert_element_type3A_65, %max3A_57, %dot_general3A_69 {dimension_numbers = #tpu.dot_dimension_numbers<[0], [0], [1], [1], [0, 1, 1, 1], [], []>, transpose_lhs_hint = false} : vector<400x8xf32>, vector<400x128xf32>, vector<8x128xf32> -> vector<8x128xf32>
    %add3A_71 = arith.addf %get3A_68, %dot_general3A_70 : vector<8x128xf32>
    %swap3A = arith.constant 0 : index
    %swap3A_72 = arith.constant 0 : index
    %swap3A_73 = vector.load %arg13[%swap3A, %swap3A_72] : memref<8x128xf32, #tpu.memory_space<vmem>>, vector<8x128xf32>
    tpu.vector_store %arg13[%swap3A, %swap3A_72], %add3A_71 {strides = array<i32>} : memref<8x128xf32, #tpu.memory_space<vmem>>, vector<8x128xf32>,
    %get3A_74 = arith.constant 0 : index
    %get3A_75 = arith.constant 0 : index
    %get3A_76 = vector.load %arg14[%get3A_74, %get3A_75] : memref<8x128xf32, #tpu.memory_space<vmem>>, vector<8x128xf32>
    %reduce_sum3A = arith.constant dense<0.000000e+00> : vector<8xf32>
    %reduce_sum3A_77 = vector.multi_reduction <add>, %convert_element_type3A_65, %reduce_sum3A [0] : vector<400x8xf32> to vector<8xf32>
    %broadcast_in_dim3A = vector.shape_cast %reduce_sum3A_77 : vector<8xf32> to vector<8x1xf32>
    %broadcast_in_dim3A_78 = vector.shape_cast %broadcast_in_dim3A : vector<8x1xf32> to vector<8x1xf32>
    %broadcast_in_dim3A_79 = vector.broadcast %broadcast_in_dim3A_78 : vector<8x1xf32> to vector<8x128xf32>
    %add3A_80 = arith.addf %get3A_76, %broadcast_in_dim3A_79 : vector<8x128xf32>
    %swap3A_81 = arith.constant 0 : index
    %swap3A_82 = arith.constant 0 : index
    %swap3A_83 = vector.load %arg14[%swap3A_81, %swap3A_82] : memref<8x128xf32, #tpu.memory_space<vmem>>, vector<8x128xf32>
    tpu.vector_store %arg14[%swap3A_81, %swap3A_82], %add3A_80 {strides = array<i32>} : memref<8x128xf32, #tpu.memory_space<vmem>>, vector<8x128xf32>,
    %eq3A_84 = arith.constant 24 : i32
    %eq3A_85 = arith.cmpi eq, %arg0, %eq3A_84 : i32
    %convert_element_type3A_86 = arith.extui %eq3A_85 : i1 to i32
    %cond3A_87 = arith.constant 0 : i32
    %cond3A_88 = arith.cmpi ne, %convert_element_type3A_86, %cond3A_87 : i32
    scf.if %cond3A_88 {
      %get3A_89 = arith.constant 0 : index
      %get3A_90 = arith.constant 0 : index
      %get3A_91 = vector.load %arg13[%get3A_89, %get3A_90] : memref<8x128xf32, #tpu.memory_space<vmem>>, vector<8x128xf32>
      %get3A_92 = arith.constant 0 : index
      %get3A_93 = arith.constant 0 : index
      %get3A_94 = vector.load %arg14[%get3A_92, %get3A_93] : memref<8x128xf32, #tpu.memory_space<vmem>>, vector<8x128xf32>
      %max3A_95 = arith.constant 1.000000e+00 : f32
      %max3A_96 = vector.broadcast %max3A_95 : f32 to vector<8x128xf32>
      %max3A_97 = arith.maximumf %get3A_94, %max3A_96 : vector<8x128xf32>
      %div3A = arith.divf %get3A_91, %max3A_97 : vector<8x128xf32>
      %swap3A_98 = arith.constant 0 : index
      %swap3A_99 = arith.constant 0 : index
      %swap3A_100 = vector.load %arg13[%swap3A_98, %swap3A_99] : memref<8x128xf32, #tpu.memory_space<vmem>>, vector<8x128xf32>
      tpu.vector_store %arg13[%swap3A_98, %swap3A_99], %div3A {strides = array<i32>} : memref<8x128xf32, #tpu.memory_space<vmem>>, vector<8x128xf32>,
    } else {
    }
    return
  }
  func.func @transform_0(%arg0: i32) -> (i32, i32) {
    %c0_i32 = arith.constant 0 : i32
    %c0_i32_0 = arith.constant 0 : i32
    return %arg0, %c0_i32 : i32, i32
  }
  func.func @transform_1(%arg0: i32) -> (i32, i32) {
    %c0_i32 = arith.constant 0 : i32
    %c0_i32_0 = arith.constant 0 : i32
    return %arg0, %c0_i32 : i32, i32
  }
  func.func @transform_2(%arg0: i32) -> (i32, i32) {
    %c0_i32 = arith.constant 0 : i32
    %c0_i32_0 = arith.constant 0 : i32
    return %arg0, %c0_i32 : i32, i32
  }
  func.func @transform_3(%arg0: i32) -> (i32, i32) {
    %c0_i32 = arith.constant 0 : i32
    %c0_i32_0 = arith.constant 0 : i32
    return %arg0, %c0_i32 : i32, i32
  }
  func.func @transform_4(%arg0: i32) -> (i32, i32) {
    %c0_i32 = arith.constant 0 : i32
    %c0_i32_0 = arith.constant 0 : i32
    %c0_i32_1 = arith.constant 0 : i32
    return %c0_i32, %c0_i32_0 : i32, i32
  }
  func.func @transform_5(%arg0: i32) -> (i32, i32) {
    %c0_i32 = arith.constant 0 : i32
    %c0_i32_0 = arith.constant 0 : i32
    %c0_i32_1 = arith.constant 0 : i32
    return %c0_i32, %c0_i32_0 : i32, i32
  }
  func.func @transform_6(%arg0: i32) -> (i32, i32) {
    %c0_i32 = arith.constant 0 : i32
    %c0_i32_0 = arith.constant 0 : i32
    %c0_i32_1 = arith.constant 0 : i32
    return %c0_i32, %c0_i32_0 : i32, i32
  }
  func.func @transform_7(%arg0: i32) -> (i32, i32) {
    %c0_i32 = arith.constant 0 : i32
    %c0_i32_0 = arith.constant 0 : i32
    %c0_i32_1 = arith.constant 0 : i32
    return %c0_i32, %c0_i32_0 : i32, i32
  }
  func.func @transform_8(%arg0: i32) -> (i32, i32) {
    %c0_i32 = arith.constant 0 : i32
    %c0_i32_0 = arith.constant 0 : i32
    %c0_i32_1 = arith.constant 0 : i32
    return %c0_i32, %c0_i32_0 : i32, i32
  }
  func.func @transform_9(%arg0: i32) -> (i32, i32) {
    %c0_i32 = arith.constant 0 : i32
    %c0_i32_0 = arith.constant 0 : i32
    %c0_i32_1 = arith.constant 0 : i32
    return %c0_i32, %c0_i32_0 : i32, i32
  }
  func.func @transform_10(%arg0: i32) -> (i32, i32) {
    %c0_i32 = arith.constant 0 : i32
    %c0_i32_0 = arith.constant 0 : i32
    %c0_i32_1 = arith.constant 0 : i32
    return %c0_i32, %c0_i32_0 : i32, i32
  }
  func.func @transform_11(%arg0: i32) -> (i32, i32) {
    %c0_i32 = arith.constant 0 : i32
    %c0_i32_0 = arith.constant 0 : i32
    return %arg0, %c0_i32 : i32, i32
  }
  func.func @transform_12(%arg0: i32) -> (i32, i32) {
    %c0_i32 = arith.constant 0 : i32
    %c0_i32_0 = arith.constant 0 : i32
    %c0_i32_1 = arith.constant 0 : i32
    return %c0_i32, %c0_i32_0 : i32, i32
  }
}

</mosaic_0001>

<sc_bundles>
// kernel: kernel.11.cloned.1.call-start
scs
__scs_entry_jumppad:
0x0: {  	(pc) =	sbr.rel $0x88, $3  }
0x1: {  	(tag) =	ssettag $0x0;
	lr =	simm.s32 $0x1  }
0x2: {  	[smem:$0x3F92] =	sst lr;
	_ =	strace $0xD0000000  }
0x3: {  	_ = 	snop  }
0x4: {  	_ = 	snop  }
0x5: {  	_ = 	snop  }
0x6: {  	_ = 	snop  }
0x7: {  	_ = 	snop  }
__scs_overlays_trampoline_lowered:
0x8: {  	[smem:$0x3FA1] =	sst s0  }
0x9: {  	[smem:$0x3FA2] =	sst s1  }
0xa: {  	[smem:$0x3FA3] =	sst s2  }
0xb: {  	[smem:$0x3FA4] =	sst s3  }
0xc: {  	[smem:$0x3FA5] =	sst s4  }
0xd: {  	[smem:$0x3FA6] =	sst s5  }
0xe: {  	[smem:$0x3FA7] =	sst s6  }
0xf: {  	[smem:$0x3FA8] =	sst s7  }
0x10: {  	[smem:$0x3FA9] =	sst s8  }
0x11: {  	[smem:$0x3FAA] =	sst s9;
	s0 =	simm.s32 @!p0 $0x0  }
0x12: {  	s1 =	sld [smem:$0x3F90];
	s0 =	simm.s32 @p0 $0x1  }
0x13: {  	[smem:$0x3FAB] =	sst s0;
	s0 =	simm.s32 @!p1 $0x0  }
0x14: {  	s2 =	sld [smem:$0x3F8F];
	s0 =	simm.s32 @p1 $0x1  }
0x15: {  	[smem:$0x3FAC] =	sst s0;
	s0 =	simm.s32 @!p2 $0x0  }
0x16: {  	s3 =	sld [smem:$0x3FDB];
	s0 =	simm.s32 @p2 $0x1  }
0x17: {  	s4 =	simm.s32 $0x1BF5;
	[smem:$0x3FAE] =	sst s0  }
0x18: {  	s0 =	sld [smem:$0x3F91];
	_ =	swait.ge [sflag:s4], $0x0  }
0x19: {  	s7 =	sld [smem:$0x3F92]  }
0x1a: {  	s8 =	sadd.s32 $0xFFFFE003, lr  }
0x1b: {  	s9 =	sadd.s32 $0xFFFFFEF7, lr;
	s5 =	simm.s32 $0xFFFFFFFF;
	p2 =	slt.u32 s8, $0xFFFFF086  }
0x1c: {  	p1 =	slt.u32 s9, $0xF7A;
	s5 =	simm.s32 @!p2 $0x0  }
0x1d: {  	s5 =	simm.s32 @p1 $0x1;
	p0 =	seq.s32 s7, s2  }
0x1e: {  	s7 =	smul.u32 @!p0 $0xF7A, s2;
	p2 =	seq.s32 @!p0 s5, $0x0  }
0x1f: {  	s9 =	smul.u32 $0xF7A, s1;
	s8 =	simm.s32 @!p0 $0x1BF5;
	p2 =	por !p2, p0  }
0x20: {  	[sflag:s8] =	ssyncset.s32 @!p0 $0xFFFFF086;
	s6 =	sadd.s32 @!p0 s3, s7;
	s7 =	simm.s32 @!p0 $0x108  }
0x21: {  	s3 =	sadd.s32 s3, s9;
	s6 =	sadd.s32 @!p0 $0x88, s6;
	s7 =	simm.s32 @p2 $0x1082  }
0x22: {  	[simem:s7], [sflag:s8] =	dma.local @!p0 [hbm:s6], $0xF7A  }
0x23: {  	s9 =	sor.u32 $0xD0000000, s2;
	s6 =	simm.s32 $0x108;
	_ =	swait.ge @!p0 [sflag:s8], $0x0  }
0x24: {  	s3 =	sadd.s32 $0x88, s3;
	s6 =	simm.s32 @!p1 $0x1082;
	[sflag:s4] =	ssyncset.s32 $0xFFFFF086  }
0x25: {  	[simem:s6], [sflag:s4] =	dma.local [hbm:s3], $0xF7A  }
0x26: {  	[smem:$0x3F92] =	sst s1;
	(tag) =	ssettag s2;
	_ =	strace s9  }
0x27: {  	s1 =	sld [smem:$0x3FA2]  }
0x28: {  	s2 =	sld [smem:$0x3FA3]  }
0x29: {  	s4 =	sld [smem:$0x3FA5]  }
0x2a: {  	p0 =	seq.s32 s5, $0x0;
	s5 =	sld [smem:$0x3FA6]  }
0x2b: {  	s6 =	sld [smem:$0x3FA7]  }
0x2c: {  	s7 =	sld [smem:$0x3FA8]  }
0x2d: {  	s3 =	simm.s32 $0x108;
	s8 =	sld [smem:$0x3FA9]  }
0x2e: {  	s3 =	simm.s32 @!p0 $0x1082;
	s9 =	sld [smem:$0x3FAA]  }
0x2f: {  	lr =	sadd.s32 s0, s3;
	s0 =	sld [smem:$0x3FA1]  }
0x30: {  	s3 =	sld [smem:$0x3FA4]  }
0x31: {  	[smem:$0x3FAD] =	sst s10  }
0x32: {  	s10 =	sld [smem:$0x3FAB];
	_ =	sdelay $0x3  }
0x33: {  	p0 =	seq.s32 s10, $0x1;
	s10 =	sld [smem:$0x3FAD];
	_ =	sdelay $0x3  }
0x34: {  	[smem:$0x3FAD] =	sst s10  }
0x35: {  	s10 =	sld [smem:$0x3FAC];
	_ =	sdelay $0x3  }
0x36: {  	p1 =	seq.s32 s10, $0x1;
	s10 =	sld [smem:$0x3FAD];
	_ =	sdelay $0x3  }
0x37: {  	[smem:$0x3FAD] =	sst s10  }
0x38: {  	s10 =	sld [smem:$0x3FAE]  }
0x39: {  	_ = 	snop;
	(pc) =	sbr.ind lr, $3  }
0x3a: {  	_ = 	snop  }
0x3b: {  	_ = 	snop  }
0x3c: {  	p2 =	seq.s32 s10, $0x1;
	s10 =	sld [smem:$0x3FAD]  }
0x3d: {  	_ =	shalt  }
0x3e: {  	_ =	shalt  }
0x3f: {  	_ =	shalt  }
0x40: {  	_ =	shalt  }
0x41: {  	_ =	shalt  }
0x42: {  	_ =	shalt  }
0x43: {  	_ =	shalt  }
0x44: {  	_ =	shalt  }
0x45: {  	_ =	shalt  }
0x46: {  	_ =	shalt  }
0x47: {  	_ =	shalt  }
0x48: {  	_ =	shalt  }
0x49: {  	_ =	shalt  }
0x4a: {  	_ =	shalt  }
0x4b: {  	_ =	shalt  }
0x4c: {  	_ =	shalt  }
0x4d: {  	_ =	shalt  }
0x4e: {  	_ =	shalt  }
0x4f: {  	_ =	shalt  }
0x50: {  	_ =	shalt  }
0x51: {  	_ =	shalt  }
0x52: {  	_ =	shalt  }
0x53: {  	_ =	shalt  }
0x54: {  	_ =	shalt  }
0x55: {  	_ =	shalt  }
0x56: {  	_ =	shalt  }
0x57: {  	_ =	shalt  }
0x58: {  	_ =	shalt  }
0x59: {  	_ =	shalt  }
0x5a: {  	_ =	shalt  }
0x5b: {  	_ =	shalt  }
0x5c: {  	_ =	shalt  }
0x5d: {  	_ =	shalt  }
0x5e: {  	_ =	shalt  }
0x5f: {  	_ =	shalt  }
0x60: {  	_ =	shalt  }
0x61: {  	_ =	shalt  }
0x62: {  	_ =	shalt  }
0x63: {  	_ =	shalt  }
0x64: {  	_ =	shalt  }
0x65: {  	_ =	shalt  }
0x66: {  	_ =	shalt  }
0x67: {  	_ =	shalt  }
0x68: {  	_ =	shalt  }
0x69: {  	_ =	shalt  }
0x6a: {  	_ =	shalt  }
0x6b: {  	_ =	shalt  }
0x6c: {  	_ =	shalt  }
0x6d: {  	_ =	shalt  }
0x6e: {  	_ =	shalt  }
0x6f: {  	_ =	shalt  }
0x70: {  	_ =	shalt  }
0x71: {  	_ =	shalt  }
0x72: {  	_ =	shalt  }
0x73: {  	_ =	shalt  }
0x74: {  	_ =	shalt  }
0x75: {  	_ =	shalt  }
0x76: {  	_ =	shalt  }
0x77: {  	_ =	shalt  }
0x78: {  	_ =	shalt  }
0x79: {  	_ =	shalt  }
0x7a: {  	_ =	shalt  }
0x7b: {  	_ =	shalt  }
0x7c: {  	_ =	shalt  }
0x7d: {  	_ =	shalt  }
0x7e: {  	_ =	shalt  }
0x7f: {  	_ =	shalt  }
0x80: {  	_ =	shalt  }
0x81: {  	_ =	shalt  }
0x82: {  	_ =	shalt  }
0x83: {  	_ =	shalt  }
0x84: {  	_ =	shalt  }
0x85: {  	_ =	shalt  }
0x86: {  	_ =	shalt  }
0x87: {  	_ =	shalt  }
.Lfunc_end0:
.L_simem_size_0:
called_computation_lowered:
.L_overlay_start_0:
0x88: {  	s2 =	sld [smem:$0x3FD9]  }
0x89: {  	s3 =	sld [smem:$0x3FFE];
	_ =	sdelay $0x1  }
0x8a: {  	s1 =	srdreg.scid  }
0x8b: {  	s0 =	sand.u32 $0x1, s1  }
0x8c: {  	s16 =	sshll.u32 s0, $0xA;
	s2 =	sadd.s32 s3, s2  }
0x8d: {  	s2 =	sadd.s32 s2, s16  }
0x8e: {  	[smem:$0x3FB9] =	sst s2  }
0x8f: {  	_ = 	snop  }
0x90: {  	(tm) =	ssettm $0x1  }
0x91: {  	s17 =	sld [smem:$0x3FFB];
	_ =	sdelay $0x3  }
0x92: {  	_ =	strace s17  }
0x93: {  	s2 =	sld [smem:$0x3FFC];
	_ =	sdelay $0x3  }
0x94: {  	_ =	strace s2  }
0x95: {  	s2 =	sld [smem:$0x3FFD];
	_ =	sdelay $0x3  }
0x96: {  	_ =	strace s2  }
0x97: {  	_ =	strace $0x8FFFFFFF  }
0x98: {  	s18 =	sld [smem:$0x3FDB];
	_ =	sdelay $0x1  }
0x99: {  	s19 =	simm.s32 $_scs_section_size  }
0x9a: {  	s4 =	simm.s32 $_size__tile_overlayer_lowered;
	s5 =	simm.s32 $_tile_overlayer_lowered  }
0x9b: {  	s22 =	simm.s32 $0x1BFF;
	s21 =	sshll.u32 s5, $0x1;
	s2 =	sadd.s32 s19, s18  }
0x9c: {  	s6 =	simm.s32 $0x0;
	s20 =	sshll.u32 s4, $0x1;
	s4 =	sadd.s32 s21, s2  }
0x9d: {  	[timem:s6], [sflag:s22] =	dma.local [hbm:s4], s20  }
0x9e: {  	_ =	swait.ge [sflag:s22], s20  }
0x9f: {  	s3 =	ssub.s32 $0x0, s20;
	[sflag:s22] =	ssyncset.done $0x0  }
0xa0: {  	[sflag:s22] =	ssyncadd.s32 s3;
	_ =	sdelay $0x1  }
0xa1: {  	s23 =	simm.s32 $0x1B8B  }
0xa2: {  	_ =	swait.ge [sflag:s23], $0x1  }
0xa3: {  	[sflag:s23] =	ssyncset.done $0x0  }
0xa4: {  	s25 =	simm.s32 $0x1B8E;
	s24 =	sld [smem:$0x3FFE];
	[sflag:s23] =	ssyncadd.s32 $0xFFFFFFFF  }
0xa5: {  	s26 =	simm.s32 $execute0_lowered;
	[smem:$0x3FD2] =	sst s25  }
0xa6: {  	s4 =	sshll.u32 s26, $0x1;
	_ =	strace $0x80000046;
	[dreg:$0x1] =	wrdreg $0xFFFFFFFF  }
0xa7: {  	s28 =	simm.s32 $_size_execute0_lowered;
	s2 =	sadd.s32 s2, s4;
	[dreg:$0x0] =	wrdreg $0x0  }
0xa8: {  	s4 =	sshll.u32 s28, $0x1;
	[dreg:$0x2] =	wrdreg s2  }
0xa9: {  	[dreg:$0x3] =	wrdreg s4  }
0xaa: {  	[dreg:$0x4] =	wrdreg $0xC0  }
0xab: {  	_ =	task [dreg:s6], $0x5FFFF  }
0xac: {  	[dreg:$0x1] =	wrdreg $0xFFFFFFFF  }
0xad: {  	[dreg:$0x0] =	wrdreg $0x60  }
0xae: {  	[dreg:$0x2] =	wrdreg s24  }
0xaf: {  	[dreg:$0x3] =	wrdreg $0x42000  }
0xb0: {  	[dreg:$0x4] =	wrdreg $0x9  }
0xb1: {  	_ =	task.clear_ibuf [dreg:s6], $0x5FFFF;
	_ =	strace $0x90000046  }
0xb2: {  	s29 =	simm.s32 $0x9;
	_ =	strace $0x80000048  }
0xb3: {  	_ =	swait.ge [sflag:s29], $0x1  }
0xb4: {  	[sflag:s29] =	ssyncadd.s32 $0xFFFFFFFF  }
0xb5: {  	_ =	strace $0x90000048  }
0xb6: {  	_ =	sfence  }
0xb7: {  	s30 =	sld [smem:$0x0];
	_ =	sdelay $0x2  }
0xb8: {  	s31 =	sshll.u32 s1, $0xD;
	s1 =	sshrl.u32 s1, $0x2  }
0xb9: {  	s3 =	sand.u32 $0x4000, s31;
	s1 =	sadd.s32 s1, s30  }
0xba: {  	s0 =	sor.u32 s3, s0;
	s1 =	sshll.u32 s1, $0x11  }
0xbb: {  	s0 =	sor.u32 s1, s0  }
0xbc: {  	s0 =	sadd.s32 $0x8F2B, s0  }
0xbd: {  	[sflag:s0] =	ssyncadd.remote.s32 $0x1  }
0xbe: {  	_ =	sfence.sel $0xFFFF  }
0xbf: {  	[dreg:$0x0] =	wrdreg $0xFFFFFFFF;
	(pc) =	sbr.abs _section_cstart, $3  }
0xc0: {  	[dreg:$0x1] =	wrdreg $0xFFFFFFFF  }
0xc1: {  	_ =	task.clear_ibuf [dreg:s6], $0x2FFFF;
	_ =	strace $0x9FFFFFFF  }
0xc2: {  	(tm) =	ssettm $0x7FFFFFFF  }
0xc3: {  	_ =	shalt  }
tec
execute0_lowered:
.L_overlay_start_1:
0x0: {  	(tag) =	ssettag $0x1  }
0x1: {  	s6 =	rddreg [dreg:$0x0]  }
0x2: {  	s2 =	rddreg [dreg:$0x1]  }
0x3: {  	s0 =	rddreg [dreg:$0x2];
	s3 =	simm.s32 $0x0;
	s4 =	srdreg.scid  }
0x4: {  	s1 =	stileid.u32;
	s16 =	simm.s32 $0x100;
	s17 =	simm.s32 $0x80  }
0x5: {  	s18 =	simm.s32 $0x2;
	s19 =	simm.s32 $0x180;
	s20 =	simm.s32 $0x0  }
0x6: {  	[smem:$0x7FF] =	sst s3;
	s7 =	sand.u32 $0x1, s4;
	s8 =	smul.u32 $0x2800, s1  }
0x7: {  	s10 =	sadd.s32 $0x1A200, s6;
	s4 =	sadd.s32 $0x30A00, s6;
	s25 =	smul.u32 $0x50000, s1  }
0x8: {  	s5 =	sadd.s32 $0x2E200, s6;
	s31 =	sshll.u32 s1, $0x6;
	s14 =	smul.u32 $0xA00, s1  }
0x9: {  	_ =	strace $0x80000047;
	s9 =	smul.u32 $0x28000, s7;
	s11 =	sshll.u32 s7, $0x4  }
0xa: {  	s26 =	ssub.s32 $0x2, s7;
	s30 =	smul.u32 $0xA000, s7;
	s7 =	sor.u32 $0x1C03, s31  }
0xb: {  	s28 =	sor.u32 s1, s11;
	s29 =	sshrl.u32 s26, $0x1;
	s8 =	sadd.s32 s8, s9  }
0xc: {  	s9 =	sshrl.u32 s25, $0x2;
	s11 =	ssub.s32 s26, s29;
	s15 =	sadd.s32 s30, s10  }
0xd: {  	s12 =	sadd.s32 s8, s6;
	s8 =	smul.u32 $0xA00, s28;
	s13 =	sadd.s32 s9, s2  }
0xe: {  	s9 =	sadd.s32 $0x31200, s12;
	s12 =	sshrl.u32 s13, $0x3;
	s13 =	simm.s32 $0x3  }
0xf: {  	s6 =	sadd.s32 s10, s8;
	s10 =	smax.u32 s11, $0x1;
	s11 =	sadd.s32 s14, s15  }
0x10: {  	s14 =	simm.s32 $0x200;
	s15 =	simm.s32 $0x1;
	s8 =	sadd.s32 $0x20, s6  }
.LBB2_1:
0x11: {  	[spmem:s12], [sflag:s7] =	dma.local [hbm:s5], $0x2800  }
0x12: {  	_ =	swait.ge [sflag:s13], $0x2800  }
0x13: {  	[sflag:s13] =	ssyncset.done $0x0  }
0x14: {  	[sflag:s13] =	ssyncadd.s32 $0xFFFFD800  }
0x15: {  	[tilespmem:s14], [sflag:$0x3] =	stream.linear.gather [hbm4b:s4+s3], $0x4000, $0x38;
	[tilespmem:$0x18200] =	vst v63  }
0x16: {  	_ =	swait.ge [sflag:s13], $0x4000  }
0x17: {  	[sflag:s13] =	ssyncset.done $0x0  }
0x18: {  	[sflag:s13] =	ssyncadd.s32 $0xFFFFC000  }
0x19: {  	[bflag:$0x0] =	sbarrier.arrive $0xFFFF  }
0x1a: {  	[tilespmem:s3], [sflag:$0x1] =	stream.linear.gather [hbm4b:s6+s3], $0x100, $0x38;
	[tilespmem:$0x18200] =	vst v63  }
0x1b: {  	_ =	swait.ge [sflag:s15], $0x100  }
0x1c: {  	[sflag:s15] =	ssyncset.done $0x0  }
0x1d: {  	[sflag:s15] =	ssyncadd.s32 $0xFFFFFF00  }
0x1e: {  	[tilespmem:s16], [sflag:$0x2] =	stream.linear.gather [hbm4b:s8+s3], $0x100, $0x38;
	[tilespmem:$0x18200] =	vst v63  }
0x1f: {  	_ = 	snop  }
0x20: {  	[spmem:s2] =	stream.indirect.scatter.add.f32 [tilespmem:s14], [sflag:$0x3], $0x80, s17, s17, $0xb8;
	[tilespmem:$0x18200] =	vst v63  }
0x21: {  	_ =	swait.ge [sflag:s13], $0x4000  }
0x22: {  	s21 =	sadd.s32 $0xFFFFF640, s11;
	[sflag:s13] =	ssyncset.done $0x0  }
0x23: {  	s22 =	sadd.s32 $0xA00, s21;
	[sflag:s13] =	ssyncadd.s32 $0xFFFFC000  }
0x24: {  	[tilespmem:s3], [sflag:$0x1] =	stream.linear.gather [hbm4b:s22+s3], $0x100, $0x38;
	[tilespmem:$0x18200] =	vst v63  }
0x25: {  	_ =	swait.ge [sflag:s18], $0x100  }
0x26: {  	[sflag:s18] =	ssyncset.done $0x0  }
0x27: {  	[sflag:s18] =	ssyncadd.s32 $0xFFFFFF00  }
0x28: {  	[spmem:s2] =	stream.indirect.scatter.add.f32 [tilespmem:s14], [sflag:$0x3], $0x80, s19, s17, $0xb8;
	[tilespmem:$0x18200] =	vst v63  }
0x29: {  	_ =	swait.ge [sflag:s13], $0x4000  }
0x2a: {  	[sflag:s13] =	ssyncset.done $0x0  }
0x2b: {  	s21 =	sadd.s32 $0xA20, s21;
	[sflag:s13] =	ssyncadd.s32 $0xFFFFC000  }
0x2c: {  	[tilespmem:s16], [sflag:$0x2] =	stream.linear.gather [hbm4b:s21+s3], $0x100, $0x38;
	[tilespmem:$0x18200] =	vst v63  }
0x2d: {  	_ =	swait.ge [sflag:s15], $0x100  }
0x2e: {  	s21 =	simm.s32 $0xFFFFF680;
	[sflag:s15] =	ssyncset.done $0x0  }
.LBB2_2:
0x2f: {  	p0 =	sne.s32 s21, $0xFFFFFFC0  }
0x30: {  	[sflag:s15] =	ssyncadd.s32 $0xFFFFFF00;
	s22 =	smov.u32 s21;
	s21 =	sadd.s32 $0x40, s21  }
0x31: {  	[spmem:s2] =	stream.indirect.scatter.add.f32 [tilespmem:s14], [sflag:$0x3], $0x80, s17, s17, $0xb8;
	[tilespmem:$0x18200] =	vst v63  }
0x32: {  	_ =	swait.ge [sflag:s13], $0x4000  }
0x33: {  	s22 =	sadd.s32 s22, s11;
	[sflag:s13] =	ssyncset.done $0x0  }
0x34: {  	s23 =	sadd.s32 $0xA00, s22;
	[sflag:s13] =	ssyncadd.s32 $0xFFFFC000  }
0x35: {  	[tilespmem:s3], [sflag:$0x1] =	stream.linear.gather [hbm4b:s23+s3], $0x100, $0x38;
	[tilespmem:$0x18200] =	vst v63  }
0x36: {  	_ =	swait.ge [sflag:s18], $0x100  }
0x37: {  	[sflag:s18] =	ssyncset.done $0x0  }
0x38: {  	[sflag:s18] =	ssyncadd.s32 $0xFFFFFF00  }
0x39: {  	[spmem:s2] =	stream.indirect.scatter.add.f32 [tilespmem:s14], [sflag:$0x3], $0x80, s19, s17, $0xb8;
	[tilespmem:$0x18200] =	vst v63  }
0x3a: {  	_ =	swait.ge [sflag:s13], $0x4000  }
.Ltmp0:
0x3b: {  	[sflag:s13] =	ssyncset.done $0x0;
	(pc) =	sbr.rel @p0 .LBB2_2-.Ltmp0, $4  }
0x3c: {  	s22 =	sadd.s32 $0xA20, s22;
	[sflag:s13] =	ssyncadd.s32 $0xFFFFC000  }
0x3d: {  	[tilespmem:s16], [sflag:$0x2] =	stream.linear.gather [hbm4b:s22+s3], $0x100, $0x38;
	[tilespmem:$0x18200] =	vst v63  }
0x3e: {  	_ =	swait.ge [sflag:s15], $0x100  }
0x3f: {  	[sflag:s15] =	ssyncset.done $0x0  }
0x40: {  	[sflag:s15] =	ssyncadd.s32 $0xFFFFFF00  }
0x41: {  	[spmem:s2] =	stream.indirect.scatter.add.f32 [tilespmem:s14], [sflag:$0x3], $0x80, s17, s17, $0xb8;
	[tilespmem:$0x18200] =	vst v63  }
0x42: {  	_ =	swait.ge [sflag:s13], $0x4000  }
0x43: {  	[sflag:s13] =	ssyncset.done $0x0  }
0x44: {  	[sflag:s13] =	ssyncadd.s32 $0xFFFFC000  }
0x45: {  	_ =	swait.ge [sflag:s18], $0x100  }
0x46: {  	[sflag:s18] =	ssyncset.done $0x0  }
0x47: {  	[sflag:s18] =	ssyncadd.s32 $0xFFFFFF00  }
0x48: {  	[spmem:s2] =	stream.indirect.scatter.add.f32 [tilespmem:s14], [sflag:$0x3], $0x80, s19, s17, $0xb8;
	[tilespmem:$0x18200] =	vst v63  }
0x49: {  	_ =	swait.ge [sflag:s13], $0x4000  }
0x4a: {  	s20 =	sadd.s32 $0x1, s20;
	[sflag:s13] =	ssyncset.done $0x0  }
0x4b: {  	p0 =	sne.s32 s20, s10;
	[sflag:s13] =	ssyncadd.s32 $0xFFFFC000  }
.Ltmp1:
0x4c: {  	[bflag:$0x0] =	sbarrier.arrive $0xFFFF;
	(pc) =	sbr.rel @p0 .LBB2_1-.Ltmp1, $4  }
0x4d: {  	[hbm:s9], [sflag:s7] =	dma.local [spmem:s12], $0x2800  }
0x4e: {  	_ =	swait.ge [sflag:s13], $0x2800  }
0x4f: {  	[sflag:s13] =	ssyncset.done $0x0  }
0x50: {  	[sflag:s13] =	ssyncadd.s32 $0xFFFFD800  }
0x51: {  	_ =	sfence.sel $0x180000  }
0x52: {  	[bflag:$0x0] =	sbarrier.arrive $0xFFFF  }
0x53: {  	p0 =	sne.s32 s1, $0x0;
	_ =	strace $0x90000047  }
0x54: {  	s0 =	sadd.s32 @!p0 $0x100000, s0;
	[bflag:$0x2] =	sbarrier.arrive $0xFFFF  }
0x55: {  	[sflag:s0] =	ssyncadd.tile.s32 @!p0 $0x1;
	_ =	shalt  }
.Lfunc_end2:
_tile_overlayer_lowered:
.L_overlay_start_2:
0x56: {  	(tag) =	ssettag $0x2  }
0x57: {  	s0 =	rddreg [dreg:$0x0];
	s2 =	stileid.u32  }
0x58: {  	s1 =	rddreg [dreg:$0x1];
	p0 =	sne.s32 s2, $0x0  }
0x59: {  	s3 =	rddreg [dreg:$0x2];
	[bflag:$0x3] =	sbarrier.arrive $0xFFFF;
	s2 =	simm.s32 @!p0 $0x1C03  }
0x5a: {  	[timem:s3], [sflag:s2] =	dma.local @!p0 [hbm:s0], s1  }
0x5b: {  	s0 =	simm.s32 @!p0 $0x3  }
0x5c: {  	_ =	swait.ge @!p0 [sflag:s0], s1  }
0x5d: {  	s1 =	ssub.s32 @!p0 $0x0, s1;
	[sflag:s0] =	ssyncset.done @!p0 $0x0  }
0x5e: {  	[sflag:s0] =	ssyncadd.s32 @!p0 s1  }
0x5f: {  	[bflag:$0x3] =	sbarrier.arrive $0xFFFF  }
0x60: {  	_ =	shalt  }

// kernel: kernel.14.cloned.1.call-start
scs
__scs_entry_jumppad:
0x0: {  	(pc) =	sbr.rel $0x88, $3  }
0x1: {  	(tag) =	ssettag $0x0;
	lr =	simm.s32 $0x1  }
0x2: {  	[smem:$0x3F92] =	sst lr;
	_ =	strace $0xD0000000  }
0x3: {  	_ = 	snop  }
0x4: {  	_ = 	snop  }
0x5: {  	_ = 	snop  }
0x6: {  	_ = 	snop  }
0x7: {  	_ = 	snop  }
__scs_overlays_trampoline_lowered:
0x8: {  	[smem:$0x3FA1] =	sst s0  }
0x9: {  	[smem:$0x3FA2] =	sst s1  }
0xa: {  	[smem:$0x3FA3] =	sst s2  }
0xb: {  	[smem:$0x3FA4] =	sst s3  }
0xc: {  	[smem:$0x3FA5] =	sst s4  }
0xd: {  	[smem:$0x3FA6] =	sst s5  }
0xe: {  	[smem:$0x3FA7] =	sst s6  }
0xf: {  	[smem:$0x3FA8] =	sst s7  }
0x10: {  	[smem:$0x3FA9] =	sst s8  }
0x11: {  	[smem:$0x3FAA] =	sst s9;
	s0 =	simm.s32 @!p0 $0x0  }
0x12: {  	s1 =	sld [smem:$0x3F90];
	s0 =	simm.s32 @p0 $0x1  }
0x13: {  	[smem:$0x3FAB] =	sst s0;
	s0 =	simm.s32 @!p1 $0x0  }
0x14: {  	s2 =	sld [smem:$0x3F8F];
	s0 =	simm.s32 @p1 $0x1  }
0x15: {  	[smem:$0x3FAC] =	sst s0;
	s0 =	simm.s32 @!p2 $0x0  }
0x16: {  	s3 =	sld [smem:$0x3FDB];
	s0 =	simm.s32 @p2 $0x1  }
0x17: {  	s4 =	simm.s32 $0x1BF5;
	[smem:$0x3FAE] =	sst s0  }
0x18: {  	s0 =	sld [smem:$0x3F91];
	_ =	swait.ge [sflag:s4], $0x0  }
0x19: {  	s7 =	sld [smem:$0x3F92]  }
0x1a: {  	s8 =	sadd.s32 $0xFFFFE003, lr  }
0x1b: {  	s9 =	sadd.s32 $0xFFFFFEF7, lr;
	s5 =	simm.s32 $0xFFFFFFFF;
	p2 =	slt.u32 s8, $0xFFFFF086  }
0x1c: {  	p1 =	slt.u32 s9, $0xF7A;
	s5 =	simm.s32 @!p2 $0x0  }
0x1d: {  	s5 =	simm.s32 @p1 $0x1;
	p0 =	seq.s32 s7, s2  }
0x1e: {  	s7 =	smul.u32 @!p0 $0xF7A, s2;
	p2 =	seq.s32 @!p0 s5, $0x0  }
0x1f: {  	s9 =	smul.u32 $0xF7A, s1;
	s8 =	simm.s32 @!p0 $0x1BF5;
	p2 =	por !p2, p0  }
0x20: {  	[sflag:s8] =	ssyncset.s32 @!p0 $0xFFFFF086;
	s6 =	sadd.s32 @!p0 s3, s7;
	s7 =	simm.s32 @!p0 $0x108  }
0x21: {  	s3 =	sadd.s32 s3, s9;
	s6 =	sadd.s32 @!p0 $0x88, s6;
	s7 =	simm.s32 @p2 $0x1082  }
0x22: {  	[simem:s7], [sflag:s8] =	dma.local @!p0 [hbm:s6], $0xF7A  }
0x23: {  	s9 =	sor.u32 $0xD0000000, s2;
	s6 =	simm.s32 $0x108;
	_ =	swait.ge @!p0 [sflag:s8], $0x0  }
0x24: {  	s3 =	sadd.s32 $0x88, s3;
	s6 =	simm.s32 @!p1 $0x1082;
	[sflag:s4] =	ssyncset.s32 $0xFFFFF086  }
0x25: {  	[simem:s6], [sflag:s4] =	dma.local [hbm:s3], $0xF7A  }
0x26: {  	[smem:$0x3F92] =	sst s1;
	(tag) =	ssettag s2;
	_ =	strace s9  }
0x27: {  	s1 =	sld [smem:$0x3FA2]  }
0x28: {  	s2 =	sld [smem:$0x3FA3]  }
0x29: {  	s4 =	sld [smem:$0x3FA5]  }
0x2a: {  	p0 =	seq.s32 s5, $0x0;
	s5 =	sld [smem:$0x3FA6]  }
0x2b: {  	s6 =	sld [smem:$0x3FA7]  }
0x2c: {  	s7 =	sld [smem:$0x3FA8]  }
0x2d: {  	s3 =	simm.s32 $0x108;
	s8 =	sld [smem:$0x3FA9]  }
0x2e: {  	s3 =	simm.s32 @!p0 $0x1082;
	s9 =	sld [smem:$0x3FAA]  }
0x2f: {  	lr =	sadd.s32 s0, s3;
	s0 =	sld [smem:$0x3FA1]  }
0x30: {  	s3 =	sld [smem:$0x3FA4]  }
0x31: {  	[smem:$0x3FAD] =	sst s10  }
0x32: {  	s10 =	sld [smem:$0x3FAB];
	_ =	sdelay $0x3  }
0x33: {  	p0 =	seq.s32 s10, $0x1;
	s10 =	sld [smem:$0x3FAD];
	_ =	sdelay $0x3  }
0x34: {  	[smem:$0x3FAD] =	sst s10  }
0x35: {  	s10 =	sld [smem:$0x3FAC];
	_ =	sdelay $0x3  }
0x36: {  	p1 =	seq.s32 s10, $0x1;
	s10 =	sld [smem:$0x3FAD];
	_ =	sdelay $0x3  }
0x37: {  	[smem:$0x3FAD] =	sst s10  }
0x38: {  	s10 =	sld [smem:$0x3FAE]  }
0x39: {  	_ = 	snop;
	(pc) =	sbr.ind lr, $3  }
0x3a: {  	_ = 	snop  }
0x3b: {  	_ = 	snop  }
0x3c: {  	p2 =	seq.s32 s10, $0x1;
	s10 =	sld [smem:$0x3FAD]  }
0x3d: {  	_ =	shalt  }
0x3e: {  	_ =	shalt  }
0x3f: {  	_ =	shalt  }
0x40: {  	_ =	shalt  }
0x41: {  	_ =	shalt  }
0x42: {  	_ =	shalt  }
0x43: {  	_ =	shalt  }
0x44: {  	_ =	shalt  }
0x45: {  	_ =	shalt  }
0x46: {  	_ =	shalt  }
0x47: {  	_ =	shalt  }
0x48: {  	_ =	shalt  }
0x49: {  	_ =	shalt  }
0x4a: {  	_ =	shalt  }
0x4b: {  	_ =	shalt  }
0x4c: {  	_ =	shalt  }
0x4d: {  	_ =	shalt  }
0x4e: {  	_ =	shalt  }
0x4f: {  	_ =	shalt  }
0x50: {  	_ =	shalt  }
0x51: {  	_ =	shalt  }
0x52: {  	_ =	shalt  }
0x53: {  	_ =	shalt  }
0x54: {  	_ =	shalt  }
0x55: {  	_ =	shalt  }
0x56: {  	_ =	shalt  }
0x57: {  	_ =	shalt  }
0x58: {  	_ =	shalt  }
0x59: {  	_ =	shalt  }
0x5a: {  	_ =	shalt  }
0x5b: {  	_ =	shalt  }
0x5c: {  	_ =	shalt  }
0x5d: {  	_ =	shalt  }
0x5e: {  	_ =	shalt  }
0x5f: {  	_ =	shalt  }
0x60: {  	_ =	shalt  }
0x61: {  	_ =	shalt  }
0x62: {  	_ =	shalt  }
0x63: {  	_ =	shalt  }
0x64: {  	_ =	shalt  }
0x65: {  	_ =	shalt  }
0x66: {  	_ =	shalt  }
0x67: {  	_ =	shalt  }
0x68: {  	_ =	shalt  }
0x69: {  	_ =	shalt  }
0x6a: {  	_ =	shalt  }
0x6b: {  	_ =	shalt  }
0x6c: {  	_ =	shalt  }
0x6d: {  	_ =	shalt  }
0x6e: {  	_ =	shalt  }
0x6f: {  	_ =	shalt  }
0x70: {  	_ =	shalt  }
0x71: {  	_ =	shalt  }
0x72: {  	_ =	shalt  }
0x73: {  	_ =	shalt  }
0x74: {  	_ =	shalt  }
0x75: {  	_ =	shalt  }
0x76: {  	_ =	shalt  }
0x77: {  	_ =	shalt  }
0x78: {  	_ =	shalt  }
0x79: {  	_ =	shalt  }
0x7a: {  	_ =	shalt  }
0x7b: {  	_ =	shalt  }
0x7c: {  	_ =	shalt  }
0x7d: {  	_ =	shalt  }
0x7e: {  	_ =	shalt  }
0x7f: {  	_ =	shalt  }
0x80: {  	_ =	shalt  }
0x81: {  	_ =	shalt  }
0x82: {  	_ =	shalt  }
0x83: {  	_ =	shalt  }
0x84: {  	_ =	shalt  }
0x85: {  	_ =	shalt  }
0x86: {  	_ =	shalt  }
0x87: {  	_ =	shalt  }
.Lfunc_end0:
.L_simem_size_0:
called_computation.1_lowered:
.L_overlay_start_0:
0x88: {  	s2 =	sld [smem:$0x3FD9]  }
0x89: {  	s3 =	sld [smem:$0x3FFE];
	_ =	sdelay $0x1  }
0x8a: {  	s1 =	srdreg.scid  }
0x8b: {  	s0 =	sand.u32 $0x1, s1  }
0x8c: {  	s16 =	sshll.u32 s0, $0xA;
	s2 =	sadd.s32 s3, s2  }
0x8d: {  	s2 =	sadd.s32 s2, s16  }
0x8e: {  	[smem:$0x3FB9] =	sst s2  }
0x8f: {  	_ = 	snop  }
0x90: {  	(tm) =	ssettm $0x1  }
0x91: {  	s17 =	sld [smem:$0x3FFB];
	_ =	sdelay $0x3  }
0x92: {  	_ =	strace s17  }
0x93: {  	s2 =	sld [smem:$0x3FFC];
	_ =	sdelay $0x3  }
0x94: {  	_ =	strace s2  }
0x95: {  	s2 =	sld [smem:$0x3FFD];
	_ =	sdelay $0x3  }
0x96: {  	_ =	strace s2  }
0x97: {  	_ =	strace $0x8FFFFFFF  }
0x98: {  	s18 =	sld [smem:$0x3FDB];
	_ =	sdelay $0x1  }
0x99: {  	s19 =	simm.s32 $_scs_section_size  }
0x9a: {  	s4 =	simm.s32 $_size__tile_overlayer_lowered;
	s5 =	simm.s32 $_tile_overlayer_lowered  }
0x9b: {  	s22 =	simm.s32 $0x1BFF;
	s21 =	sshll.u32 s5, $0x1;
	s2 =	sadd.s32 s19, s18  }
0x9c: {  	s6 =	simm.s32 $0x0;
	s20 =	sshll.u32 s4, $0x1;
	s4 =	sadd.s32 s21, s2  }
0x9d: {  	[timem:s6], [sflag:s22] =	dma.local [hbm:s4], s20  }
0x9e: {  	_ =	swait.ge [sflag:s22], s20  }
0x9f: {  	s3 =	ssub.s32 $0x0, s20;
	[sflag:s22] =	ssyncset.done $0x0  }
0xa0: {  	[sflag:s22] =	ssyncadd.s32 s3;
	_ =	sdelay $0x1  }
0xa1: {  	s23 =	simm.s32 $0x1B8B  }
0xa2: {  	_ =	swait.ge [sflag:s23], $0x1  }
0xa3: {  	[sflag:s23] =	ssyncset.done $0x0  }
0xa4: {  	s25 =	simm.s32 $0x1B8E;
	s24 =	sld [smem:$0x3FFE];
	[sflag:s23] =	ssyncadd.s32 $0xFFFFFFFF  }
0xa5: {  	s26 =	simm.s32 $execute0_lowered;
	[smem:$0x3FD2] =	sst s25  }
0xa6: {  	s4 =	sshll.u32 s26, $0x1;
	_ =	strace $0x80000049;
	[dreg:$0x1] =	wrdreg $0xFFFFFFFF  }
0xa7: {  	s28 =	simm.s32 $_size_execute0_lowered;
	s2 =	sadd.s32 s2, s4;
	[dreg:$0x0] =	wrdreg $0x0  }
0xa8: {  	s4 =	sshll.u32 s28, $0x1;
	[dreg:$0x2] =	wrdreg s2  }
0xa9: {  	[dreg:$0x3] =	wrdreg s4  }
0xaa: {  	[dreg:$0x4] =	wrdreg $0xC0  }
0xab: {  	_ =	task [dreg:s6], $0x5FFFF  }
0xac: {  	[dreg:$0x1] =	wrdreg $0xFFFFFFFF  }
0xad: {  	[dreg:$0x0] =	wrdreg $0x60  }
0xae: {  	[dreg:$0x2] =	wrdreg s24  }
0xaf: {  	[dreg:$0x3] =	wrdreg $0x83000  }
0xb0: {  	[dreg:$0x4] =	wrdreg $0x9  }
0xb1: {  	_ =	task.clear_ibuf [dreg:s6], $0x5FFFF;
	_ =	strace $0x90000049  }
0xb2: {  	s29 =	simm.s32 $0x9;
	_ =	strace $0x8000004B  }
0xb3: {  	_ =	swait.ge [sflag:s29], $0x1  }
0xb4: {  	[sflag:s29] =	ssyncadd.s32 $0xFFFFFFFF  }
0xb5: {  	_ =	strace $0x9000004B  }
0xb6: {  	_ =	sfence  }
0xb7: {  	s30 =	sld [smem:$0x0];
	_ =	sdelay $0x2  }
0xb8: {  	s31 =	sshll.u32 s1, $0xD;
	s1 =	sshrl.u32 s1, $0x2  }
0xb9: {  	s3 =	sand.u32 $0x4000, s31;
	s1 =	sadd.s32 s1, s30  }
0xba: {  	s0 =	sor.u32 s3, s0;
	s1 =	sshll.u32 s1, $0x11  }
0xbb: {  	s0 =	sor.u32 s1, s0  }
0xbc: {  	s0 =	sadd.s32 $0x8F2B, s0  }
0xbd: {  	[sflag:s0] =	ssyncadd.remote.s32 $0x1  }
0xbe: {  	_ =	sfence.sel $0xFFFF  }
0xbf: {  	[dreg:$0x0] =	wrdreg $0xFFFFFFFF;
	(pc) =	sbr.abs _section_cstart, $3  }
0xc0: {  	[dreg:$0x1] =	wrdreg $0xFFFFFFFF  }
0xc1: {  	_ =	task.clear_ibuf [dreg:s6], $0x2FFFF;
	_ =	strace $0x9FFFFFFF  }
0xc2: {  	(tm) =	ssettm $0x7FFFFFFF  }
0xc3: {  	_ =	shalt  }
tec
execute0_lowered:
.L_overlay_start_1:
0x0: {  	(tag) =	ssettag $0x1  }
0x1: {  	s6 =	rddreg [dreg:$0x0]  }
0x2: {  	s2 =	rddreg [dreg:$0x1];
	s1 =	stileid.u32  }
0x3: {  	s3 =	simm.s32 $0x0;
	s4 =	srdreg.scid;
	s16 =	simm.s32 $0x280  }
0x4: {  	s17 =	simm.s32 $0x80;
	s18 =	simm.s32 $0x300;
	s19 =	simm.s32 $0x3  }
0x5: {  	s20 =	simm.s32 $0x1;
	s21 =	simm.s32 $0x100;
	s22 =	simm.s32 $0x2  }
0x6: {  	s23 =	simm.s32 $0x4300;
	s24 =	simm.s32 $0x4;
	s25 =	simm.s32 $0x180  }
0x7: {  	s26 =	simm.s32 $0x0;
	s5 =	smul.u32 $0x1200, s1;
	[smem:$0x7FF] =	sst s3  }
0x8: {  	s7 =	sand.u32 $0x1, s4;
	s8 =	smul.u32 $0x2800, s1;
	s4 =	sadd.s32 $0x30A00, s6  }
0x9: {  	s28 =	sshll.u32 s1, $0x8;
	s29 =	smul.u32 $0x50000, s1;
	s13 =	sshll.u32 s1, $0x6  }
0xa: {  	_ =	strace $0x8000004A;
	s9 =	smul.u32 $0x28000, s7;
	s12 =	sadd.s32 s28, s6  }
0xb: {  	s30 =	ssub.s32 $0x2, s7;
	p0 =	seq.s32 s7, $0x1;
	s10 =	sadd.s32 s5, s6  }
0xc: {  	s5 =	sadd.s32 $0x2E200, s6;
	s31 =	sshrl.u32 s30, $0x1;
	s8 =	sadd.s32 s8, s9  }
.Ltmp0:
0xd: {  	s9 =	sshrl.u32 s29, $0x2;
	s14 =	ssub.s32 s30, s31;
	(pc) =	sbr.rel .LBB2_1-.Ltmp0, $4  }
0xe: {  	s7 =	sadd.s32 $0x1A200, s10;
	s11 =	sadd.s32 s8, s6;
	s15 =	sadd.s32 s9, s2  }
0xf: {  	s6 =	sor.u32 $0x1C05, s13;
	s8 =	sadd.s32 $0x1A220, s10;
	s10 =	smax.u32 s14, $0x1  }
0x10: {  	s14 =	simm.s32 $0x5;
	s9 =	sadd.s32 $0x7EE00, s11;
	s11 =	sadd.s32 $0xF200, s12  }
0x11: {  	s12 =	sadd.s32 $0x19200, s12;
	s13 =	sshrl.u32 s15, $0x3;
	s15 =	simm.s32 $0x200  }
.LBB2_7:
0x12: {  	s0 =	sadd.s32 s28, s11;
	[sflag:s14] =	ssyncadd.s32 $0xFFFFC000  }
0x13: {  	[tilespmem:s15], [sflag:$0x5] =	stream.linear.gather [hbm4b:s0+s3], $0x80, $0x38;
	[tilespmem:$0x1C300] =	vst v63  }
0x14: {  	_ =	swait.ge [sflag:s14], $0x80  }
0x15: {  	[sflag:s14] =	ssyncset.done $0x0  }
0x16: {  	s31 =	sadd.s32 s28, s12;
	[sflag:s14] =	ssyncadd.s32 $0xFFFFFF80  }
0x17: {  	[tilespmem:s16], [sflag:$0x5] =	stream.linear.gather [hbm4b:s31+s3], $0x80, $0x38;
	[tilespmem:$0x1C300] =	vst v63  }
0x18: {  	_ =	swait.ge [sflag:s14], $0x80  }
0x19: {  	[sflag:s14] =	ssyncset.done $0x0  }
0x1a: {  	[sflag:s14] =	ssyncadd.s32 $0xFFFFFF80  }
0x1b: {  	[tilespmem:s18], [sflag:$0x3] =	stream.indirect.gather [hbm4b:s4+s17], $0x80, s15, s17, $0xb8;
	[tilespmem:$0x1C300] =	vst v63  }
0x1c: {  	_ =	swait.ge [sflag:s19], $0x4000  }
0x1d: {  	[sflag:s19] =	ssyncset.done $0x0  }
0x1e: {  	[sflag:s19] =	ssyncadd.s32 $0xFFFFC000  }
0x1f: {  	[spmem:s2] =	stream.indirect.scatter.add.f32 [tilespmem:s18], [sflag:$0x5], $0x80, s16, s17, $0xb8;
	[tilespmem:$0x1C300] =	vst v63  }
0x20: {  	_ =	swait.ge [sflag:s14], $0x4000  }
0x21: {  	[sflag:s14] =	ssyncset.done $0x0  }
0x22: {  	[sflag:s14] =	ssyncadd.s32 $0xFFFFC000  }
.LBB2_8:
0x23: {  	s26 =	sadd.s32 $0x1, s26  }
0x24: {  	p1 =	sne.s32 s26, s10  }
.Ltmp1:
0x25: {  	[bflag:$0x0] =	sbarrier.arrive $0xFFFF;
	(pc) =	sbr.rel @!p1 .LBB2_9-.Ltmp1, $4  }
0x26: {  	[hbm:s9], [sflag:s6] =	dma.local [spmem:s13], $0x2800  }
0x27: {  	_ =	swait.ge [sflag:s14], $0x2800  }
0x28: {  	[sflag:s14] =	ssyncset.done $0x0  }
0x29: {  	[sflag:s14] =	ssyncadd.s32 $0xFFFFD800  }
.LBB2_1:
0x2a: {  	[spmem:s13], [sflag:s6] =	dma.local [hbm:s5], $0x2800  }
.Ltmp2:
0x2b: {  	_ =	swait.ge [sflag:s14], $0x2800;
	(pc) =	sbr.rel @!p0 .LBB2_2-.Ltmp2, $3  }
0x2c: {  	[sflag:s14] =	ssyncset.done $0x0  }
0x2d: {  	[sflag:s14] =	ssyncadd.s32 $0xFFFFD800  }
0x2e: {  	[bflag:$0x0] =	sbarrier.arrive $0xFFFF;
	_ =	sdelay $0x1  }
0x2f: {  	s28 =	sadd.s32 $0x0, s11  }
0x30: {  	[tilespmem:s15], [sflag:$0x5] =	stream.linear.gather [hbm4b:s28+s3], $0x80, $0x38;
	[tilespmem:$0x1C300] =	vst v63  }
0x31: {  	_ =	swait.ge [sflag:s14], $0x80  }
0x32: {  	[sflag:s14] =	ssyncset.done $0x0  }
0x33: {  	s28 =	sadd.s32 $0x0, s12;
	[sflag:s14] =	ssyncadd.s32 $0xFFFFFF80  }
0x34: {  	[tilespmem:s16], [sflag:$0x5] =	stream.linear.gather [hbm4b:s28+s3], $0x80, $0x38;
	[tilespmem:$0x1C300] =	vst v63  }
0x35: {  	_ =	swait.ge [sflag:s14], $0x80  }
0x36: {  	[sflag:s14] =	ssyncset.done $0x0  }
0x37: {  	[sflag:s14] =	ssyncadd.s32 $0xFFFFFF80  }
0x38: {  	[tilespmem:s18], [sflag:$0x3] =	stream.indirect.gather [hbm4b:s4+s17], $0x80, s15, s17, $0xb8;
	[tilespmem:$0x1C300] =	vst v63  }
0x39: {  	_ =	swait.ge [sflag:s19], $0x4000  }
0x3a: {  	[sflag:s19] =	ssyncset.done $0x0  }
0x3b: {  	[sflag:s19] =	ssyncadd.s32 $0xFFFFC000  }
0x3c: {  	[spmem:s2] =	stream.indirect.scatter.add.f32 [tilespmem:s18], [sflag:$0x5], $0x80, s16, s17, $0xb8;
	[tilespmem:$0x1C300] =	vst v63  }
0x3d: {  	_ =	swait.ge [sflag:s14], $0x4000  }
0x3e: {  	s29 =	simm.s32 $0x20;
	s28 =	simm.s32 $0x10;
	[sflag:s14] =	ssyncset.done $0x0  }
.LBB2_6:
0x3f: {  	s30 =	sadd.s32 s28, s11  }
0x40: {  	[sflag:s14] =	ssyncadd.s32 $0xFFFFC000;
	s31 =	smov.u32 s29;
	s0 =	sadd.s32 $0x10, s29  }
0x41: {  	[tilespmem:s15], [sflag:$0x5] =	stream.linear.gather [hbm4b:s30+s3], $0x80, $0x38;
	[tilespmem:$0x1C300] =	vst v63  }
0x42: {  	p1 =	sne.s32 s29, $0xF0;
	_ =	swait.ge [sflag:s14], $0x80  }
0x43: {  	[sflag:s14] =	ssyncset.done $0x0  }
0x44: {  	s29 =	sadd.s32 s28, s12;
	s28 =	smov.u32 s31;
	[sflag:s14] =	ssyncadd.s32 $0xFFFFFF80  }
0x45: {  	[tilespmem:s16], [sflag:$0x5] =	stream.linear.gather [hbm4b:s29+s3], $0x80, $0x38;
	[tilespmem:$0x1C300] =	vst v63  }
0x46: {  	_ =	swait.ge [sflag:s14], $0x80  }
0x47: {  	[sflag:s14] =	ssyncset.done $0x0  }
0x48: {  	[sflag:s14] =	ssyncadd.s32 $0xFFFFFF80  }
0x49: {  	[tilespmem:s18], [sflag:$0x3] =	stream.indirect.gather [hbm4b:s4+s17], $0x80, s15, s17, $0xb8;
	[tilespmem:$0x1C300] =	vst v63  }
0x4a: {  	_ =	swait.ge [sflag:s19], $0x4000  }
.Ltmp3:
0x4b: {  	[sflag:s19] =	ssyncset.done $0x0;
	(pc) =	sbr.rel @p1 .LBB2_6-.Ltmp3, $4  }
0x4c: {  	[sflag:s19] =	ssyncadd.s32 $0xFFFFC000  }
0x4d: {  	[spmem:s2] =	stream.indirect.scatter.add.f32 [tilespmem:s18], [sflag:$0x5], $0x80, s16, s17, $0xb8;
	[tilespmem:$0x1C300] =	vst v63  }
0x4e: {  	_ =	swait.ge [sflag:s14], $0x4000  }
0x4f: {  	s29 =	smov.u32 s0;
	[sflag:s14] =	ssyncset.done $0x0  }
.Ltmp4:
0x50: {  	_ = 	snop;
	(pc) =	sbr.rel .LBB2_7-.Ltmp4, $1  }
0x51: {  	_ =	sdelay $0x3  }
.LBB2_2:
0x52: {  	[tilespmem:s3], [sflag:$0x1] =	stream.linear.gather [hbm4b:s7+s3], $0x100, $0x38;
	[tilespmem:$0x1C300] =	vst v63  }
0x53: {  	_ =	swait.ge [sflag:s20], $0x100  }
0x54: {  	[sflag:s20] =	ssyncset.done $0x0  }
0x55: {  	[sflag:s20] =	ssyncadd.s32 $0xFFFFFF00  }
0x56: {  	[tilespmem:s21], [sflag:$0x2] =	stream.linear.gather [hbm4b:s8+s3], $0x100, $0x38;
	[tilespmem:$0x1C300] =	vst v63  }
0x57: {  	_ = 	snop  }
0x58: {  	[tilespmem:s18], [sflag:$0x3] =	stream.indirect.gather [hbm4b:s4+s17], $0x80, s3, s17, $0xb8;
	[tilespmem:$0x1C300] =	vst v63  }
0x59: {  	_ =	swait.ge [sflag:s22], $0x100  }
0x5a: {  	[sflag:s22] =	ssyncset.done $0x0  }
0x5b: {  	[sflag:s22] =	ssyncadd.s32 $0xFFFFFF00  }
0x5c: {  	[tilespmem:s23], [sflag:$0x4] =	stream.indirect.gather [hbm4b:s4+s17], $0x80, s21, s17, $0xb8;
	[tilespmem:$0x1C300] =	vst v63  }
0x5d: {  	_ =	swait.ge [sflag:s19], $0x4000  }
0x5e: {  	[sflag:s19] =	ssyncset.done $0x0  }
0x5f: {  	[sflag:s19] =	ssyncadd.s32 $0xFFFFC000  }
0x60: {  	[spmem:s2] =	stream.indirect.scatter.add.f32 [tilespmem:s18], [sflag:$0x5], $0x80, s17, s17, $0xb8;
	[tilespmem:$0x1C300] =	vst v63  }
0x61: {  	_ =	swait.ge [sflag:s14], $0x4000  }
0x62: {  	s29 =	sadd.s32 $0xFFFFEE40, s7;
	[sflag:s14] =	ssyncset.done $0x0  }
0x63: {  	s28 =	sadd.s32 $0x1200, s29;
	[sflag:s14] =	ssyncadd.s32 $0xFFFFC000  }
0x64: {  	[tilespmem:s3], [sflag:$0x1] =	stream.linear.gather [hbm4b:s28+s3], $0x100, $0x38;
	[tilespmem:$0x1C300] =	vst v63  }
0x65: {  	_ =	swait.ge [sflag:s20], $0x100  }
0x66: {  	[sflag:s20] =	ssyncset.done $0x0  }
0x67: {  	[sflag:s20] =	ssyncadd.s32 $0xFFFFFF00  }
0x68: {  	[tilespmem:s18], [sflag:$0x3] =	stream.indirect.gather [hbm4b:s4+s17], $0x80, s3, s17, $0xb8;
	[tilespmem:$0x1C300] =	vst v63  }
0x69: {  	_ =	swait.ge [sflag:s24], $0x4000  }
0x6a: {  	[sflag:s24] =	ssyncset.done $0x0  }
0x6b: {  	[sflag:s24] =	ssyncadd.s32 $0xFFFFC000  }
0x6c: {  	[spmem:s2] =	stream.indirect.scatter.add.f32 [tilespmem:s23], [sflag:$0x5], $0x80, s25, s17, $0xb8;
	[tilespmem:$0x1C300] =	vst v63  }
0x6d: {  	_ =	swait.ge [sflag:s14], $0x4000  }
0x6e: {  	[sflag:s14] =	ssyncset.done $0x0  }
0x6f: {  	s29 =	sadd.s32 $0x1220, s29;
	s28 =	simm.s32 $0xFFFFEE80;
	[sflag:s14] =	ssyncadd.s32 $0xFFFFC000  }
.LBB2_3:
0x70: {  	[tilespmem:s21], [sflag:$0x2] =	stream.linear.gather [hbm4b:s29+s3], $0x100, $0x38;
	[tilespmem:$0x1C300] =	vst v63  }
0x71: {  	s29 =	smov.u32 s28  }
0x72: {  	p1 =	sne.s32 s28, $0xFFFFFFC0;
	s28 =	sadd.s32 $0x40, s28;
	_ =	swait.ge [sflag:s22], $0x100  }
0x73: {  	[sflag:s22] =	ssyncset.done $0x0  }
0x74: {  	[sflag:s22] =	ssyncadd.s32 $0xFFFFFF00  }
0x75: {  	[tilespmem:s23], [sflag:$0x4] =	stream.indirect.gather [hbm4b:s4+s17], $0x80, s21, s17, $0xb8;
	[tilespmem:$0x1C300] =	vst v63  }
0x76: {  	_ =	swait.ge [sflag:s19], $0x4000  }
0x77: {  	[sflag:s19] =	ssyncset.done $0x0  }
0x78: {  	[sflag:s19] =	ssyncadd.s32 $0xFFFFC000  }
0x79: {  	[spmem:s2] =	stream.indirect.scatter.add.f32 [tilespmem:s18], [sflag:$0x5], $0x80, s17, s17, $0xb8;
	[tilespmem:$0x1C300] =	vst v63  }
0x7a: {  	_ =	swait.ge [sflag:s14], $0x4000  }
0x7b: {  	s29 =	sadd.s32 s29, s7;
	[sflag:s14] =	ssyncset.done $0x0  }
0x7c: {  	s30 =	sadd.s32 $0x1200, s29;
	[sflag:s14] =	ssyncadd.s32 $0xFFFFC000  }
0x7d: {  	[tilespmem:s3], [sflag:$0x1] =	stream.linear.gather [hbm4b:s30+s3], $0x100, $0x38;
	[tilespmem:$0x1C300] =	vst v63  }
0x7e: {  	_ =	swait.ge [sflag:s20], $0x100  }
0x7f: {  	[sflag:s20] =	ssyncset.done $0x0  }
0x80: {  	[sflag:s20] =	ssyncadd.s32 $0xFFFFFF00  }
0x81: {  	[tilespmem:s18], [sflag:$0x3] =	stream.indirect.gather [hbm4b:s4+s17], $0x80, s3, s17, $0xb8;
	[tilespmem:$0x1C300] =	vst v63  }
0x82: {  	_ =	swait.ge [sflag:s24], $0x4000  }
0x83: {  	[sflag:s24] =	ssyncset.done $0x0  }
.Ltmp5:
0x84: {  	[sflag:s24] =	ssyncadd.s32 $0xFFFFC000;
	(pc) =	sbr.rel @p1 .LBB2_3-.Ltmp5, $4  }
0x85: {  	[spmem:s2] =	stream.indirect.scatter.add.f32 [tilespmem:s23], [sflag:$0x5], $0x80, s25, s17, $0xb8;
	[tilespmem:$0x1C300] =	vst v63  }
0x86: {  	_ =	swait.ge [sflag:s14], $0x4000  }
0x87: {  	[sflag:s14] =	ssyncset.done $0x0  }
0x88: {  	s29 =	sadd.s32 $0x1220, s29;
	[sflag:s14] =	ssyncadd.s32 $0xFFFFC000  }
0x89: {  	[tilespmem:s21], [sflag:$0x2] =	stream.linear.gather [hbm4b:s29+s3], $0x100, $0x38;
	[tilespmem:$0x1C300] =	vst v63  }
0x8a: {  	_ =	swait.ge [sflag:s22], $0x100  }
0x8b: {  	[sflag:s22] =	ssyncset.done $0x0  }
0x8c: {  	[sflag:s22] =	ssyncadd.s32 $0xFFFFFF00  }
0x8d: {  	[tilespmem:s23], [sflag:$0x4] =	stream.indirect.gather [hbm4b:s4+s17], $0x80, s21, s17, $0xb8;
	[tilespmem:$0x1C300] =	vst v63  }
0x8e: {  	_ =	swait.ge [sflag:s19], $0x4000  }
0x8f: {  	[sflag:s19] =	ssyncset.done $0x0  }
0x90: {  	[sflag:s19] =	ssyncadd.s32 $0xFFFFC000  }
0x91: {  	[spmem:s2] =	stream.indirect.scatter.add.f32 [tilespmem:s18], [sflag:$0x5], $0x80, s17, s17, $0xb8;
	[tilespmem:$0x1C300] =	vst v63  }
0x92: {  	_ =	swait.ge [sflag:s14], $0x4000  }
0x93: {  	[sflag:s14] =	ssyncset.done $0x0  }
0x94: {  	[sflag:s14] =	ssyncadd.s32 $0xFFFFC000  }
0x95: {  	_ =	swait.ge [sflag:s24], $0x4000  }
0x96: {  	[sflag:s24] =	ssyncset.done $0x0  }
.Ltmp6:
0x97: {  	[sflag:s24] =	ssyncadd.s32 $0xFFFFC000;
	(pc) =	sbr.rel .LBB2_8-.Ltmp6, $4  }
0x98: {  	[spmem:s2] =	stream.indirect.scatter.add.f32 [tilespmem:s23], [sflag:$0x5], $0x80, s25, s17, $0xb8;
	[tilespmem:$0x1C300] =	vst v63  }
0x99: {  	_ =	swait.ge [sflag:s14], $0x4000  }
0x9a: {  	[sflag:s14] =	ssyncset.done $0x0  }
0x9b: {  	[sflag:s14] =	ssyncadd.s32 $0xFFFFC000  }
.LBB2_9:
0x9c: {  	_ =	sfence.sel $0x180000  }
0x9d: {  	[bflag:$0x0] =	sbarrier.arrive $0xFFFF  }
0x9e: {  	_ =	strace $0x9000004A  }
0x9f: {  	[bflag:$0x2] =	sbarrier.arrive $0xFFFF  }
0xa0: {  	p0 =	sne.s32 s1, $0x0;
	s0 =	rddreg [dreg:$0x2]  }
0xa1: {  	s0 =	sadd.s32 @!p0 $0x100000, s0  }
0xa2: {  	[sflag:s0] =	ssyncadd.tile.s32 @!p0 $0x1;
	_ =	shalt  }
.Lfunc_end2:
_tile_overlayer_lowered:
.L_overlay_start_2:
0xa3: {  	(tag) =	ssettag $0x2  }
0xa4: {  	s0 =	rddreg [dreg:$0x0];
	s2 =	stileid.u32  }
0xa5: {  	s1 =	rddreg [dreg:$0x1];
	p0 =	sne.s32 s2, $0x0  }
0xa6: {  	s3 =	rddreg [dreg:$0x2];
	[bflag:$0x3] =	sbarrier.arrive $0xFFFF;
	s2 =	simm.s32 @!p0 $0x1C05  }
0xa7: {  	[timem:s3], [sflag:s2] =	dma.local @!p0 [hbm:s0], s1  }
0xa8: {  	s0 =	simm.s32 @!p0 $0x5  }
0xa9: {  	_ =	swait.ge @!p0 [sflag:s0], s1  }
0xaa: {  	s1 =	ssub.s32 @!p0 $0x0, s1;
	[sflag:s0] =	ssyncset.done @!p0 $0x0  }
0xab: {  	[sflag:s0] =	ssyncadd.s32 @!p0 s1  }
0xac: {  	[bflag:$0x3] =	sbarrier.arrive $0xFFFF  }
0xad: {  	_ =	shalt  }

// kernel: kernel.17.cloned.1.call-start
scs
__scs_entry_jumppad:
0x0: {  	(pc) =	sbr.rel $0x88, $3  }
0x1: {  	(tag) =	ssettag $0x0;
	lr =	simm.s32 $0x1  }
0x2: {  	[smem:$0x3F92] =	sst lr;
	_ =	strace $0xD0000000  }
0x3: {  	_ = 	snop  }
0x4: {  	_ = 	snop  }
0x5: {  	_ = 	snop  }
0x6: {  	_ = 	snop  }
0x7: {  	_ = 	snop  }
__scs_overlays_trampoline_lowered:
0x8: {  	[smem:$0x3FA1] =	sst s0  }
0x9: {  	[smem:$0x3FA2] =	sst s1  }
0xa: {  	[smem:$0x3FA3] =	sst s2  }
0xb: {  	[smem:$0x3FA4] =	sst s3  }
0xc: {  	[smem:$0x3FA5] =	sst s4  }
0xd: {  	[smem:$0x3FA6] =	sst s5  }
0xe: {  	[smem:$0x3FA7] =	sst s6  }
0xf: {  	[smem:$0x3FA8] =	sst s7  }
0x10: {  	[smem:$0x3FA9] =	sst s8  }
0x11: {  	[smem:$0x3FAA] =	sst s9;
	s0 =	simm.s32 @!p0 $0x0  }
0x12: {  	s1 =	sld [smem:$0x3F90];
	s0 =	simm.s32 @p0 $0x1  }
0x13: {  	[smem:$0x3FAB] =	sst s0;
	s0 =	simm.s32 @!p1 $0x0  }
0x14: {  	s2 =	sld [smem:$0x3F8F];
	s0 =	simm.s32 @p1 $0x1  }
0x15: {  	[smem:$0x3FAC] =	sst s0;
	s0 =	simm.s32 @!p2 $0x0  }
0x16: {  	s3 =	sld [smem:$0x3FDB];
	s0 =	simm.s32 @p2 $0x1  }
0x17: {  	s4 =	simm.s32 $0x1BF5;
	[smem:$0x3FAE] =	sst s0  }
0x18: {  	s0 =	sld [smem:$0x3F91];
	_ =	swait.ge [sflag:s4], $0x0  }
0x19: {  	s7 =	sld [smem:$0x3F92]  }
0x1a: {  	s8 =	sadd.s32 $0xFFFFE003, lr  }
0x1b: {  	s9 =	sadd.s32 $0xFFFFFEF7, lr;
	s5 =	simm.s32 $0xFFFFFFFF;
	p2 =	slt.u32 s8, $0xFFFFF086  }
0x1c: {  	p1 =	slt.u32 s9, $0xF7A;
	s5 =	simm.s32 @!p2 $0x0  }
0x1d: {  	s5 =	simm.s32 @p1 $0x1;
	p0 =	seq.s32 s7, s2  }
0x1e: {  	s7 =	smul.u32 @!p0 $0xF7A, s2;
	p2 =	seq.s32 @!p0 s5, $0x0  }
0x1f: {  	s9 =	smul.u32 $0xF7A, s1;
	s8 =	simm.s32 @!p0 $0x1BF5;
	p2 =	por !p2, p0  }
0x20: {  	[sflag:s8] =	ssyncset.s32 @!p0 $0xFFFFF086;
	s6 =	sadd.s32 @!p0 s3, s7;
	s7 =	simm.s32 @!p0 $0x108  }
0x21: {  	s3 =	sadd.s32 s3, s9;
	s6 =	sadd.s32 @!p0 $0x88, s6;
	s7 =	simm.s32 @p2 $0x1082  }
0x22: {  	[simem:s7], [sflag:s8] =	dma.local @!p0 [hbm:s6], $0xF7A  }
0x23: {  	s9 =	sor.u32 $0xD0000000, s2;
	s6 =	simm.s32 $0x108;
	_ =	swait.ge @!p0 [sflag:s8], $0x0  }
0x24: {  	s3 =	sadd.s32 $0x88, s3;
	s6 =	simm.s32 @!p1 $0x1082;
	[sflag:s4] =	ssyncset.s32 $0xFFFFF086  }
0x25: {  	[simem:s6], [sflag:s4] =	dma.local [hbm:s3], $0xF7A  }
0x26: {  	[smem:$0x3F92] =	sst s1;
	(tag) =	ssettag s2;
	_ =	strace s9  }
0x27: {  	s1 =	sld [smem:$0x3FA2]  }
0x28: {  	s2 =	sld [smem:$0x3FA3]  }
0x29: {  	s4 =	sld [smem:$0x3FA5]  }
0x2a: {  	p0 =	seq.s32 s5, $0x0;
	s5 =	sld [smem:$0x3FA6]  }
0x2b: {  	s6 =	sld [smem:$0x3FA7]  }
0x2c: {  	s7 =	sld [smem:$0x3FA8]  }
0x2d: {  	s3 =	simm.s32 $0x108;
	s8 =	sld [smem:$0x3FA9]  }
0x2e: {  	s3 =	simm.s32 @!p0 $0x1082;
	s9 =	sld [smem:$0x3FAA]  }
0x2f: {  	lr =	sadd.s32 s0, s3;
	s0 =	sld [smem:$0x3FA1]  }
0x30: {  	s3 =	sld [smem:$0x3FA4]  }
0x31: {  	[smem:$0x3FAD] =	sst s10  }
0x32: {  	s10 =	sld [smem:$0x3FAB];
	_ =	sdelay $0x3  }
0x33: {  	p0 =	seq.s32 s10, $0x1;
	s10 =	sld [smem:$0x3FAD];
	_ =	sdelay $0x3  }
0x34: {  	[smem:$0x3FAD] =	sst s10  }
0x35: {  	s10 =	sld [smem:$0x3FAC];
	_ =	sdelay $0x3  }
0x36: {  	p1 =	seq.s32 s10, $0x1;
	s10 =	sld [smem:$0x3FAD];
	_ =	sdelay $0x3  }
0x37: {  	[smem:$0x3FAD] =	sst s10  }
0x38: {  	s10 =	sld [smem:$0x3FAE]  }
0x39: {  	_ = 	snop;
	(pc) =	sbr.ind lr, $3  }
0x3a: {  	_ = 	snop  }
0x3b: {  	_ = 	snop  }
0x3c: {  	p2 =	seq.s32 s10, $0x1;
	s10 =	sld [smem:$0x3FAD]  }
0x3d: {  	_ =	shalt  }
0x3e: {  	_ =	shalt  }
0x3f: {  	_ =	shalt  }
0x40: {  	_ =	shalt  }
0x41: {  	_ =	shalt  }
0x42: {  	_ =	shalt  }
0x43: {  	_ =	shalt  }
0x44: {  	_ =	shalt  }
0x45: {  	_ =	shalt  }
0x46: {  	_ =	shalt  }
0x47: {  	_ =	shalt  }
0x48: {  	_ =	shalt  }
0x49: {  	_ =	shalt  }
0x4a: {  	_ =	shalt  }
0x4b: {  	_ =	shalt  }
0x4c: {  	_ =	shalt  }
0x4d: {  	_ =	shalt  }
0x4e: {  	_ =	shalt  }
0x4f: {  	_ =	shalt  }
0x50: {  	_ =	shalt  }
0x51: {  	_ =	shalt  }
0x52: {  	_ =	shalt  }
0x53: {  	_ =	shalt  }
0x54: {  	_ =	shalt  }
0x55: {  	_ =	shalt  }
0x56: {  	_ =	shalt  }
0x57: {  	_ =	shalt  }
0x58: {  	_ =	shalt  }
0x59: {  	_ =	shalt  }
0x5a: {  	_ =	shalt  }
0x5b: {  	_ =	shalt  }
0x5c: {  	_ =	shalt  }
0x5d: {  	_ =	shalt  }
0x5e: {  	_ =	shalt  }
0x5f: {  	_ =	shalt  }
0x60: {  	_ =	shalt  }
0x61: {  	_ =	shalt  }
0x62: {  	_ =	shalt  }
0x63: {  	_ =	shalt  }
0x64: {  	_ =	shalt  }
0x65: {  	_ =	shalt  }
0x66: {  	_ =	shalt  }
0x67: {  	_ =	shalt  }
0x68: {  	_ =	shalt  }
0x69: {  	_ =	shalt  }
0x6a: {  	_ =	shalt  }
0x6b: {  	_ =	shalt  }
0x6c: {  	_ =	shalt  }
0x6d: {  	_ =	shalt  }
0x6e: {  	_ =	shalt  }
0x6f: {  	_ =	shalt  }
0x70: {  	_ =	shalt  }
0x71: {  	_ =	shalt  }
0x72: {  	_ =	shalt  }
0x73: {  	_ =	shalt  }
0x74: {  	_ =	shalt  }
0x75: {  	_ =	shalt  }
0x76: {  	_ =	shalt  }
0x77: {  	_ =	shalt  }
0x78: {  	_ =	shalt  }
0x79: {  	_ =	shalt  }
0x7a: {  	_ =	shalt  }
0x7b: {  	_ =	shalt  }
0x7c: {  	_ =	shalt  }
0x7d: {  	_ =	shalt  }
0x7e: {  	_ =	shalt  }
0x7f: {  	_ =	shalt  }
0x80: {  	_ =	shalt  }
0x81: {  	_ =	shalt  }
0x82: {  	_ =	shalt  }
0x83: {  	_ =	shalt  }
0x84: {  	_ =	shalt  }
0x85: {  	_ =	shalt  }
0x86: {  	_ =	shalt  }
0x87: {  	_ =	shalt  }
.Lfunc_end0:
.L_simem_size_0:
called_computation.2_lowered:
.L_overlay_start_0:
0x88: {  	s2 =	sld [smem:$0x3FD9]  }
0x89: {  	s3 =	sld [smem:$0x3FFE];
	_ =	sdelay $0x1  }
0x8a: {  	s1 =	srdreg.scid  }
0x8b: {  	s0 =	sand.u32 $0x1, s1  }
0x8c: {  	s16 =	sshll.u32 s0, $0xA;
	s2 =	sadd.s32 s3, s2  }
0x8d: {  	s2 =	sadd.s32 s2, s16  }
0x8e: {  	[smem:$0x3FB9] =	sst s2  }
0x8f: {  	_ = 	snop  }
0x90: {  	(tm) =	ssettm $0x1  }
0x91: {  	s17 =	sld [smem:$0x3FFB];
	_ =	sdelay $0x3  }
0x92: {  	_ =	strace s17  }
0x93: {  	s2 =	sld [smem:$0x3FFC];
	_ =	sdelay $0x3  }
0x94: {  	_ =	strace s2  }
0x95: {  	s2 =	sld [smem:$0x3FFD];
	_ =	sdelay $0x3  }
0x96: {  	_ =	strace s2  }
0x97: {  	_ =	strace $0x8FFFFFFF  }
0x98: {  	s18 =	sld [smem:$0x3FDB];
	_ =	sdelay $0x1  }
0x99: {  	s19 =	simm.s32 $_scs_section_size  }
0x9a: {  	s4 =	simm.s32 $_size__tile_overlayer_lowered;
	s5 =	simm.s32 $_tile_overlayer_lowered  }
0x9b: {  	s22 =	simm.s32 $0x1BFF;
	s21 =	sshll.u32 s5, $0x1;
	s2 =	sadd.s32 s19, s18  }
0x9c: {  	s6 =	simm.s32 $0x0;
	s20 =	sshll.u32 s4, $0x1;
	s4 =	sadd.s32 s21, s2  }
0x9d: {  	[timem:s6], [sflag:s22] =	dma.local [hbm:s4], s20  }
0x9e: {  	_ =	swait.ge [sflag:s22], s20  }
0x9f: {  	s3 =	ssub.s32 $0x0, s20;
	[sflag:s22] =	ssyncset.done $0x0  }
0xa0: {  	[sflag:s22] =	ssyncadd.s32 s3;
	_ =	sdelay $0x1  }
0xa1: {  	s23 =	simm.s32 $0x1B8B  }
0xa2: {  	_ =	swait.ge [sflag:s23], $0x1  }
0xa3: {  	[sflag:s23] =	ssyncset.done $0x0  }
0xa4: {  	s25 =	simm.s32 $0x1B8E;
	s24 =	sld [smem:$0x3FFE];
	[sflag:s23] =	ssyncadd.s32 $0xFFFFFFFF  }
0xa5: {  	s26 =	simm.s32 $execute0_lowered;
	[smem:$0x3FD2] =	sst s25  }
0xa6: {  	s4 =	sshll.u32 s26, $0x1;
	_ =	strace $0x8000004C;
	[dreg:$0x1] =	wrdreg $0xFFFFFFFF  }
0xa7: {  	s28 =	simm.s32 $_size_execute0_lowered;
	s2 =	sadd.s32 s2, s4;
	[dreg:$0x0] =	wrdreg $0x0  }
0xa8: {  	s4 =	sshll.u32 s28, $0x1;
	[dreg:$0x2] =	wrdreg s2  }
0xa9: {  	[dreg:$0x3] =	wrdreg s4  }
0xaa: {  	[dreg:$0x4] =	wrdreg $0xC0  }
0xab: {  	_ =	task [dreg:s6], $0x5FFFF  }
0xac: {  	[dreg:$0x1] =	wrdreg $0xFFFFFFFF  }
0xad: {  	[dreg:$0x0] =	wrdreg $0x60  }
0xae: {  	[dreg:$0x2] =	wrdreg s24  }
0xaf: {  	[dreg:$0x3] =	wrdreg $0x83000  }
0xb0: {  	[dreg:$0x4] =	wrdreg $0x9  }
0xb1: {  	_ =	task.clear_ibuf [dreg:s6], $0x5FFFF;
	_ =	strace $0x9000004C  }
0xb2: {  	s29 =	simm.s32 $0x9;
	_ =	strace $0x8000004E  }
0xb3: {  	_ =	swait.ge [sflag:s29], $0x1  }
0xb4: {  	[sflag:s29] =	ssyncadd.s32 $0xFFFFFFFF  }
0xb5: {  	_ =	strace $0x9000004E  }
0xb6: {  	_ =	sfence  }
0xb7: {  	s30 =	sld [smem:$0x0];
	_ =	sdelay $0x2  }
0xb8: {  	s31 =	sshll.u32 s1, $0xD;
	s1 =	sshrl.u32 s1, $0x2  }
0xb9: {  	s3 =	sand.u32 $0x4000, s31;
	s1 =	sadd.s32 s1, s30  }
0xba: {  	s0 =	sor.u32 s3, s0;
	s1 =	sshll.u32 s1, $0x11  }
0xbb: {  	s0 =	sor.u32 s1, s0  }
0xbc: {  	s0 =	sadd.s32 $0x8F2B, s0  }
0xbd: {  	[sflag:s0] =	ssyncadd.remote.s32 $0x1  }
0xbe: {  	_ =	sfence.sel $0xFFFF  }
0xbf: {  	[dreg:$0x0] =	wrdreg $0xFFFFFFFF;
	(pc) =	sbr.abs _section_cstart, $3  }
0xc0: {  	[dreg:$0x1] =	wrdreg $0xFFFFFFFF  }
0xc1: {  	_ =	task.clear_ibuf [dreg:s6], $0x2FFFF;
	_ =	strace $0x9FFFFFFF  }
0xc2: {  	(tm) =	ssettm $0x7FFFFFFF  }
0xc3: {  	_ =	shalt  }
tec
execute0_lowered:
.L_overlay_start_1:
0x0: {  	(tag) =	ssettag $0x1  }
0x1: {  	s6 =	rddreg [dreg:$0x0]  }
0x2: {  	s2 =	rddreg [dreg:$0x1];
	s1 =	stileid.u32  }
0x3: {  	s3 =	simm.s32 $0x0;
	s4 =	srdreg.scid;
	s16 =	simm.s32 $0x280  }
0x4: {  	s17 =	simm.s32 $0x80;
	s18 =	simm.s32 $0x300;
	s19 =	simm.s32 $0x3  }
0x5: {  	s20 =	simm.s32 $0x1;
	s21 =	simm.s32 $0x100;
	s22 =	simm.s32 $0x2  }
0x6: {  	s23 =	simm.s32 $0x4300;
	s24 =	simm.s32 $0x4;
	s25 =	simm.s32 $0x180  }
0x7: {  	s26 =	simm.s32 $0x0;
	s5 =	smul.u32 $0x1200, s1;
	[smem:$0x7FF] =	sst s3  }
0x8: {  	s7 =	sand.u32 $0x1, s4;
	s8 =	smul.u32 $0x2800, s1;
	s4 =	sadd.s32 $0x30A00, s6  }
0x9: {  	s28 =	sshll.u32 s1, $0x8;
	s29 =	smul.u32 $0x50000, s1;
	s13 =	sshll.u32 s1, $0x6  }
0xa: {  	_ =	strace $0x8000004D;
	s9 =	smul.u32 $0x28000, s7;
	s12 =	sadd.s32 s28, s6  }
0xb: {  	s30 =	ssub.s32 $0x2, s7;
	p0 =	seq.s32 s7, $0x1;
	s10 =	sadd.s32 s5, s6  }
0xc: {  	s5 =	sadd.s32 $0x2E200, s6;
	s31 =	sshrl.u32 s30, $0x1;
	s8 =	sadd.s32 s8, s9  }
.Ltmp0:
0xd: {  	s9 =	sshrl.u32 s29, $0x2;
	s14 =	ssub.s32 s30, s31;
	(pc) =	sbr.rel .LBB2_1-.Ltmp0, $4  }
0xe: {  	s7 =	sadd.s32 $0x1A200, s10;
	s11 =	sadd.s32 s8, s6;
	s15 =	sadd.s32 s9, s2  }
0xf: {  	s6 =	sor.u32 $0x1C05, s13;
	s8 =	sadd.s32 $0x1A220, s10;
	s10 =	smax.u32 s14, $0x1  }
0x10: {  	s14 =	simm.s32 $0x5;
	s9 =	sadd.s32 $0x7EE00, s11;
	s11 =	sadd.s32 $0xF200, s12  }
0x11: {  	s12 =	sadd.s32 $0x19200, s12;
	s13 =	sshrl.u32 s15, $0x3;
	s15 =	simm.s32 $0x200  }
.LBB2_7:
0x12: {  	s0 =	sadd.s32 s28, s11;
	[sflag:s14] =	ssyncadd.s32 $0xFFFFC000  }
0x13: {  	[tilespmem:s15], [sflag:$0x5] =	stream.linear.gather [hbm4b:s0+s3], $0x80, $0x38;
	[tilespmem:$0x1C300] =	vst v63  }
0x14: {  	_ =	swait.ge [sflag:s14], $0x80  }
0x15: {  	[sflag:s14] =	ssyncset.done $0x0  }
0x16: {  	s31 =	sadd.s32 s28, s12;
	[sflag:s14] =	ssyncadd.s32 $0xFFFFFF80  }
0x17: {  	[tilespmem:s16], [sflag:$0x5] =	stream.linear.gather [hbm4b:s31+s3], $0x80, $0x38;
	[tilespmem:$0x1C300] =	vst v63  }
0x18: {  	_ =	swait.ge [sflag:s14], $0x80  }
0x19: {  	[sflag:s14] =	ssyncset.done $0x0  }
0x1a: {  	[sflag:s14] =	ssyncadd.s32 $0xFFFFFF80  }
0x1b: {  	[tilespmem:s18], [sflag:$0x3] =	stream.indirect.gather [hbm4b:s4+s17], $0x80, s15, s17, $0xb8;
	[tilespmem:$0x1C300] =	vst v63  }
0x1c: {  	_ =	swait.ge [sflag:s19], $0x4000  }
0x1d: {  	[sflag:s19] =	ssyncset.done $0x0  }
0x1e: {  	[sflag:s19] =	ssyncadd.s32 $0xFFFFC000  }
0x1f: {  	[spmem:s2] =	stream.indirect.scatter.add.f32 [tilespmem:s18], [sflag:$0x5], $0x80, s16, s17, $0xb8;
	[tilespmem:$0x1C300] =	vst v63  }
0x20: {  	_ =	swait.ge [sflag:s14], $0x4000  }
0x21: {  	[sflag:s14] =	ssyncset.done $0x0  }
0x22: {  	[sflag:s14] =	ssyncadd.s32 $0xFFFFC000  }
.LBB2_8:
0x23: {  	s26 =	sadd.s32 $0x1, s26  }
0x24: {  	p1 =	sne.s32 s26, s10  }
.Ltmp1:
0x25: {  	[bflag:$0x0] =	sbarrier.arrive $0xFFFF;
	(pc) =	sbr.rel @!p1 .LBB2_9-.Ltmp1, $4  }
0x26: {  	[hbm:s9], [sflag:s6] =	dma.local [spmem:s13], $0x2800  }
0x27: {  	_ =	swait.ge [sflag:s14], $0x2800  }
0x28: {  	[sflag:s14] =	ssyncset.done $0x0  }
0x29: {  	[sflag:s14] =	ssyncadd.s32 $0xFFFFD800  }
.LBB2_1:
0x2a: {  	[spmem:s13], [sflag:s6] =	dma.local [hbm:s5], $0x2800  }
.Ltmp2:
0x2b: {  	_ =	swait.ge [sflag:s14], $0x2800;
	(pc) =	sbr.rel @!p0 .LBB2_2-.Ltmp2, $3  }
0x2c: {  	[sflag:s14] =	ssyncset.done $0x0  }
0x2d: {  	[sflag:s14] =	ssyncadd.s32 $0xFFFFD800  }
0x2e: {  	[bflag:$0x0] =	sbarrier.arrive $0xFFFF;
	_ =	sdelay $0x1  }
0x2f: {  	s28 =	sadd.s32 $0x0, s11  }
0x30: {  	[tilespmem:s15], [sflag:$0x5] =	stream.linear.gather [hbm4b:s28+s3], $0x80, $0x38;
	[tilespmem:$0x1C300] =	vst v63  }
0x31: {  	_ =	swait.ge [sflag:s14], $0x80  }
0x32: {  	[sflag:s14] =	ssyncset.done $0x0  }
0x33: {  	s28 =	sadd.s32 $0x0, s12;
	[sflag:s14] =	ssyncadd.s32 $0xFFFFFF80  }
0x34: {  	[tilespmem:s16], [sflag:$0x5] =	stream.linear.gather [hbm4b:s28+s3], $0x80, $0x38;
	[tilespmem:$0x1C300] =	vst v63  }
0x35: {  	_ =	swait.ge [sflag:s14], $0x80  }
0x36: {  	[sflag:s14] =	ssyncset.done $0x0  }
0x37: {  	[sflag:s14] =	ssyncadd.s32 $0xFFFFFF80  }
0x38: {  	[tilespmem:s18], [sflag:$0x3] =	stream.indirect.gather [hbm4b:s4+s17], $0x80, s15, s17, $0xb8;
	[tilespmem:$0x1C300] =	vst v63  }
0x39: {  	_ =	swait.ge [sflag:s19], $0x4000  }
0x3a: {  	[sflag:s19] =	ssyncset.done $0x0  }
0x3b: {  	[sflag:s19] =	ssyncadd.s32 $0xFFFFC000  }
0x3c: {  	[spmem:s2] =	stream.indirect.scatter.add.f32 [tilespmem:s18], [sflag:$0x5], $0x80, s16, s17, $0xb8;
	[tilespmem:$0x1C300] =	vst v63  }
0x3d: {  	_ =	swait.ge [sflag:s14], $0x4000  }
0x3e: {  	s29 =	simm.s32 $0x20;
	s28 =	simm.s32 $0x10;
	[sflag:s14] =	ssyncset.done $0x0  }
.LBB2_6:
0x3f: {  	s30 =	sadd.s32 s28, s11  }
0x40: {  	[sflag:s14] =	ssyncadd.s32 $0xFFFFC000;
	s31 =	smov.u32 s29;
	s0 =	sadd.s32 $0x10, s29  }
0x41: {  	[tilespmem:s15], [sflag:$0x5] =	stream.linear.gather [hbm4b:s30+s3], $0x80, $0x38;
	[tilespmem:$0x1C300] =	vst v63  }
0x42: {  	p1 =	sne.s32 s29, $0xF0;
	_ =	swait.ge [sflag:s14], $0x80  }
0x43: {  	[sflag:s14] =	ssyncset.done $0x0  }
0x44: {  	s29 =	sadd.s32 s28, s12;
	s28 =	smov.u32 s31;
	[sflag:s14] =	ssyncadd.s32 $0xFFFFFF80  }
0x45: {  	[tilespmem:s16], [sflag:$0x5] =	stream.linear.gather [hbm4b:s29+s3], $0x80, $0x38;
	[tilespmem:$0x1C300] =	vst v63  }
0x46: {  	_ =	swait.ge [sflag:s14], $0x80  }
0x47: {  	[sflag:s14] =	ssyncset.done $0x0  }
0x48: {  	[sflag:s14] =	ssyncadd.s32 $0xFFFFFF80  }
0x49: {  	[tilespmem:s18], [sflag:$0x3] =	stream.indirect.gather [hbm4b:s4+s17], $0x80, s15, s17, $0xb8;
	[tilespmem:$0x1C300] =	vst v63  }
0x4a: {  	_ =	swait.ge [sflag:s19], $0x4000  }
.Ltmp3:
0x4b: {  	[sflag:s19] =	ssyncset.done $0x0;
	(pc) =	sbr.rel @p1 .LBB2_6-.Ltmp3, $4  }
0x4c: {  	[sflag:s19] =	ssyncadd.s32 $0xFFFFC000  }
0x4d: {  	[spmem:s2] =	stream.indirect.scatter.add.f32 [tilespmem:s18], [sflag:$0x5], $0x80, s16, s17, $0xb8;
	[tilespmem:$0x1C300] =	vst v63  }
0x4e: {  	_ =	swait.ge [sflag:s14], $0x4000  }
0x4f: {  	s29 =	smov.u32 s0;
	[sflag:s14] =	ssyncset.done $0x0  }
.Ltmp4:
0x50: {  	_ = 	snop;
	(pc) =	sbr.rel .LBB2_7-.Ltmp4, $1  }
0x51: {  	_ =	sdelay $0x3  }
.LBB2_2:
0x52: {  	[tilespmem:s3], [sflag:$0x1] =	stream.linear.gather [hbm4b:s7+s3], $0x100, $0x38;
	[tilespmem:$0x1C300] =	vst v63  }
0x53: {  	_ =	swait.ge [sflag:s20], $0x100  }
0x54: {  	[sflag:s20] =	ssyncset.done $0x0  }
0x55: {  	[sflag:s20] =	ssyncadd.s32 $0xFFFFFF00  }
0x56: {  	[tilespmem:s21], [sflag:$0x2] =	stream.linear.gather [hbm4b:s8+s3], $0x100, $0x38;
	[tilespmem:$0x1C300] =	vst v63  }
0x57: {  	_ = 	snop  }
0x58: {  	[tilespmem:s18], [sflag:$0x3] =	stream.indirect.gather [hbm4b:s4+s17], $0x80, s3, s17, $0xb8;
	[tilespmem:$0x1C300] =	vst v63  }
0x59: {  	_ =	swait.ge [sflag:s22], $0x100  }
0x5a: {  	[sflag:s22] =	ssyncset.done $0x0  }
0x5b: {  	[sflag:s22] =	ssyncadd.s32 $0xFFFFFF00  }
0x5c: {  	[tilespmem:s23], [sflag:$0x4] =	stream.indirect.gather [hbm4b:s4+s17], $0x80, s21, s17, $0xb8;
	[tilespmem:$0x1C300] =	vst v63  }
0x5d: {  	_ =	swait.ge [sflag:s19], $0x4000  }
0x5e: {  	[sflag:s19] =	ssyncset.done $0x0  }
0x5f: {  	[sflag:s19] =	ssyncadd.s32 $0xFFFFC000  }
0x60: {  	[spmem:s2] =	stream.indirect.scatter.add.f32 [tilespmem:s18], [sflag:$0x5], $0x80, s17, s17, $0xb8;
	[tilespmem:$0x1C300] =	vst v63  }
0x61: {  	_ =	swait.ge [sflag:s14], $0x4000  }
0x62: {  	s29 =	sadd.s32 $0xFFFFEE40, s7;
	[sflag:s14] =	ssyncset.done $0x0  }
0x63: {  	s28 =	sadd.s32 $0x1200, s29;
	[sflag:s14] =	ssyncadd.s32 $0xFFFFC000  }
0x64: {  	[tilespmem:s3], [sflag:$0x1] =	stream.linear.gather [hbm4b:s28+s3], $0x100, $0x38;
	[tilespmem:$0x1C300] =	vst v63  }
0x65: {  	_ =	swait.ge [sflag:s20], $0x100  }
0x66: {  	[sflag:s20] =	ssyncset.done $0x0  }
0x67: {  	[sflag:s20] =	ssyncadd.s32 $0xFFFFFF00  }
0x68: {  	[tilespmem:s18], [sflag:$0x3] =	stream.indirect.gather [hbm4b:s4+s17], $0x80, s3, s17, $0xb8;
	[tilespmem:$0x1C300] =	vst v63  }
0x69: {  	_ =	swait.ge [sflag:s24], $0x4000  }
0x6a: {  	[sflag:s24] =	ssyncset.done $0x0  }
0x6b: {  	[sflag:s24] =	ssyncadd.s32 $0xFFFFC000  }
0x6c: {  	[spmem:s2] =	stream.indirect.scatter.add.f32 [tilespmem:s23], [sflag:$0x5], $0x80, s25, s17, $0xb8;
	[tilespmem:$0x1C300] =	vst v63  }
0x6d: {  	_ =	swait.ge [sflag:s14], $0x4000  }
0x6e: {  	[sflag:s14] =	ssyncset.done $0x0  }
0x6f: {  	s29 =	sadd.s32 $0x1220, s29;
	s28 =	simm.s32 $0xFFFFEE80;
	[sflag:s14] =	ssyncadd.s32 $0xFFFFC000  }
.LBB2_3:
0x70: {  	[tilespmem:s21], [sflag:$0x2] =	stream.linear.gather [hbm4b:s29+s3], $0x100, $0x38;
	[tilespmem:$0x1C300] =	vst v63  }
0x71: {  	s29 =	smov.u32 s28  }
0x72: {  	p1 =	sne.s32 s28, $0xFFFFFFC0;
	s28 =	sadd.s32 $0x40, s28;
	_ =	swait.ge [sflag:s22], $0x100  }
0x73: {  	[sflag:s22] =	ssyncset.done $0x0  }
0x74: {  	[sflag:s22] =	ssyncadd.s32 $0xFFFFFF00  }
0x75: {  	[tilespmem:s23], [sflag:$0x4] =	stream.indirect.gather [hbm4b:s4+s17], $0x80, s21, s17, $0xb8;
	[tilespmem:$0x1C300] =	vst v63  }
0x76: {  	_ =	swait.ge [sflag:s19], $0x4000  }
0x77: {  	[sflag:s19] =	ssyncset.done $0x0  }
0x78: {  	[sflag:s19] =	ssyncadd.s32 $0xFFFFC000  }
0x79: {  	[spmem:s2] =	stream.indirect.scatter.add.f32 [tilespmem:s18], [sflag:$0x5], $0x80, s17, s17, $0xb8;
	[tilespmem:$0x1C300] =	vst v63  }
0x7a: {  	_ =	swait.ge [sflag:s14], $0x4000  }
0x7b: {  	s29 =	sadd.s32 s29, s7;
	[sflag:s14] =	ssyncset.done $0x0  }
0x7c: {  	s30 =	sadd.s32 $0x1200, s29;
	[sflag:s14] =	ssyncadd.s32 $0xFFFFC000  }
0x7d: {  	[tilespmem:s3], [sflag:$0x1] =	stream.linear.gather [hbm4b:s30+s3], $0x100, $0x38;
	[tilespmem:$0x1C300] =	vst v63  }
0x7e: {  	_ =	swait.ge [sflag:s20], $0x100  }
0x7f: {  	[sflag:s20] =	ssyncset.done $0x0  }
0x80: {  	[sflag:s20] =	ssyncadd.s32 $0xFFFFFF00  }
0x81: {  	[tilespmem:s18], [sflag:$0x3] =	stream.indirect.gather [hbm4b:s4+s17], $0x80, s3, s17, $0xb8;
	[tilespmem:$0x1C300] =	vst v63  }
0x82: {  	_ =	swait.ge [sflag:s24], $0x4000  }
0x83: {  	[sflag:s24] =	ssyncset.done $0x0  }
.Ltmp5:
0x84: {  	[sflag:s24] =	ssyncadd.s32 $0xFFFFC000;
	(pc) =	sbr.rel @p1 .LBB2_3-.Ltmp5, $4  }
0x85: {  	[spmem:s2] =	stream.indirect.scatter.add.f32 [tilespmem:s23], [sflag:$0x5], $0x80, s25, s17, $0xb8;
	[tilespmem:$0x1C300] =	vst v63  }
0x86: {  	_ =	swait.ge [sflag:s14], $0x4000  }
0x87: {  	[sflag:s14] =	ssyncset.done $0x0  }
0x88: {  	s29 =	sadd.s32 $0x1220, s29;
	[sflag:s14] =	ssyncadd.s32 $0xFFFFC000  }
0x89: {  	[tilespmem:s21], [sflag:$0x2] =	stream.linear.gather [hbm4b:s29+s3], $0x100, $0x38;
	[tilespmem:$0x1C300] =	vst v63  }
0x8a: {  	_ =	swait.ge [sflag:s22], $0x100  }
0x8b: {  	[sflag:s22] =	ssyncset.done $0x0  }
0x8c: {  	[sflag:s22] =	ssyncadd.s32 $0xFFFFFF00  }
0x8d: {  	[tilespmem:s23], [sflag:$0x4] =	stream.indirect.gather [hbm4b:s4+s17], $0x80, s21, s17, $0xb8;
	[tilespmem:$0x1C300] =	vst v63  }
0x8e: {  	_ =	swait.ge [sflag:s19], $0x4000  }
0x8f: {  	[sflag:s19] =	ssyncset.done $0x0  }
0x90: {  	[sflag:s19] =	ssyncadd.s32 $0xFFFFC000  }
0x91: {  	[spmem:s2] =	stream.indirect.scatter.add.f32 [tilespmem:s18], [sflag:$0x5], $0x80, s17, s17, $0xb8;
	[tilespmem:$0x1C300] =	vst v63  }
0x92: {  	_ =	swait.ge [sflag:s14], $0x4000  }
0x93: {  	[sflag:s14] =	ssyncset.done $0x0  }
0x94: {  	[sflag:s14] =	ssyncadd.s32 $0xFFFFC000  }
0x95: {  	_ =	swait.ge [sflag:s24], $0x4000  }
0x96: {  	[sflag:s24] =	ssyncset.done $0x0  }
.Ltmp6:
0x97: {  	[sflag:s24] =	ssyncadd.s32 $0xFFFFC000;
	(pc) =	sbr.rel .LBB2_8-.Ltmp6, $4  }
0x98: {  	[spmem:s2] =	stream.indirect.scatter.add.f32 [tilespmem:s23], [sflag:$0x5], $0x80, s25, s17, $0xb8;
	[tilespmem:$0x1C300] =	vst v63  }
0x99: {  	_ =	swait.ge [sflag:s14], $0x4000  }
0x9a: {  	[sflag:s14] =	ssyncset.done $0x0  }
0x9b: {  	[sflag:s14] =	ssyncadd.s32 $0xFFFFC000  }
.LBB2_9:
0x9c: {  	_ =	sfence.sel $0x180000  }
0x9d: {  	[bflag:$0x0] =	sbarrier.arrive $0xFFFF  }
0x9e: {  	_ =	strace $0x9000004D  }
0x9f: {  	[bflag:$0x2] =	sbarrier.arrive $0xFFFF  }
0xa0: {  	p0 =	sne.s32 s1, $0x0;
	s0 =	rddreg [dreg:$0x2]  }
0xa1: {  	s0 =	sadd.s32 @!p0 $0x100000, s0  }
0xa2: {  	[sflag:s0] =	ssyncadd.tile.s32 @!p0 $0x1;
	_ =	shalt  }
.Lfunc_end2:
_tile_overlayer_lowered:
.L_overlay_start_2:
0xa3: {  	(tag) =	ssettag $0x2  }
0xa4: {  	s0 =	rddreg [dreg:$0x0];
	s2 =	stileid.u32  }
0xa5: {  	s1 =	rddreg [dreg:$0x1];
	p0 =	sne.s32 s2, $0x0  }
0xa6: {  	s3 =	rddreg [dreg:$0x2];
	[bflag:$0x3] =	sbarrier.arrive $0xFFFF;
	s2 =	simm.s32 @!p0 $0x1C05  }
0xa7: {  	[timem:s3], [sflag:s2] =	dma.local @!p0 [hbm:s0], s1  }
0xa8: {  	s0 =	simm.s32 @!p0 $0x5  }
0xa9: {  	_ =	swait.ge @!p0 [sflag:s0], s1  }
0xaa: {  	s1 =	ssub.s32 @!p0 $0x0, s1;
	[sflag:s0] =	ssyncset.done @!p0 $0x0  }
0xab: {  	[sflag:s0] =	ssyncadd.s32 @!p0 s1  }
0xac: {  	[bflag:$0x3] =	sbarrier.arrive $0xFFFF  }
0xad: {  	_ =	shalt  }

// kernel: kernel.20.cloned.1.call-start
scs
__scs_entry_jumppad:
0x0: {  	(pc) =	sbr.rel $0x88, $3  }
0x1: {  	(tag) =	ssettag $0x0;
	lr =	simm.s32 $0x1  }
0x2: {  	[smem:$0x3F92] =	sst lr;
	_ =	strace $0xD0000000  }
0x3: {  	_ = 	snop  }
0x4: {  	_ = 	snop  }
0x5: {  	_ = 	snop  }
0x6: {  	_ = 	snop  }
0x7: {  	_ = 	snop  }
__scs_overlays_trampoline_lowered:
0x8: {  	[smem:$0x3FA1] =	sst s0  }
0x9: {  	[smem:$0x3FA2] =	sst s1  }
0xa: {  	[smem:$0x3FA3] =	sst s2  }
0xb: {  	[smem:$0x3FA4] =	sst s3  }
0xc: {  	[smem:$0x3FA5] =	sst s4  }
0xd: {  	[smem:$0x3FA6] =	sst s5  }
0xe: {  	[smem:$0x3FA7] =	sst s6  }
0xf: {  	[smem:$0x3FA8] =	sst s7  }
0x10: {  	[smem:$0x3FA9] =	sst s8  }
0x11: {  	[smem:$0x3FAA] =	sst s9;
	s0 =	simm.s32 @!p0 $0x0  }
0x12: {  	s1 =	sld [smem:$0x3F90];
	s0 =	simm.s32 @p0 $0x1  }
0x13: {  	[smem:$0x3FAB] =	sst s0;
	s0 =	simm.s32 @!p1 $0x0  }
0x14: {  	s2 =	sld [smem:$0x3F8F];
	s0 =	simm.s32 @p1 $0x1  }
0x15: {  	[smem:$0x3FAC] =	sst s0;
	s0 =	simm.s32 @!p2 $0x0  }
0x16: {  	s3 =	sld [smem:$0x3FDB];
	s0 =	simm.s32 @p2 $0x1  }
0x17: {  	s4 =	simm.s32 $0x1BF5;
	[smem:$0x3FAE] =	sst s0  }
0x18: {  	s0 =	sld [smem:$0x3F91];
	_ =	swait.ge [sflag:s4], $0x0  }
0x19: {  	s7 =	sld [smem:$0x3F92]  }
0x1a: {  	s8 =	sadd.s32 $0xFFFFE003, lr  }
0x1b: {  	s9 =	sadd.s32 $0xFFFFFEF7, lr;
	s5 =	simm.s32 $0xFFFFFFFF;
	p2 =	slt.u32 s8, $0xFFFFF086  }
0x1c: {  	p1 =	slt.u32 s9, $0xF7A;
	s5 =	simm.s32 @!p2 $0x0  }
0x1d: {  	s5 =	simm.s32 @p1 $0x1;
	p0 =	seq.s32 s7, s2  }
0x1e: {  	s7 =	smul.u32 @!p0 $0xF7A, s2;
	p2 =	seq.s32 @!p0 s5, $0x0  }
0x1f: {  	s9 =	smul.u32 $0xF7A, s1;
	s8 =	simm.s32 @!p0 $0x1BF5;
	p2 =	por !p2, p0  }
0x20: {  	[sflag:s8] =	ssyncset.s32 @!p0 $0xFFFFF086;
	s6 =	sadd.s32 @!p0 s3, s7;
	s7 =	simm.s32 @!p0 $0x108  }
0x21: {  	s3 =	sadd.s32 s3, s9;
	s6 =	sadd.s32 @!p0 $0x88, s6;
	s7 =	simm.s32 @p2 $0x1082  }
0x22: {  	[simem:s7], [sflag:s8] =	dma.local @!p0 [hbm:s6], $0xF7A  }
0x23: {  	s9 =	sor.u32 $0xD0000000, s2;
	s6 =	simm.s32 $0x108;
	_ =	swait.ge @!p0 [sflag:s8], $0x0  }
0x24: {  	s3 =	sadd.s32 $0x88, s3;
	s6 =	simm.s32 @!p1 $0x1082;
	[sflag:s4] =	ssyncset.s32 $0xFFFFF086  }
0x25: {  	[simem:s6], [sflag:s4] =	dma.local [hbm:s3], $0xF7A  }
0x26: {  	[smem:$0x3F92] =	sst s1;
	(tag) =	ssettag s2;
	_ =	strace s9  }
0x27: {  	s1 =	sld [smem:$0x3FA2]  }
0x28: {  	s2 =	sld [smem:$0x3FA3]  }
0x29: {  	s4 =	sld [smem:$0x3FA5]  }
0x2a: {  	p0 =	seq.s32 s5, $0x0;
	s5 =	sld [smem:$0x3FA6]  }
0x2b: {  	s6 =	sld [smem:$0x3FA7]  }
0x2c: {  	s7 =	sld [smem:$0x3FA8]  }
0x2d: {  	s3 =	simm.s32 $0x108;
	s8 =	sld [smem:$0x3FA9]  }
0x2e: {  	s3 =	simm.s32 @!p0 $0x1082;
	s9 =	sld [smem:$0x3FAA]  }
0x2f: {  	lr =	sadd.s32 s0, s3;
	s0 =	sld [smem:$0x3FA1]  }
0x30: {  	s3 =	sld [smem:$0x3FA4]  }
0x31: {  	[smem:$0x3FAD] =	sst s10  }
0x32: {  	s10 =	sld [smem:$0x3FAB];
	_ =	sdelay $0x3  }
0x33: {  	p0 =	seq.s32 s10, $0x1;
	s10 =	sld [smem:$0x3FAD];
	_ =	sdelay $0x3  }
0x34: {  	[smem:$0x3FAD] =	sst s10  }
0x35: {  	s10 =	sld [smem:$0x3FAC];
	_ =	sdelay $0x3  }
0x36: {  	p1 =	seq.s32 s10, $0x1;
	s10 =	sld [smem:$0x3FAD];
	_ =	sdelay $0x3  }
0x37: {  	[smem:$0x3FAD] =	sst s10  }
0x38: {  	s10 =	sld [smem:$0x3FAE]  }
0x39: {  	_ = 	snop;
	(pc) =	sbr.ind lr, $3  }
0x3a: {  	_ = 	snop  }
0x3b: {  	_ = 	snop  }
0x3c: {  	p2 =	seq.s32 s10, $0x1;
	s10 =	sld [smem:$0x3FAD]  }
0x3d: {  	_ =	shalt  }
0x3e: {  	_ =	shalt  }
0x3f: {  	_ =	shalt  }
0x40: {  	_ =	shalt  }
0x41: {  	_ =	shalt  }
0x42: {  	_ =	shalt  }
0x43: {  	_ =	shalt  }
0x44: {  	_ =	shalt  }
0x45: {  	_ =	shalt  }
0x46: {  	_ =	shalt  }
0x47: {  	_ =	shalt  }
0x48: {  	_ =	shalt  }
0x49: {  	_ =	shalt  }
0x4a: {  	_ =	shalt  }
0x4b: {  	_ =	shalt  }
0x4c: {  	_ =	shalt  }
0x4d: {  	_ =	shalt  }
0x4e: {  	_ =	shalt  }
0x4f: {  	_ =	shalt  }
0x50: {  	_ =	shalt  }
0x51: {  	_ =	shalt  }
0x52: {  	_ =	shalt  }
0x53: {  	_ =	shalt  }
0x54: {  	_ =	shalt  }
0x55: {  	_ =	shalt  }
0x56: {  	_ =	shalt  }
0x57: {  	_ =	shalt  }
0x58: {  	_ =	shalt  }
0x59: {  	_ =	shalt  }
0x5a: {  	_ =	shalt  }
0x5b: {  	_ =	shalt  }
0x5c: {  	_ =	shalt  }
0x5d: {  	_ =	shalt  }
0x5e: {  	_ =	shalt  }
0x5f: {  	_ =	shalt  }
0x60: {  	_ =	shalt  }
0x61: {  	_ =	shalt  }
0x62: {  	_ =	shalt  }
0x63: {  	_ =	shalt  }
0x64: {  	_ =	shalt  }
0x65: {  	_ =	shalt  }
0x66: {  	_ =	shalt  }
0x67: {  	_ =	shalt  }
0x68: {  	_ =	shalt  }
0x69: {  	_ =	shalt  }
0x6a: {  	_ =	shalt  }
0x6b: {  	_ =	shalt  }
0x6c: {  	_ =	shalt  }
0x6d: {  	_ =	shalt  }
0x6e: {  	_ =	shalt  }
0x6f: {  	_ =	shalt  }
0x70: {  	_ =	shalt  }
0x71: {  	_ =	shalt  }
0x72: {  	_ =	shalt  }
0x73: {  	_ =	shalt  }
0x74: {  	_ =	shalt  }
0x75: {  	_ =	shalt  }
0x76: {  	_ =	shalt  }
0x77: {  	_ =	shalt  }
0x78: {  	_ =	shalt  }
0x79: {  	_ =	shalt  }
0x7a: {  	_ =	shalt  }
0x7b: {  	_ =	shalt  }
0x7c: {  	_ =	shalt  }
0x7d: {  	_ =	shalt  }
0x7e: {  	_ =	shalt  }
0x7f: {  	_ =	shalt  }
0x80: {  	_ =	shalt  }
0x81: {  	_ =	shalt  }
0x82: {  	_ =	shalt  }
0x83: {  	_ =	shalt  }
0x84: {  	_ =	shalt  }
0x85: {  	_ =	shalt  }
0x86: {  	_ =	shalt  }
0x87: {  	_ =	shalt  }
.Lfunc_end0:
.L_simem_size_0:
called_computation.3_lowered:
.L_overlay_start_0:
0x88: {  	s2 =	sld [smem:$0x3FD9]  }
0x89: {  	s3 =	sld [smem:$0x3FFE];
	_ =	sdelay $0x1  }
0x8a: {  	s1 =	srdreg.scid  }
0x8b: {  	s0 =	sand.u32 $0x1, s1  }
0x8c: {  	s16 =	sshll.u32 s0, $0xA;
	s2 =	sadd.s32 s3, s2  }
0x8d: {  	s2 =	sadd.s32 s2, s16  }
0x8e: {  	[smem:$0x3FB9] =	sst s2  }
0x8f: {  	_ = 	snop  }
0x90: {  	(tm) =	ssettm $0x1  }
0x91: {  	s17 =	sld [smem:$0x3FFB];
	_ =	sdelay $0x3  }
0x92: {  	_ =	strace s17  }
0x93: {  	s2 =	sld [smem:$0x3FFC];
	_ =	sdelay $0x3  }
0x94: {  	_ =	strace s2  }
0x95: {  	s2 =	sld [smem:$0x3FFD];
	_ =	sdelay $0x3  }
0x96: {  	_ =	strace s2  }
0x97: {  	_ =	strace $0x8FFFFFFF  }
0x98: {  	s18 =	sld [smem:$0x3FDB];
	_ =	sdelay $0x1  }
0x99: {  	s19 =	simm.s32 $_scs_section_size  }
0x9a: {  	s4 =	simm.s32 $_size__tile_overlayer_lowered;
	s5 =	simm.s32 $_tile_overlayer_lowered  }
0x9b: {  	s22 =	simm.s32 $0x1BFF;
	s21 =	sshll.u32 s5, $0x1;
	s2 =	sadd.s32 s19, s18  }
0x9c: {  	s6 =	simm.s32 $0x0;
	s20 =	sshll.u32 s4, $0x1;
	s4 =	sadd.s32 s21, s2  }
0x9d: {  	[timem:s6], [sflag:s22] =	dma.local [hbm:s4], s20  }
0x9e: {  	_ =	swait.ge [sflag:s22], s20  }
0x9f: {  	s3 =	ssub.s32 $0x0, s20;
	[sflag:s22] =	ssyncset.done $0x0  }
0xa0: {  	[sflag:s22] =	ssyncadd.s32 s3;
	_ =	sdelay $0x1  }
0xa1: {  	s23 =	simm.s32 $0x1B8B  }
0xa2: {  	_ =	swait.ge [sflag:s23], $0x1  }
0xa3: {  	[sflag:s23] =	ssyncset.done $0x0  }
0xa4: {  	s25 =	simm.s32 $0x1B8E;
	s24 =	sld [smem:$0x3FFE];
	[sflag:s23] =	ssyncadd.s32 $0xFFFFFFFF  }
0xa5: {  	s26 =	simm.s32 $execute0_lowered;
	[smem:$0x3FD2] =	sst s25  }
0xa6: {  	s4 =	sshll.u32 s26, $0x1;
	_ =	strace $0x8000004F;
	[dreg:$0x1] =	wrdreg $0xFFFFFFFF  }
0xa7: {  	s28 =	simm.s32 $_size_execute0_lowered;
	s2 =	sadd.s32 s2, s4;
	[dreg:$0x0] =	wrdreg $0x0  }
0xa8: {  	s4 =	sshll.u32 s28, $0x1;
	[dreg:$0x2] =	wrdreg s2  }
0xa9: {  	[dreg:$0x3] =	wrdreg s4  }
0xaa: {  	[dreg:$0x4] =	wrdreg $0xC0  }
0xab: {  	_ =	task [dreg:s6], $0x5FFFF  }
0xac: {  	[dreg:$0x1] =	wrdreg $0xFFFFFFFF  }
0xad: {  	[dreg:$0x0] =	wrdreg $0x60  }
0xae: {  	[dreg:$0x2] =	wrdreg s24  }
0xaf: {  	[dreg:$0x3] =	wrdreg $0x83000  }
0xb0: {  	[dreg:$0x4] =	wrdreg $0x9  }
0xb1: {  	_ =	task.clear_ibuf [dreg:s6], $0x5FFFF;
	_ =	strace $0x9000004F  }
0xb2: {  	s29 =	simm.s32 $0x9;
	_ =	strace $0x80000051  }
0xb3: {  	_ =	swait.ge [sflag:s29], $0x1  }
0xb4: {  	[sflag:s29] =	ssyncadd.s32 $0xFFFFFFFF  }
0xb5: {  	_ =	strace $0x90000051  }
0xb6: {  	_ =	sfence  }
0xb7: {  	s30 =	sld [smem:$0x0];
	_ =	sdelay $0x2  }
0xb8: {  	s31 =	sshll.u32 s1, $0xD;
	s1 =	sshrl.u32 s1, $0x2  }
0xb9: {  	s3 =	sand.u32 $0x4000, s31;
	s1 =	sadd.s32 s1, s30  }
0xba: {  	s0 =	sor.u32 s3, s0;
	s1 =	sshll.u32 s1, $0x11  }
0xbb: {  	s0 =	sor.u32 s1, s0  }
0xbc: {  	s0 =	sadd.s32 $0x8F2B, s0  }
0xbd: {  	[sflag:s0] =	ssyncadd.remote.s32 $0x1  }
0xbe: {  	_ =	sfence.sel $0xFFFF  }
0xbf: {  	[dreg:$0x0] =	wrdreg $0xFFFFFFFF;
	(pc) =	sbr.abs _section_cstart, $3  }
0xc0: {  	[dreg:$0x1] =	wrdreg $0xFFFFFFFF  }
0xc1: {  	_ =	task.clear_ibuf [dreg:s6], $0x2FFFF;
	_ =	strace $0x9FFFFFFF  }
0xc2: {  	(tm) =	ssettm $0x7FFFFFFF  }
0xc3: {  	_ =	shalt  }
tec
execute0_lowered:
.L_overlay_start_1:
0x0: {  	(tag) =	ssettag $0x1  }
0x1: {  	s6 =	rddreg [dreg:$0x0]  }
0x2: {  	s2 =	rddreg [dreg:$0x1];
	s1 =	stileid.u32  }
0x3: {  	s3 =	simm.s32 $0x0;
	s4 =	srdreg.scid;
	s16 =	simm.s32 $0x280  }
0x4: {  	s17 =	simm.s32 $0x80;
	s18 =	simm.s32 $0x300;
	s19 =	simm.s32 $0x3  }
0x5: {  	s20 =	simm.s32 $0x1;
	s21 =	simm.s32 $0x100;
	s22 =	simm.s32 $0x2  }
0x6: {  	s23 =	simm.s32 $0x4300;
	s24 =	simm.s32 $0x4;
	s25 =	simm.s32 $0x180  }
0x7: {  	s26 =	simm.s32 $0x0;
	s5 =	smul.u32 $0x1200, s1;
	[smem:$0x7FF] =	sst s3  }
0x8: {  	s7 =	sand.u32 $0x1, s4;
	s8 =	smul.u32 $0x2800, s1;
	s4 =	sadd.s32 $0x30A00, s6  }
0x9: {  	s28 =	sshll.u32 s1, $0x8;
	s29 =	smul.u32 $0x50000, s1;
	s13 =	sshll.u32 s1, $0x6  }
0xa: {  	_ =	strace $0x80000050;
	s9 =	smul.u32 $0x28000, s7;
	s12 =	sadd.s32 s28, s6  }
0xb: {  	s30 =	ssub.s32 $0x2, s7;
	p0 =	seq.s32 s7, $0x1;
	s10 =	sadd.s32 s5, s6  }
0xc: {  	s5 =	sadd.s32 $0x2E200, s6;
	s31 =	sshrl.u32 s30, $0x1;
	s8 =	sadd.s32 s8, s9  }
.Ltmp0:
0xd: {  	s9 =	sshrl.u32 s29, $0x2;
	s14 =	ssub.s32 s30, s31;
	(pc) =	sbr.rel .LBB2_1-.Ltmp0, $4  }
0xe: {  	s7 =	sadd.s32 $0x1A200, s10;
	s11 =	sadd.s32 s8, s6;
	s15 =	sadd.s32 s9, s2  }
0xf: {  	s6 =	sor.u32 $0x1C05, s13;
	s8 =	sadd.s32 $0x1A220, s10;
	s10 =	smax.u32 s14, $0x1  }
0x10: {  	s14 =	simm.s32 $0x5;
	s9 =	sadd.s32 $0x7EE00, s11;
	s11 =	sadd.s32 $0xF200, s12  }
0x11: {  	s12 =	sadd.s32 $0x19200, s12;
	s13 =	sshrl.u32 s15, $0x3;
	s15 =	simm.s32 $0x200  }
.LBB2_7:
0x12: {  	s0 =	sadd.s32 s28, s11;
	[sflag:s14] =	ssyncadd.s32 $0xFFFFC000  }
0x13: {  	[tilespmem:s15], [sflag:$0x5] =	stream.linear.gather [hbm4b:s0+s3], $0x80, $0x38;
	[tilespmem:$0x1C300] =	vst v63  }
0x14: {  	_ =	swait.ge [sflag:s14], $0x80  }
0x15: {  	[sflag:s14] =	ssyncset.done $0x0  }
0x16: {  	s31 =	sadd.s32 s28, s12;
	[sflag:s14] =	ssyncadd.s32 $0xFFFFFF80  }
0x17: {  	[tilespmem:s16], [sflag:$0x5] =	stream.linear.gather [hbm4b:s31+s3], $0x80, $0x38;
	[tilespmem:$0x1C300] =	vst v63  }
0x18: {  	_ =	swait.ge [sflag:s14], $0x80  }
0x19: {  	[sflag:s14] =	ssyncset.done $0x0  }
0x1a: {  	[sflag:s14] =	ssyncadd.s32 $0xFFFFFF80  }
0x1b: {  	[tilespmem:s18], [sflag:$0x3] =	stream.indirect.gather [hbm4b:s4+s17], $0x80, s15, s17, $0xb8;
	[tilespmem:$0x1C300] =	vst v63  }
0x1c: {  	_ =	swait.ge [sflag:s19], $0x4000  }
0x1d: {  	[sflag:s19] =	ssyncset.done $0x0  }
0x1e: {  	[sflag:s19] =	ssyncadd.s32 $0xFFFFC000  }
0x1f: {  	[spmem:s2] =	stream.indirect.scatter.add.f32 [tilespmem:s18], [sflag:$0x5], $0x80, s16, s17, $0xb8;
	[tilespmem:$0x1C300] =	vst v63  }
0x20: {  	_ =	swait.ge [sflag:s14], $0x4000  }
0x21: {  	[sflag:s14] =	ssyncset.done $0x0  }
0x22: {  	[sflag:s14] =	ssyncadd.s32 $0xFFFFC000  }
.LBB2_8:
0x23: {  	s26 =	sadd.s32 $0x1, s26  }
0x24: {  	p1 =	sne.s32 s26, s10  }
.Ltmp1:
0x25: {  	[bflag:$0x0] =	sbarrier.arrive $0xFFFF;
	(pc) =	sbr.rel @!p1 .LBB2_9-.Ltmp1, $4  }
0x26: {  	[hbm:s9], [sflag:s6] =	dma.local [spmem:s13], $0x2800  }
0x27: {  	_ =	swait.ge [sflag:s14], $0x2800  }
0x28: {  	[sflag:s14] =	ssyncset.done $0x0  }
0x29: {  	[sflag:s14] =	ssyncadd.s32 $0xFFFFD800  }
.LBB2_1:
0x2a: {  	[spmem:s13], [sflag:s6] =	dma.local [hbm:s5], $0x2800  }
.Ltmp2:
0x2b: {  	_ =	swait.ge [sflag:s14], $0x2800;
	(pc) =	sbr.rel @!p0 .LBB2_2-.Ltmp2, $3  }
0x2c: {  	[sflag:s14] =	ssyncset.done $0x0  }
0x2d: {  	[sflag:s14] =	ssyncadd.s32 $0xFFFFD800  }
0x2e: {  	[bflag:$0x0] =	sbarrier.arrive $0xFFFF;
	_ =	sdelay $0x1  }
0x2f: {  	s28 =	sadd.s32 $0x0, s11  }
0x30: {  	[tilespmem:s15], [sflag:$0x5] =	stream.linear.gather [hbm4b:s28+s3], $0x80, $0x38;
	[tilespmem:$0x1C300] =	vst v63  }
0x31: {  	_ =	swait.ge [sflag:s14], $0x80  }
0x32: {  	[sflag:s14] =	ssyncset.done $0x0  }
0x33: {  	s28 =	sadd.s32 $0x0, s12;
	[sflag:s14] =	ssyncadd.s32 $0xFFFFFF80  }
0x34: {  	[tilespmem:s16], [sflag:$0x5] =	stream.linear.gather [hbm4b:s28+s3], $0x80, $0x38;
	[tilespmem:$0x1C300] =	vst v63  }
0x35: {  	_ =	swait.ge [sflag:s14], $0x80  }
0x36: {  	[sflag:s14] =	ssyncset.done $0x0  }
0x37: {  	[sflag:s14] =	ssyncadd.s32 $0xFFFFFF80  }
0x38: {  	[tilespmem:s18], [sflag:$0x3] =	stream.indirect.gather [hbm4b:s4+s17], $0x80, s15, s17, $0xb8;
	[tilespmem:$0x1C300] =	vst v63  }
0x39: {  	_ =	swait.ge [sflag:s19], $0x4000  }
0x3a: {  	[sflag:s19] =	ssyncset.done $0x0  }
0x3b: {  	[sflag:s19] =	ssyncadd.s32 $0xFFFFC000  }
0x3c: {  	[spmem:s2] =	stream.indirect.scatter.add.f32 [tilespmem:s18], [sflag:$0x5], $0x80, s16, s17, $0xb8;
	[tilespmem:$0x1C300] =	vst v63  }
0x3d: {  	_ =	swait.ge [sflag:s14], $0x4000  }
0x3e: {  	s29 =	simm.s32 $0x20;
	s28 =	simm.s32 $0x10;
	[sflag:s14] =	ssyncset.done $0x0  }
.LBB2_6:
0x3f: {  	s30 =	sadd.s32 s28, s11  }
0x40: {  	[sflag:s14] =	ssyncadd.s32 $0xFFFFC000;
	s31 =	smov.u32 s29;
	s0 =	sadd.s32 $0x10, s29  }
0x41: {  	[tilespmem:s15], [sflag:$0x5] =	stream.linear.gather [hbm4b:s30+s3], $0x80, $0x38;
	[tilespmem:$0x1C300] =	vst v63  }
0x42: {  	p1 =	sne.s32 s29, $0xF0;
	_ =	swait.ge [sflag:s14], $0x80  }
0x43: {  	[sflag:s14] =	ssyncset.done $0x0  }
0x44: {  	s29 =	sadd.s32 s28, s12;
	s28 =	smov.u32 s31;
	[sflag:s14] =	ssyncadd.s32 $0xFFFFFF80  }
0x45: {  	[tilespmem:s16], [sflag:$0x5] =	stream.linear.gather [hbm4b:s29+s3], $0x80, $0x38;
	[tilespmem:$0x1C300] =	vst v63  }
0x46: {  	_ =	swait.ge [sflag:s14], $0x80  }
0x47: {  	[sflag:s14] =	ssyncset.done $0x0  }
0x48: {  	[sflag:s14] =	ssyncadd.s32 $0xFFFFFF80  }
0x49: {  	[tilespmem:s18], [sflag:$0x3] =	stream.indirect.gather [hbm4b:s4+s17], $0x80, s15, s17, $0xb8;
	[tilespmem:$0x1C300] =	vst v63  }
0x4a: {  	_ =	swait.ge [sflag:s19], $0x4000  }
.Ltmp3:
0x4b: {  	[sflag:s19] =	ssyncset.done $0x0;
	(pc) =	sbr.rel @p1 .LBB2_6-.Ltmp3, $4  }
0x4c: {  	[sflag:s19] =	ssyncadd.s32 $0xFFFFC000  }
0x4d: {  	[spmem:s2] =	stream.indirect.scatter.add.f32 [tilespmem:s18], [sflag:$0x5], $0x80, s16, s17, $0xb8;
	[tilespmem:$0x1C300] =	vst v63  }
0x4e: {  	_ =	swait.ge [sflag:s14], $0x4000  }
0x4f: {  	s29 =	smov.u32 s0;
	[sflag:s14] =	ssyncset.done $0x0  }
.Ltmp4:
0x50: {  	_ = 	snop;
	(pc) =	sbr.rel .LBB2_7-.Ltmp4, $1  }
0x51: {  	_ =	sdelay $0x3  }
.LBB2_2:
0x52: {  	[tilespmem:s3], [sflag:$0x1] =	stream.linear.gather [hbm4b:s7+s3], $0x100, $0x38;
	[tilespmem:$0x1C300] =	vst v63  }
0x53: {  	_ =	swait.ge [sflag:s20], $0x100  }
0x54: {  	[sflag:s20] =	ssyncset.done $0x0  }
0x55: {  	[sflag:s20] =	ssyncadd.s32 $0xFFFFFF00  }
0x56: {  	[tilespmem:s21], [sflag:$0x2] =	stream.linear.gather [hbm4b:s8+s3], $0x100, $0x38;
	[tilespmem:$0x1C300] =	vst v63  }
0x57: {  	_ = 	snop  }
0x58: {  	[tilespmem:s18], [sflag:$0x3] =	stream.indirect.gather [hbm4b:s4+s17], $0x80, s3, s17, $0xb8;
	[tilespmem:$0x1C300] =	vst v63  }
0x59: {  	_ =	swait.ge [sflag:s22], $0x100  }
0x5a: {  	[sflag:s22] =	ssyncset.done $0x0  }
0x5b: {  	[sflag:s22] =	ssyncadd.s32 $0xFFFFFF00  }
0x5c: {  	[tilespmem:s23], [sflag:$0x4] =	stream.indirect.gather [hbm4b:s4+s17], $0x80, s21, s17, $0xb8;
	[tilespmem:$0x1C300] =	vst v63  }
0x5d: {  	_ =	swait.ge [sflag:s19], $0x4000  }
0x5e: {  	[sflag:s19] =	ssyncset.done $0x0  }
0x5f: {  	[sflag:s19] =	ssyncadd.s32 $0xFFFFC000  }
0x60: {  	[spmem:s2] =	stream.indirect.scatter.add.f32 [tilespmem:s18], [sflag:$0x5], $0x80, s17, s17, $0xb8;
	[tilespmem:$0x1C300] =	vst v63  }
0x61: {  	_ =	swait.ge [sflag:s14], $0x4000  }
0x62: {  	s29 =	sadd.s32 $0xFFFFEE40, s7;
	[sflag:s14] =	ssyncset.done $0x0  }
0x63: {  	s28 =	sadd.s32 $0x1200, s29;
	[sflag:s14] =	ssyncadd.s32 $0xFFFFC000  }
0x64: {  	[tilespmem:s3], [sflag:$0x1] =	stream.linear.gather [hbm4b:s28+s3], $0x100, $0x38;
	[tilespmem:$0x1C300] =	vst v63  }
0x65: {  	_ =	swait.ge [sflag:s20], $0x100  }
0x66: {  	[sflag:s20] =	ssyncset.done $0x0  }
0x67: {  	[sflag:s20] =	ssyncadd.s32 $0xFFFFFF00  }
0x68: {  	[tilespmem:s18], [sflag:$0x3] =	stream.indirect.gather [hbm4b:s4+s17], $0x80, s3, s17, $0xb8;
	[tilespmem:$0x1C300] =	vst v63  }
0x69: {  	_ =	swait.ge [sflag:s24], $0x4000  }
0x6a: {  	[sflag:s24] =	ssyncset.done $0x0  }
0x6b: {  	[sflag:s24] =	ssyncadd.s32 $0xFFFFC000  }
0x6c: {  	[spmem:s2] =	stream.indirect.scatter.add.f32 [tilespmem:s23], [sflag:$0x5], $0x80, s25, s17, $0xb8;
	[tilespmem:$0x1C300] =	vst v63  }
0x6d: {  	_ =	swait.ge [sflag:s14], $0x4000  }
0x6e: {  	[sflag:s14] =	ssyncset.done $0x0  }
0x6f: {  	s29 =	sadd.s32 $0x1220, s29;
	s28 =	simm.s32 $0xFFFFEE80;
	[sflag:s14] =	ssyncadd.s32 $0xFFFFC000  }
.LBB2_3:
0x70: {  	[tilespmem:s21], [sflag:$0x2] =	stream.linear.gather [hbm4b:s29+s3], $0x100, $0x38;
	[tilespmem:$0x1C300] =	vst v63  }
0x71: {  	s29 =	smov.u32 s28  }
0x72: {  	p1 =	sne.s32 s28, $0xFFFFFFC0;
	s28 =	sadd.s32 $0x40, s28;
	_ =	swait.ge [sflag:s22], $0x100  }
0x73: {  	[sflag:s22] =	ssyncset.done $0x0  }
0x74: {  	[sflag:s22] =	ssyncadd.s32 $0xFFFFFF00  }
0x75: {  	[tilespmem:s23], [sflag:$0x4] =	stream.indirect.gather [hbm4b:s4+s17], $0x80, s21, s17, $0xb8;
	[tilespmem:$0x1C300] =	vst v63  }
0x76: {  	_ =	swait.ge [sflag:s19], $0x4000  }
0x77: {  	[sflag:s19] =	ssyncset.done $0x0  }
0x78: {  	[sflag:s19] =	ssyncadd.s32 $0xFFFFC000  }
0x79: {  	[spmem:s2] =	stream.indirect.scatter.add.f32 [tilespmem:s18], [sflag:$0x5], $0x80, s17, s17, $0xb8;
	[tilespmem:$0x1C300] =	vst v63  }
0x7a: {  	_ =	swait.ge [sflag:s14], $0x4000  }
0x7b: {  	s29 =	sadd.s32 s29, s7;
	[sflag:s14] =	ssyncset.done $0x0  }
0x7c: {  	s30 =	sadd.s32 $0x1200, s29;
	[sflag:s14] =	ssyncadd.s32 $0xFFFFC000  }
0x7d: {  	[tilespmem:s3], [sflag:$0x1] =	stream.linear.gather [hbm4b:s30+s3], $0x100, $0x38;
	[tilespmem:$0x1C300] =	vst v63  }
0x7e: {  	_ =	swait.ge [sflag:s20], $0x100  }
0x7f: {  	[sflag:s20] =	ssyncset.done $0x0  }
0x80: {  	[sflag:s20] =	ssyncadd.s32 $0xFFFFFF00  }
0x81: {  	[tilespmem:s18], [sflag:$0x3] =	stream.indirect.gather [hbm4b:s4+s17], $0x80, s3, s17, $0xb8;
	[tilespmem:$0x1C300] =	vst v63  }
0x82: {  	_ =	swait.ge [sflag:s24], $0x4000  }
0x83: {  	[sflag:s24] =	ssyncset.done $0x0  }
.Ltmp5:
0x84: {  	[sflag:s24] =	ssyncadd.s32 $0xFFFFC000;
	(pc) =	sbr.rel @p1 .LBB2_3-.Ltmp5, $4  }
0x85: {  	[spmem:s2] =	stream.indirect.scatter.add.f32 [tilespmem:s23], [sflag:$0x5], $0x80, s25, s17, $0xb8;
	[tilespmem:$0x1C300] =	vst v63  }
0x86: {  	_ =	swait.ge [sflag:s14], $0x4000  }
0x87: {  	[sflag:s14] =	ssyncset.done $0x0  }
0x88: {  	s29 =	sadd.s32 $0x1220, s29;
	[sflag:s14] =	ssyncadd.s32 $0xFFFFC000  }
0x89: {  	[tilespmem:s21], [sflag:$0x2] =	stream.linear.gather [hbm4b:s29+s3], $0x100, $0x38;
	[tilespmem:$0x1C300] =	vst v63  }
0x8a: {  	_ =	swait.ge [sflag:s22], $0x100  }
0x8b: {  	[sflag:s22] =	ssyncset.done $0x0  }
0x8c: {  	[sflag:s22] =	ssyncadd.s32 $0xFFFFFF00  }
0x8d: {  	[tilespmem:s23], [sflag:$0x4] =	stream.indirect.gather [hbm4b:s4+s17], $0x80, s21, s17, $0xb8;
	[tilespmem:$0x1C300] =	vst v63  }
0x8e: {  	_ =	swait.ge [sflag:s19], $0x4000  }
0x8f: {  	[sflag:s19] =	ssyncset.done $0x0  }
0x90: {  	[sflag:s19] =	ssyncadd.s32 $0xFFFFC000  }
0x91: {  	[spmem:s2] =	stream.indirect.scatter.add.f32 [tilespmem:s18], [sflag:$0x5], $0x80, s17, s17, $0xb8;
	[tilespmem:$0x1C300] =	vst v63  }
0x92: {  	_ =	swait.ge [sflag:s14], $0x4000  }
0x93: {  	[sflag:s14] =	ssyncset.done $0x0  }
0x94: {  	[sflag:s14] =	ssyncadd.s32 $0xFFFFC000  }
0x95: {  	_ =	swait.ge [sflag:s24], $0x4000  }
0x96: {  	[sflag:s24] =	ssyncset.done $0x0  }
.Ltmp6:
0x97: {  	[sflag:s24] =	ssyncadd.s32 $0xFFFFC000;
	(pc) =	sbr.rel .LBB2_8-.Ltmp6, $4  }
0x98: {  	[spmem:s2] =	stream.indirect.scatter.add.f32 [tilespmem:s23], [sflag:$0x5], $0x80, s25, s17, $0xb8;
	[tilespmem:$0x1C300] =	vst v63  }
0x99: {  	_ =	swait.ge [sflag:s14], $0x4000  }
0x9a: {  	[sflag:s14] =	ssyncset.done $0x0  }
0x9b: {  	[sflag:s14] =	ssyncadd.s32 $0xFFFFC000  }
.LBB2_9:
0x9c: {  	_ =	sfence.sel $0x180000  }
0x9d: {  	[bflag:$0x0] =	sbarrier.arrive $0xFFFF  }
0x9e: {  	_ =	strace $0x90000050  }
0x9f: {  	[bflag:$0x2] =	sbarrier.arrive $0xFFFF  }
0xa0: {  	p0 =	sne.s32 s1, $0x0;
	s0 =	rddreg [dreg:$0x2]  }
0xa1: {  	s0 =	sadd.s32 @!p0 $0x100000, s0  }
0xa2: {  	[sflag:s0] =	ssyncadd.tile.s32 @!p0 $0x1;
	_ =	shalt  }
.Lfunc_end2:
_tile_overlayer_lowered:
.L_overlay_start_2:
0xa3: {  	(tag) =	ssettag $0x2  }
0xa4: {  	s0 =	rddreg [dreg:$0x0];
	s2 =	stileid.u32  }
0xa5: {  	s1 =	rddreg [dreg:$0x1];
	p0 =	sne.s32 s2, $0x0  }
0xa6: {  	s3 =	rddreg [dreg:$0x2];
	[bflag:$0x3] =	sbarrier.arrive $0xFFFF;
	s2 =	simm.s32 @!p0 $0x1C05  }
0xa7: {  	[timem:s3], [sflag:s2] =	dma.local @!p0 [hbm:s0], s1  }
0xa8: {  	s0 =	simm.s32 @!p0 $0x5  }
0xa9: {  	_ =	swait.ge @!p0 [sflag:s0], s1  }
0xaa: {  	s1 =	ssub.s32 @!p0 $0x0, s1;
	[sflag:s0] =	ssyncset.done @!p0 $0x0  }
0xab: {  	[sflag:s0] =	ssyncadd.s32 @!p0 s1  }
0xac: {  	[bflag:$0x3] =	sbarrier.arrive $0xFFFF  }
0xad: {  	_ =	shalt  }

</sc_bundles>
